<compile_context>
chip_gen: v7x
topology: tpu7x:2x2x1
jax: 0.10.2.dev20260603
libtpu: 0.0.44.dev20260713+nightly
codegen_flags: <defaults>
</compile_context>

<pallas_src>
import functools

import jax
import jax.numpy as jnp
from jax import lax
from jax.experimental import pallas as pl
from jax.experimental.pallas import tpu as pltpu
from jax.experimental.pallas import tpu_sc as plsc

N_NODES = 10000
N_EDGES = 320000
IN_DIM = 128
HID_DIM = 64
OUT_DIM = 32

NC = 2
NS = 16
NW = NC * NS
K = 128
TOT_CHUNKS = N_EDGES // K
BASE_CHUNKS = TOT_CHUNKS // NW
XTRA = TOT_CHUNKS - BASE_CHUNKS * NW
NPAIRS = BASE_CHUNKS // 2
EPW = BASE_CHUNKS * K
RPT = N_NODES // NS

_MESH = plsc.VectorSubcoreMesh(core_axis_name="c", subcore_axis_name="s")
_SC_PARAMS = pltpu.CompilerParams(use_tc_tiling_on_sc=False)


NBUF = 6
NGRP = BASE_CHUNKS // NBUF


def _make_deg_kernel():
    @functools.partial(
        pl.kernel,
        out_type=jax.ShapeDtypeStruct((N_NODES, 128), jnp.float32),
        mesh=_MESH,
        scratch_types=[
            pltpu.VMEM((EPW + K,), jnp.int32),
            pltpu.VMEM((K, 16), jnp.float32),
            pltpu.VMEM_SHARED((N_NODES, 16), jnp.float32),
            [pltpu.SemaphoreType.DMA] * NBUF,
        ],
        compiler_params=_SC_PARAMS,
    )
    def deg_kernel(e_hbm, ones_hbm, z_hbm, out_hbm, dst_v, ones_v, acc, ss):
        cid = lax.axis_index("c")
        sid = lax.axis_index("s")
        wid = cid * NS + sid
        pltpu.sync_copy(e_hbm.at[1, pl.ds(wid * EPW, EPW)],
                        dst_v.at[pl.ds(0, EPW)])
        pltpu.sync_copy(ones_hbm, ones_v)
        pltpu.sync_copy(z_hbm, acc.at[pl.ds(sid * RPT, RPT)])

        @pl.when(wid < XTRA)
        def _():
            pltpu.sync_copy(e_hbm.at[1, pl.ds(NW * EPW + wid * K, K)],
                            dst_v.at[pl.ds(EPW, K)])

        plsc.subcore_barrier()

        def scat(c, k):
            pltpu.async_copy(ones_v, acc.at[dst_v.at[pl.ds(c, K)]], ss[k],
                             add=True)

        def wait_scat(c, k):
            pltpu.make_async_copy(
                ones_v, acc.at[dst_v.at[pl.ds(c, K)]], ss[k]).wait()

        for k in range(NBUF):
            scat(k * K, k)

        @pl.loop(0, NGRP - 1)
        def _(i):
            q = i * (NBUF * K)
            for k in range(NBUF):
                wait_scat(q + k * K, k)
                scat(q + (NBUF + k) * K, k)

        base = (NGRP - 1) * NBUF * K
        for k in range(NBUF):
            wait_scat(base + k * K, k)

        @pl.when(wid < XTRA)
        def _():
            pltpu.sync_copy(ones_v, acc.at[dst_v.at[pl.ds(EPW, K)]], add=True)

        plsc.subcore_barrier()
        pltpu.sync_copy(acc.at[pl.ds(sid * RPT, RPT)],
                        out_hbm.at[pl.ds(sid * RPT, RPT), pl.ds(cid * 16, 16)])

    return deg_kernel


def _make_scatter_kernel(width):
    @functools.partial(
        pl.kernel,
        out_type=jax.ShapeDtypeStruct((N_NODES, 128), jnp.float32),
        mesh=_MESH,
        scratch_types=[
            pltpu.VMEM((EPW + K,), jnp.int32),
            pltpu.VMEM((EPW + K,), jnp.int32),
            [pltpu.VMEM((K, width), jnp.float32)] * NBUF,
            pltpu.VMEM_SHARED((N_NODES, width), jnp.float32),
            [pltpu.SemaphoreType.DMA] * NBUF,
            [pltpu.SemaphoreType.DMA] * NBUF,
        ],
        compiler_params=_SC_PARAMS,
    )
    def scat_kernel(y_hbm, e_hbm, z_hbm, out_hbm,
                    src_v, dst_v, bufs, acc, gs, ss):
        cid = lax.axis_index("c")
        sid = lax.axis_index("s")
        wid = cid * NS + sid
        pltpu.sync_copy(e_hbm.at[0, pl.ds(wid * EPW, EPW)],
                        src_v.at[pl.ds(0, EPW)])
        pltpu.sync_copy(e_hbm.at[1, pl.ds(wid * EPW, EPW)],
                        dst_v.at[pl.ds(0, EPW)])
        pltpu.sync_copy(z_hbm, acc.at[pl.ds(sid * RPT, RPT)])

        @pl.when(wid < XTRA)
        def _():
            pltpu.sync_copy(e_hbm.at[0, pl.ds(NW * EPW + wid * K, K)],
                            src_v.at[pl.ds(EPW, K)])
            pltpu.sync_copy(e_hbm.at[1, pl.ds(NW * EPW + wid * K, K)],
                            dst_v.at[pl.ds(EPW, K)])

        plsc.subcore_barrier()

        def gather(c, k):
            pltpu.async_copy(y_hbm.at[src_v.at[pl.ds(c, K)]], bufs[k], gs[k])

        def wait_gather(c, k):
            pltpu.make_async_copy(
                y_hbm.at[src_v.at[pl.ds(c, K)]], bufs[k], gs[k]).wait()

        def scatter(c, k):
            pltpu.async_copy(bufs[k], acc.at[dst_v.at[pl.ds(c, K)]], ss[k],
                             add=True)

        def wait_scatter(c, k):
            pltpu.make_async_copy(
                bufs[k], acc.at[dst_v.at[pl.ds(c, K)]], ss[k]).wait()

        for k in range(NBUF):
            gather(k * K, k)

        @pl.loop(0, NGRP)
        def _(i):
            q = i * (NBUF * K)
            for k in range(NBUF):
                wait_gather(q + k * K, k)
                scatter(q + k * K, k)
            for k in range(NBUF):
                nxt = q + (NBUF + k) * K

                @pl.when(nxt < BASE_CHUNKS * K)
                def _(k=k, q=q, nxt=nxt):
                    wait_scatter(q + k * K, k)
                    gather(nxt, k)

        base = NGRP * NBUF * K
        for k in range(NBUF):
            wait_scatter(base - (NBUF - k) * K, k)

        @pl.when(wid < XTRA)
        def _():
            pltpu.async_copy(y_hbm.at[src_v.at[pl.ds(EPW, K)]],
                             bufs[0], gs[0]).wait()
            pltpu.async_copy(bufs[0], acc.at[dst_v.at[pl.ds(EPW, K)]], ss[0],
                             add=True).wait()

        plsc.subcore_barrier()
        pltpu.sync_copy(
            acc.at[pl.ds(sid * RPT, RPT)],
            out_hbm.at[pl.ds(sid * RPT, RPT), pl.ds(cid * width, width)])

    return scat_kernel


_deg_kernel = _make_deg_kernel()
_scat64 = _make_scatter_kernel(HID_DIM)
_scat32 = _make_scatter_kernel(OUT_DIM)

_BM = 2000


def _tc1_body(x_ref, w1_ref, deg_ref, y_ref, p_ref):
    deg = deg_ref[:, 0:1] + deg_ref[:, 16:17] + 1.0
    dinv = lax.rsqrt(deg)
    xw = jnp.dot(x_ref[...], w1_ref[...], preferred_element_type=jnp.float32)
    y_ref[...] = xw * dinv
    p_ref[...] = jnp.concatenate(
        [xw, jnp.broadcast_to(dinv, (_BM, IN_DIM - HID_DIM))], axis=1)


def _tc2_body(p_ref, s1_ref, b1_ref, w2_ref, y2_ref, q_ref):
    xw1 = p_ref[:, 0:HID_DIM]
    dinv = p_ref[:, HID_DIM:HID_DIM + 1]
    ssum = s1_ref[:, 0:HID_DIM] + s1_ref[:, HID_DIM:2 * HID_DIM]
    h = dinv * ssum + (dinv * dinv) * xw1
    h = jnp.maximum(h + b1_ref[0:1, :], 0.0)
    xw2 = jnp.dot(h, w2_ref[...], preferred_element_type=jnp.float32)
    y2_ref[...] = xw2 * dinv
    q_ref[...] = jnp.concatenate(
        [xw2, jnp.broadcast_to(dinv, (_BM, 128 - OUT_DIM))], axis=1)


def _tc3_body(q_ref, s2_ref, b2_ref, out_ref):
    xw2 = q_ref[:, 0:OUT_DIM]
    dinv = q_ref[:, OUT_DIM:OUT_DIM + 1]
    ssum = s2_ref[:, 0:OUT_DIM] + s2_ref[:, OUT_DIM:2 * OUT_DIM]
    out_ref[...] = dinv * ssum + (dinv * dinv) * xw2 + b2_ref[0:1, :]


def _specs(*shapes):
    specs = []
    for s in shapes:
        if len(s) == 2 and s[0] == N_NODES:
            specs.append(pl.BlockSpec((_BM, s[1]), lambda i: (i, 0)))
        else:
            specs.append(pl.BlockSpec(s, lambda i, s=s: tuple(0 for _ in s)))
    return specs


def kernel(x, edge_index, W1, b1, W2, b2):
    f32 = jnp.float32
    ei = edge_index.astype(jnp.int32)
    ones16 = jnp.ones((K, 16), f32)
    z16 = jnp.zeros((RPT, 16), f32)
    z64 = jnp.zeros((RPT, HID_DIM), f32)
    z32 = jnp.zeros((RPT, OUT_DIM), f32)
    b1_t = jnp.broadcast_to(b1.reshape(1, HID_DIM), (8, HID_DIM))
    b2_t = jnp.broadcast_to(b2.reshape(1, OUT_DIM), (8, OUT_DIM))

    grid = (N_NODES // _BM,)

    deg = _deg_kernel(ei, ones16, z16)

    y1, p = pl.pallas_call(
        _tc1_body,
        grid=grid,
        in_specs=_specs((N_NODES, IN_DIM), (IN_DIM, HID_DIM),
                        (N_NODES, 128)),
        out_specs=_specs((N_NODES, HID_DIM), (N_NODES, 128)),
        out_shape=[jax.ShapeDtypeStruct((N_NODES, HID_DIM), f32),
                   jax.ShapeDtypeStruct((N_NODES, 128), f32)],
    )(x, W1, deg)

    s1 = _scat64(y1, ei, z64)

    y2, q = pl.pallas_call(
        _tc2_body,
        grid=grid,
        in_specs=_specs((N_NODES, 128), (N_NODES, 2 * HID_DIM),
                        (8, HID_DIM), (HID_DIM, OUT_DIM)),
        out_specs=_specs((N_NODES, OUT_DIM), (N_NODES, 128)),
        out_shape=[jax.ShapeDtypeStruct((N_NODES, OUT_DIM), f32),
                   jax.ShapeDtypeStruct((N_NODES, 128), f32)],
    )(p, s1, b1_t, W2)

    s2 = _scat32(y2, ei, z32)

    out = pl.pallas_call(
        _tc3_body,
        grid=grid,
        in_specs=_specs((N_NODES, 128), (N_NODES, 128), (8, OUT_DIM)),
        out_specs=_specs((N_NODES, OUT_DIM))[0],
        out_shape=jax.ShapeDtypeStruct((N_NODES, OUT_DIM), f32),
    )(q, s2, b2_t)

    return out

# --- scband reference (transcript-rebuilt; emitter-appended) ---
"""Pipeline reference for scband-encoder-12695923327674 (READ-ONLY COPY).

The authoritative reference and input builder live on the scoring server;
editing this copy changes nothing except your own understanding.
"""

import jax, jax.numpy as jnp
import numpy as np

N_NODES = 10000
N_EDGES = 320000
IN_DIM = 128
HID_DIM = 64
LATENT_DIM = 16
OUT_DIM = LATENT_DIM * 2


def setup_inputs(seed: int = 0) -> dict:
    key = jax.random.key(seed)
    k_x, k_ei, k_w1, k_b1, k_w2, k_b2 = jax.random.split(key, 6)
    x = jax.random.normal(k_x, (N_NODES, IN_DIM), dtype=jnp.float32)
    edge_index = jax.random.randint(k_ei, (2, N_EDGES), 0, N_NODES, dtype=jnp.int64)
    # GCNConv parameters (glorot-style scaling)
    W1 = jax.random.normal(k_w1, (IN_DIM, HID_DIM), dtype=jnp.float32) * (1.0 / np.sqrt(IN_DIM))
    b1 = jnp.zeros((HID_DIM,), dtype=jnp.float32)
    W2 = jax.random.normal(k_w2, (HID_DIM, OUT_DIM), dtype=jnp.float32) * (1.0 / np.sqrt(HID_DIM))
    b2 = jnp.zeros((OUT_DIM,), dtype=jnp.float32)
    return {"x": x, "edge_index": edge_index, "W1": W1, "b1": b1, "W2": W2, "b2": b2}


def _gcn_conv(x, edge_index, W, b, num_nodes):
    # GCNConv: D^{-1/2} (A + I) D^{-1/2} X W + b
    loop = jnp.arange(num_nodes, dtype=edge_index.dtype)
    src = jnp.concatenate([edge_index[0], loop])
    dst = jnp.concatenate([edge_index[1], loop])
    deg = jnp.zeros((num_nodes,), dtype=x.dtype).at[dst].add(1.0)
    dinv = jnp.where(deg > 0, deg ** -0.5, 0.0)
    norm = dinv[src] * dinv[dst]
    xw = x @ W
    msgs = jnp.take(xw, src, axis=0) * norm[:, None]
    out = jnp.zeros((num_nodes, W.shape[1]), dtype=x.dtype).at[dst].add(msgs)
    return out + b


def reference(x, edge_index, W1, b1, W2, b2):
    h = _gcn_conv(x, edge_index, W1, b1, N_NODES)
    h = jax.nn.relu(h)
    out = _gcn_conv(h, edge_index, W2, b2, N_NODES)
    return out

if __name__ == "__main__":
    import jax
    _d = setup_inputs()
    print(jax.jit(kernel)(*tuple(_d.values())))

</pallas_src>

<mosaic_0001>
#map = affine_map<(d0, d1) -> (0, 0)>
module attributes {stable_mosaic.version = 14 : i64} {
  func.func @scat_kernel(%arg0: i32, %arg1: i32, %arg2: memref<10000x64xf32, #tpu.memory_space<hbm>>, %arg3: memref<2x320000xi32, #tpu.memory_space<hbm>>, %arg4: memref<625x64xf32, #tpu.memory_space<hbm>>, %arg5: memref<10000x128xf32, #tpu.memory_space<hbm>>, %arg6: memref<10112xi32, #tpu.memory_space<vmem>>, %arg7: memref<10112xi32, #tpu.memory_space<vmem>>, %arg8: memref<128x64xf32, #tpu.memory_space<vmem>>, %arg9: memref<128x64xf32, #tpu.memory_space<vmem>>, %arg10: memref<128x64xf32, #tpu.memory_space<vmem>>, %arg11: memref<128x64xf32, #tpu.memory_space<vmem>>, %arg12: memref<128x64xf32, #tpu.memory_space<vmem>>, %arg13: memref<128x64xf32, #tpu.memory_space<vmem>>, %arg14: memref<10000x64xf32, #tpu.memory_space<vmem_shared>>, %arg15: memref<!tpu.dma_semaphore, #tpu.memory_space<semaphore_mem>>, %arg16: memref<!tpu.dma_semaphore, #tpu.memory_space<semaphore_mem>>, %arg17: memref<!tpu.dma_semaphore, #tpu.memory_space<semaphore_mem>>, %arg18: memref<!tpu.dma_semaphore, #tpu.memory_space<semaphore_mem>>, %arg19: memref<!tpu.dma_semaphore, #tpu.memory_space<semaphore_mem>>, %arg20: memref<!tpu.dma_semaphore, #tpu.memory_space<semaphore_mem>>, %arg21: memref<!tpu.dma_semaphore, #tpu.memory_space<semaphore_mem>>, %arg22: memref<!tpu.dma_semaphore, #tpu.memory_space<semaphore_mem>>, %arg23: memref<!tpu.dma_semaphore, #tpu.memory_space<semaphore_mem>>, %arg24: memref<!tpu.dma_semaphore, #tpu.memory_space<semaphore_mem>>, %arg25: memref<!tpu.dma_semaphore, #tpu.memory_space<semaphore_mem>>, %arg26: memref<!tpu.dma_semaphore, #tpu.memory_space<semaphore_mem>>) attributes {dimension_semantics = [#tpu.dimension_semantics<core_parallel>, #tpu.dimension_semantics<subcore_parallel>], iteration_bounds = array<i64: 2, 16>, scalar_prefetch = 0 : i64, scratch_operands = 21 : i64, tpu.core_type = #tpu.core_type<sc_vector_subcore>, window_params = [{transform_indices = #map}, {transform_indices = #map}, {transform_indices = #map}, {transform_indices = #map}]} {
    %mul3A = arith.constant 16 : i32
    %mul3A_0 = arith.muli %arg0, %mul3A : i32
    %add3A = arith.addi %mul3A_0, %arg1 : i32
    %mul3A_1 = arith.constant 9984 : i32
    %mul3A_2 = arith.muli %add3A, %mul3A_1 : i32
    %run_scoped3A = arith.constant 0 : i32
    "tpu.region"() ({
      %run_scoped3A_84 = tpu.sem_alloc : memref<!tpu.dma_semaphore, #tpu.memory_space<semaphore_mem>>
      %dma_start3A_85 = arith.constant 0 : i32
      %dma_start3A_86 = tpu.memref_slice %arg6[%dma_start3A_85] : memref<10112xi32, #tpu.memory_space<vmem>> -> memref<9984xi32, #tpu.memory_space<vmem>>
      %dma_start3A_87 = tpu.memref_slice %arg3[%run_scoped3A, %mul3A_2] : memref<2x320000xi32, #tpu.memory_space<hbm>> -> memref<1x9984xi32, #tpu.memory_space<hbm>>
      %dma_start3A_88 = tpu.memref_squeeze %dma_start3A_87 : memref<1x9984xi32, #tpu.memory_space<hbm>> -> memref<9984xi32, #tpu.memory_space<hbm>>
      %dma_start3A_89 = arith.constant 0 : i32
      %dma_start3A_90 = tpu.memref_slice %arg6[%dma_start3A_89] : memref<10112xi32, #tpu.memory_space<vmem>> -> memref<9984xi32, #tpu.memory_space<vmem>>
      %dma_start3A_91 = tpu.memref_slice %arg3[%run_scoped3A, %mul3A_2] : memref<2x320000xi32, #tpu.memory_space<hbm>> -> memref<1x9984xi32, #tpu.memory_space<hbm>>
      %dma_start3A_92 = tpu.memref_squeeze %dma_start3A_91 : memref<1x9984xi32, #tpu.memory_space<hbm>> -> memref<9984xi32, #tpu.memory_space<hbm>>
      tpu.enqueue_dma source(%dma_start3A_92 : memref<9984xi32, #tpu.memory_space<hbm>>) target(%dma_start3A_90 : memref<9984xi32, #tpu.memory_space<vmem>>) target_semaphore(%run_scoped3A_84 : memref<!tpu.dma_semaphore, #tpu.memory_space<semaphore_mem>>)
      %dma_wait3A_93 = arith.constant 0 : i32
      %dma_wait3A_94 = tpu.memref_slice %arg6[%dma_wait3A_93] : memref<10112xi32, #tpu.memory_space<vmem>> -> memref<9984xi32, #tpu.memory_space<vmem>>
      %dma_wait3A_95 = tpu.memref_slice %arg3[%run_scoped3A, %mul3A_2] : memref<2x320000xi32, #tpu.memory_space<hbm>> -> memref<1x9984xi32, #tpu.memory_space<hbm>>
      %dma_wait3A_96 = tpu.memref_squeeze %dma_wait3A_95 : memref<1x9984xi32, #tpu.memory_space<hbm>> -> memref<9984xi32, #tpu.memory_space<hbm>>
      %dma_wait3A_97 = arith.constant 0 : i32
      %dma_wait3A_98 = tpu.memref_slice %arg6[%dma_wait3A_97] : memref<10112xi32, #tpu.memory_space<vmem>> -> memref<9984xi32, #tpu.memory_space<vmem>>
      %dma_wait3A_99 = tpu.memref_slice %arg3[%run_scoped3A, %mul3A_2] : memref<2x320000xi32, #tpu.memory_space<hbm>> -> memref<1x9984xi32, #tpu.memory_space<hbm>>
      %dma_wait3A_100 = tpu.memref_squeeze %dma_wait3A_99 : memref<1x9984xi32, #tpu.memory_space<hbm>> -> memref<9984xi32, #tpu.memory_space<hbm>>
      tpu.wait_dma2 semaphore(%run_scoped3A_84 : memref<!tpu.dma_semaphore, #tpu.memory_space<semaphore_mem>>) src(%dma_wait3A_100 : memref<9984xi32, #tpu.memory_space<hbm>>) dst(%dma_wait3A_98 : memref<9984xi32, #tpu.memory_space<vmem>>)
      tpu.yield
    }) : () -> ()
    %mul3A_3 = arith.constant 9984 : i32
    %mul3A_4 = arith.muli %add3A, %mul3A_3 : i32
    %run_scoped3A_5 = arith.constant 1 : i32
    "tpu.region"() ({
      %run_scoped3A_84 = tpu.sem_alloc : memref<!tpu.dma_semaphore, #tpu.memory_space<semaphore_mem>>
      %dma_start3A_85 = arith.constant 0 : i32
      %dma_start3A_86 = tpu.memref_slice %arg7[%dma_start3A_85] : memref<10112xi32, #tpu.memory_space<vmem>> -> memref<9984xi32, #tpu.memory_space<vmem>>
      %dma_start3A_87 = tpu.memref_slice %arg3[%run_scoped3A_5, %mul3A_4] : memref<2x320000xi32, #tpu.memory_space<hbm>> -> memref<1x9984xi32, #tpu.memory_space<hbm>>
      %dma_start3A_88 = tpu.memref_squeeze %dma_start3A_87 : memref<1x9984xi32, #tpu.memory_space<hbm>> -> memref<9984xi32, #tpu.memory_space<hbm>>
      %dma_start3A_89 = arith.constant 0 : i32
      %dma_start3A_90 = tpu.memref_slice %arg7[%dma_start3A_89] : memref<10112xi32, #tpu.memory_space<vmem>> -> memref<9984xi32, #tpu.memory_space<vmem>>
      %dma_start3A_91 = tpu.memref_slice %arg3[%run_scoped3A_5, %mul3A_4] : memref<2x320000xi32, #tpu.memory_space<hbm>> -> memref<1x9984xi32, #tpu.memory_space<hbm>>
      %dma_start3A_92 = tpu.memref_squeeze %dma_start3A_91 : memref<1x9984xi32, #tpu.memory_space<hbm>> -> memref<9984xi32, #tpu.memory_space<hbm>>
      tpu.enqueue_dma source(%dma_start3A_92 : memref<9984xi32, #tpu.memory_space<hbm>>) target(%dma_start3A_90 : memref<9984xi32, #tpu.memory_space<vmem>>) target_semaphore(%run_scoped3A_84 : memref<!tpu.dma_semaphore, #tpu.memory_space<semaphore_mem>>)
      %dma_wait3A_93 = arith.constant 0 : i32
      %dma_wait3A_94 = tpu.memref_slice %arg7[%dma_wait3A_93] : memref<10112xi32, #tpu.memory_space<vmem>> -> memref<9984xi32, #tpu.memory_space<vmem>>
      %dma_wait3A_95 = tpu.memref_slice %arg3[%run_scoped3A_5, %mul3A_4] : memref<2x320000xi32, #tpu.memory_space<hbm>> -> memref<1x9984xi32, #tpu.memory_space<hbm>>
      %dma_wait3A_96 = tpu.memref_squeeze %dma_wait3A_95 : memref<1x9984xi32, #tpu.memory_space<hbm>> -> memref<9984xi32, #tpu.memory_space<hbm>>
      %dma_wait3A_97 = arith.constant 0 : i32
      %dma_wait3A_98 = tpu.memref_slice %arg7[%dma_wait3A_97] : memref<10112xi32, #tpu.memory_space<vmem>> -> memref<9984xi32, #tpu.memory_space<vmem>>
      %dma_wait3A_99 = tpu.memref_slice %arg3[%run_scoped3A_5, %mul3A_4] : memref<2x320000xi32, #tpu.memory_space<hbm>> -> memref<1x9984xi32, #tpu.memory_space<hbm>>
      %dma_wait3A_100 = tpu.memref_squeeze %dma_wait3A_99 : memref<1x9984xi32, #tpu.memory_space<hbm>> -> memref<9984xi32, #tpu.memory_space<hbm>>
      tpu.wait_dma2 semaphore(%run_scoped3A_84 : memref<!tpu.dma_semaphore, #tpu.memory_space<semaphore_mem>>) src(%dma_wait3A_100 : memref<9984xi32, #tpu.memory_space<hbm>>) dst(%dma_wait3A_98 : memref<9984xi32, #tpu.memory_space<vmem>>)
      tpu.yield
    }) : () -> ()
    %mul3A_6 = arith.constant 625 : i32
    %mul3A_7 = arith.muli %arg1, %mul3A_6 : i32
    "tpu.region"() ({
      %run_scoped3A_84 = tpu.sem_alloc : memref<!tpu.dma_semaphore, #tpu.memory_space<semaphore_mem>>
      %dma_start3A_85 = arith.constant 0 : i32
      %dma_start3A_86 = tpu.memref_slice %arg14[%mul3A_7, %dma_start3A_85] : memref<10000x64xf32, #tpu.memory_space<vmem_shared>> -> memref<625x64xf32, #tpu.memory_space<vmem_shared>>
      tpu.enqueue_dma source(%arg4 : memref<625x64xf32, #tpu.memory_space<hbm>>) target(%dma_start3A_86 : memref<625x64xf32, #tpu.memory_space<vmem_shared>>) target_semaphore(%run_scoped3A_84 : memref<!tpu.dma_semaphore, #tpu.memory_space<semaphore_mem>>)
      %dma_wait3A_87 = arith.constant 0 : i32
      %dma_wait3A_88 = tpu.memref_slice %arg14[%mul3A_7, %dma_wait3A_87] : memref<10000x64xf32, #tpu.memory_space<vmem_shared>> -> memref<625x64xf32, #tpu.memory_space<vmem_shared>>
      tpu.wait_dma2 semaphore(%run_scoped3A_84 : memref<!tpu.dma_semaphore, #tpu.memory_space<semaphore_mem>>) src(%arg4 : memref<625x64xf32, #tpu.memory_space<hbm>>) dst(%dma_wait3A_88 : memref<625x64xf32, #tpu.memory_space<vmem_shared>>)
      tpu.yield
    }) : () -> ()
    %lt3A = arith.constant 4 : i32
    %lt3A_8 = arith.cmpi slt, %add3A, %lt3A : i32
    %convert_element_type3A = arith.extui %lt3A_8 : i1 to i32
    %cond3A = arith.constant 0 : i32
    %cond3A_9 = arith.cmpi ne, %convert_element_type3A, %cond3A : i32
    scf.if %cond3A_9 {
      %mul3A_84 = arith.constant 128 : i32
      %mul3A_85 = arith.muli %add3A, %mul3A_84 : i32
      %add3A_86 = arith.constant 319488 : i32
      %add3A_87 = arith.addi %add3A_86, %mul3A_85 : i32
      %run_scoped3A_88 = arith.constant 0 : i32
      "tpu.region"() ({
        %run_scoped3A_94 = tpu.sem_alloc : memref<!tpu.dma_semaphore, #tpu.memory_space<semaphore_mem>>
        %dma_start3A_95 = arith.constant 9984 : i32
        %dma_start3A_96 = tpu.memref_slice %arg6[%dma_start3A_95] : memref<10112xi32, #tpu.memory_space<vmem>> -> memref<128xi32, #tpu.memory_space<vmem>>
        %dma_start3A_97 = tpu.memref_slice %arg3[%run_scoped3A_88, %add3A_87] : memref<2x320000xi32, #tpu.memory_space<hbm>> -> memref<1x128xi32, #tpu.memory_space<hbm>>
        %dma_start3A_98 = tpu.memref_squeeze %dma_start3A_97 : memref<1x128xi32, #tpu.memory_space<hbm>> -> memref<128xi32, #tpu.memory_space<hbm>>
        %dma_start3A_99 = arith.constant 9984 : i32
        %dma_start3A_100 = tpu.memref_slice %arg6[%dma_start3A_99] : memref<10112xi32, #tpu.memory_space<vmem>> -> memref<128xi32, #tpu.memory_space<vmem>>
        %dma_start3A_101 = tpu.memref_slice %arg3[%run_scoped3A_88, %add3A_87] : memref<2x320000xi32, #tpu.memory_space<hbm>> -> memref<1x128xi32, #tpu.memory_space<hbm>>
        %dma_start3A_102 = tpu.memref_squeeze %dma_start3A_101 : memref<1x128xi32, #tpu.memory_space<hbm>> -> memref<128xi32, #tpu.memory_space<hbm>>
        tpu.enqueue_dma source(%dma_start3A_102 : memref<128xi32, #tpu.memory_space<hbm>>) target(%dma_start3A_100 : memref<128xi32, #tpu.memory_space<vmem>>) target_semaphore(%run_scoped3A_94 : memref<!tpu.dma_semaphore, #tpu.memory_space<semaphore_mem>>)
        %dma_wait3A_103 = arith.constant 9984 : i32
        %dma_wait3A_104 = tpu.memref_slice %arg6[%dma_wait3A_103] : memref<10112xi32, #tpu.memory_space<vmem>> -> memref<128xi32, #tpu.memory_space<vmem>>
        %dma_wait3A_105 = tpu.memref_slice %arg3[%run_scoped3A_88, %add3A_87] : memref<2x320000xi32, #tpu.memory_space<hbm>> -> memref<1x128xi32, #tpu.memory_space<hbm>>
        %dma_wait3A_106 = tpu.memref_squeeze %dma_wait3A_105 : memref<1x128xi32, #tpu.memory_space<hbm>> -> memref<128xi32, #tpu.memory_space<hbm>>
        %dma_wait3A_107 = arith.constant 9984 : i32
        %dma_wait3A_108 = tpu.memref_slice %arg6[%dma_wait3A_107] : memref<10112xi32, #tpu.memory_space<vmem>> -> memref<128xi32, #tpu.memory_space<vmem>>
        %dma_wait3A_109 = tpu.memref_slice %arg3[%run_scoped3A_88, %add3A_87] : memref<2x320000xi32, #tpu.memory_space<hbm>> -> memref<1x128xi32, #tpu.memory_space<hbm>>
        %dma_wait3A_110 = tpu.memref_squeeze %dma_wait3A_109 : memref<1x128xi32, #tpu.memory_space<hbm>> -> memref<128xi32, #tpu.memory_space<hbm>>
        tpu.wait_dma2 semaphore(%run_scoped3A_94 : memref<!tpu.dma_semaphore, #tpu.memory_space<semaphore_mem>>) src(%dma_wait3A_110 : memref<128xi32, #tpu.memory_space<hbm>>) dst(%dma_wait3A_108 : memref<128xi32, #tpu.memory_space<vmem>>)
        tpu.yield
      }) : () -> ()
      %mul3A_89 = arith.constant 128 : i32
      %mul3A_90 = arith.muli %add3A, %mul3A_89 : i32
      %add3A_91 = arith.constant 319488 : i32
      %add3A_92 = arith.addi %add3A_91, %mul3A_90 : i32
      %run_scoped3A_93 = arith.constant 1 : i32
      "tpu.region"() ({
        %run_scoped3A_94 = tpu.sem_alloc : memref<!tpu.dma_semaphore, #tpu.memory_space<semaphore_mem>>
        %dma_start3A_95 = arith.constant 9984 : i32
        %dma_start3A_96 = tpu.memref_slice %arg7[%dma_start3A_95] : memref<10112xi32, #tpu.memory_space<vmem>> -> memref<128xi32, #tpu.memory_space<vmem>>
        %dma_start3A_97 = tpu.memref_slice %arg3[%run_scoped3A_93, %add3A_92] : memref<2x320000xi32, #tpu.memory_space<hbm>> -> memref<1x128xi32, #tpu.memory_space<hbm>>
        %dma_start3A_98 = tpu.memref_squeeze %dma_start3A_97 : memref<1x128xi32, #tpu.memory_space<hbm>> -> memref<128xi32, #tpu.memory_space<hbm>>
        %dma_start3A_99 = arith.constant 9984 : i32
        %dma_start3A_100 = tpu.memref_slice %arg7[%dma_start3A_99] : memref<10112xi32, #tpu.memory_space<vmem>> -> memref<128xi32, #tpu.memory_space<vmem>>
        %dma_start3A_101 = tpu.memref_slice %arg3[%run_scoped3A_93, %add3A_92] : memref<2x320000xi32, #tpu.memory_space<hbm>> -> memref<1x128xi32, #tpu.memory_space<hbm>>
        %dma_start3A_102 = tpu.memref_squeeze %dma_start3A_101 : memref<1x128xi32, #tpu.memory_space<hbm>> -> memref<128xi32, #tpu.memory_space<hbm>>
        tpu.enqueue_dma source(%dma_start3A_102 : memref<128xi32, #tpu.memory_space<hbm>>) target(%dma_start3A_100 : memref<128xi32, #tpu.memory_space<vmem>>) target_semaphore(%run_scoped3A_94 : memref<!tpu.dma_semaphore, #tpu.memory_space<semaphore_mem>>)
        %dma_wait3A_103 = arith.constant 9984 : i32
        %dma_wait3A_104 = tpu.memref_slice %arg7[%dma_wait3A_103] : memref<10112xi32, #tpu.memory_space<vmem>> -> memref<128xi32, #tpu.memory_space<vmem>>
        %dma_wait3A_105 = tpu.memref_slice %arg3[%run_scoped3A_93, %add3A_92] : memref<2x320000xi32, #tpu.memory_space<hbm>> -> memref<1x128xi32, #tpu.memory_space<hbm>>
        %dma_wait3A_106 = tpu.memref_squeeze %dma_wait3A_105 : memref<1x128xi32, #tpu.memory_space<hbm>> -> memref<128xi32, #tpu.memory_space<hbm>>
        %dma_wait3A_107 = arith.constant 9984 : i32
        %dma_wait3A_108 = tpu.memref_slice %arg7[%dma_wait3A_107] : memref<10112xi32, #tpu.memory_space<vmem>> -> memref<128xi32, #tpu.memory_space<vmem>>
        %dma_wait3A_109 = tpu.memref_slice %arg3[%run_scoped3A_93, %add3A_92] : memref<2x320000xi32, #tpu.memory_space<hbm>> -> memref<1x128xi32, #tpu.memory_space<hbm>>
        %dma_wait3A_110 = tpu.memref_squeeze %dma_wait3A_109 : memref<1x128xi32, #tpu.memory_space<hbm>> -> memref<128xi32, #tpu.memory_space<hbm>>
        tpu.wait_dma2 semaphore(%run_scoped3A_94 : memref<!tpu.dma_semaphore, #tpu.memory_space<semaphore_mem>>) src(%dma_wait3A_110 : memref<128xi32, #tpu.memory_space<hbm>>) dst(%dma_wait3A_108 : memref<128xi32, #tpu.memory_space<vmem>>)
        tpu.yield
      }) : () -> ()
    } else {
    }
    %barrier3A = arith.constant 0 : index
    tpu.barrier barrier_id(%barrier3A)
    %dma_start3A = arith.constant 0 : i32
    %dma_start3A_10 = tpu.memref_slice %arg6[%dma_start3A] : memref<10112xi32, #tpu.memory_space<vmem>> -> memref<128xi32, #tpu.memory_space<vmem>>
    %dma_start3A_11 = arith.constant 0 : i32
    %dma_start3A_12 = arith.constant 0 : i32
    %dma_start3A_13 = tpu.memref_slice %arg2[%dma_start3A_11, %dma_start3A_12] : memref<10000x64xf32, #tpu.memory_space<hbm>> -> memref<10000x64xf32, #tpu.memory_space<hbm>>
    tpu.enqueue_indirect_dma source(%dma_start3A_13 : memref<10000x64xf32, #tpu.memory_space<hbm>>) target(%arg8 : memref<128x64xf32, #tpu.memory_space<vmem>>) offsets(%dma_start3A_10 : memref<128xi32, #tpu.memory_space<vmem>>) semaphore(%arg15 : memref<!tpu.dma_semaphore, #tpu.memory_space<semaphore_mem>>)
    %dma_start3A_14 = arith.constant 128 : i32
    %dma_start3A_15 = tpu.memref_slice %arg6[%dma_start3A_14] : memref<10112xi32, #tpu.memory_space<vmem>> -> memref<128xi32, #tpu.memory_space<vmem>>
    %dma_start3A_16 = arith.constant 0 : i32
    %dma_start3A_17 = arith.constant 0 : i32
    %dma_start3A_18 = tpu.memref_slice %arg2[%dma_start3A_16, %dma_start3A_17] : memref<10000x64xf32, #tpu.memory_space<hbm>> -> memref<10000x64xf32, #tpu.memory_space<hbm>>
    tpu.enqueue_indirect_dma source(%dma_start3A_18 : memref<10000x64xf32, #tpu.memory_space<hbm>>) target(%arg9 : memref<128x64xf32, #tpu.memory_space<vmem>>) offsets(%dma_start3A_15 : memref<128xi32, #tpu.memory_space<vmem>>) semaphore(%arg16 : memref<!tpu.dma_semaphore, #tpu.memory_space<semaphore_mem>>)
    %dma_start3A_19 = arith.constant 256 : i32
    %dma_start3A_20 = tpu.memref_slice %arg6[%dma_start3A_19] : memref<10112xi32, #tpu.memory_space<vmem>> -> memref<128xi32, #tpu.memory_space<vmem>>
    %dma_start3A_21 = arith.constant 0 : i32
    %dma_start3A_22 = arith.constant 0 : i32
    %dma_start3A_23 = tpu.memref_slice %arg2[%dma_start3A_21, %dma_start3A_22] : memref<10000x64xf32, #tpu.memory_space<hbm>> -> memref<10000x64xf32, #tpu.memory_space<hbm>>
    tpu.enqueue_indirect_dma source(%dma_start3A_23 : memref<10000x64xf32, #tpu.memory_space<hbm>>) target(%arg10 : memref<128x64xf32, #tpu.memory_space<vmem>>) offsets(%dma_start3A_20 : memref<128xi32, #tpu.memory_space<vmem>>) semaphore(%arg17 : memref<!tpu.dma_semaphore, #tpu.memory_space<semaphore_mem>>)
    %dma_start3A_24 = arith.constant 384 : i32
    %dma_start3A_25 = tpu.memref_slice %arg6[%dma_start3A_24] : memref<10112xi32, #tpu.memory_space<vmem>> -> memref<128xi32, #tpu.memory_space<vmem>>
    %dma_start3A_26 = arith.constant 0 : i32
    %dma_start3A_27 = arith.constant 0 : i32
    %dma_start3A_28 = tpu.memref_slice %arg2[%dma_start3A_26, %dma_start3A_27] : memref<10000x64xf32, #tpu.memory_space<hbm>> -> memref<10000x64xf32, #tpu.memory_space<hbm>>
    tpu.enqueue_indirect_dma source(%dma_start3A_28 : memref<10000x64xf32, #tpu.memory_space<hbm>>) target(%arg11 : memref<128x64xf32, #tpu.memory_space<vmem>>) offsets(%dma_start3A_25 : memref<128xi32, #tpu.memory_space<vmem>>) semaphore(%arg18 : memref<!tpu.dma_semaphore, #tpu.memory_space<semaphore_mem>>)
    %dma_start3A_29 = arith.constant 512 : i32
    %dma_start3A_30 = tpu.memref_slice %arg6[%dma_start3A_29] : memref<10112xi32, #tpu.memory_space<vmem>> -> memref<128xi32, #tpu.memory_space<vmem>>
    %dma_start3A_31 = arith.constant 0 : i32
    %dma_start3A_32 = arith.constant 0 : i32
    %dma_start3A_33 = tpu.memref_slice %arg2[%dma_start3A_31, %dma_start3A_32] : memref<10000x64xf32, #tpu.memory_space<hbm>> -> memref<10000x64xf32, #tpu.memory_space<hbm>>
    tpu.enqueue_indirect_dma source(%dma_start3A_33 : memref<10000x64xf32, #tpu.memory_space<hbm>>) target(%arg12 : memref<128x64xf32, #tpu.memory_space<vmem>>) offsets(%dma_start3A_30 : memref<128xi32, #tpu.memory_space<vmem>>) semaphore(%arg19 : memref<!tpu.dma_semaphore, #tpu.memory_space<semaphore_mem>>)
    %dma_start3A_34 = arith.constant 640 : i32
    %dma_start3A_35 = tpu.memref_slice %arg6[%dma_start3A_34] : memref<10112xi32, #tpu.memory_space<vmem>> -> memref<128xi32, #tpu.memory_space<vmem>>
    %dma_start3A_36 = arith.constant 0 : i32
    %dma_start3A_37 = arith.constant 0 : i32
    %dma_start3A_38 = tpu.memref_slice %arg2[%dma_start3A_36, %dma_start3A_37] : memref<10000x64xf32, #tpu.memory_space<hbm>> -> memref<10000x64xf32, #tpu.memory_space<hbm>>
    tpu.enqueue_indirect_dma source(%dma_start3A_38 : memref<10000x64xf32, #tpu.memory_space<hbm>>) target(%arg13 : memref<128x64xf32, #tpu.memory_space<vmem>>) offsets(%dma_start3A_35 : memref<128xi32, #tpu.memory_space<vmem>>) semaphore(%arg20 : memref<!tpu.dma_semaphore, #tpu.memory_space<semaphore_mem>>)
    %scan3A = arith.constant 0 : i32
    %scan3A_39 = arith.constant 13 : i32
    %scan3A_40 = arith.addi %scan3A, %scan3A_39 : i32
    %scan3A_41 = arith.constant 1 : i32
    scf.for %scan3A_84 = %scan3A to %scan3A_40 step %scan3A_41  : i32 {
      %mul3A_85 = arith.constant 1 : i32
      %mul3A_86 = arith.muli %scan3A_84, %mul3A_85 : i32
      %add3A_87 = arith.constant 0 : i32
      %add3A_88 = arith.addi %add3A_87, %mul3A_86 : i32
      %mul3A_89 = arith.constant 768 : i32
      %mul3A_90 = arith.muli %add3A_88, %mul3A_89 : i32
      %add3A_91 = arith.constant 0 : i32
      %add3A_92 = arith.addi %mul3A_90, %add3A_91 : i32
      %dma_wait3A_93 = tpu.memref_slice %arg6[%add3A_92] : memref<10112xi32, #tpu.memory_space<vmem>> -> memref<128xi32, #tpu.memory_space<vmem>>
      %dma_wait3A_94 = arith.constant 0 : i32
      %dma_wait3A_95 = arith.constant 0 : i32
      %dma_wait3A_96 = tpu.memref_slice %arg2[%dma_wait3A_94, %dma_wait3A_95] : memref<10000x64xf32, #tpu.memory_space<hbm>> -> memref<10000x64xf32, #tpu.memory_space<hbm>>
      tpu.wait_indirect_dma semaphore(%arg15 : memref<!tpu.dma_semaphore, #tpu.memory_space<semaphore_mem>>) src(%dma_wait3A_96 : memref<10000x64xf32, #tpu.memory_space<hbm>>) dst(%arg8 : memref<128x64xf32, #tpu.memory_space<vmem>>)
      %add3A_97 = arith.constant 0 : i32
      %add3A_98 = arith.addi %mul3A_90, %add3A_97 : i32
      %dma_start3A_99 = tpu.memref_slice %arg7[%add3A_98] : memref<10112xi32, #tpu.memory_space<vmem>> -> memref<128xi32, #tpu.memory_space<vmem>>
      %dma_start3A_100 = arith.constant 0 : i32
      %dma_start3A_101 = arith.constant 0 : i32
      %dma_start3A_102 = tpu.memref_slice %arg14[%dma_start3A_100, %dma_start3A_101] : memref<10000x64xf32, #tpu.memory_space<vmem_shared>> -> memref<10000x64xf32, #tpu.memory_space<vmem_shared>>
      tpu.enqueue_indirect_dma source(%arg8 : memref<128x64xf32, #tpu.memory_space<vmem>>) target(%dma_start3A_102 : memref<10000x64xf32, #tpu.memory_space<vmem_shared>>) offsets(%dma_start3A_99 : memref<128xi32, #tpu.memory_space<vmem>>) semaphore(%arg21 : memref<!tpu.dma_semaphore, #tpu.memory_space<semaphore_mem>>) {add = true}
      %add3A_103 = arith.constant 128 : i32
      %add3A_104 = arith.addi %mul3A_90, %add3A_103 : i32
      %dma_wait3A_105 = tpu.memref_slice %arg6[%add3A_104] : memref<10112xi32, #tpu.memory_space<vmem>> -> memref<128xi32, #tpu.memory_space<vmem>>
      %dma_wait3A_106 = arith.constant 0 : i32
      %dma_wait3A_107 = arith.constant 0 : i32
      %dma_wait3A_108 = tpu.memref_slice %arg2[%dma_wait3A_106, %dma_wait3A_107] : memref<10000x64xf32, #tpu.memory_space<hbm>> -> memref<10000x64xf32, #tpu.memory_space<hbm>>
      tpu.wait_indirect_dma semaphore(%arg16 : memref<!tpu.dma_semaphore, #tpu.memory_space<semaphore_mem>>) src(%dma_wait3A_108 : memref<10000x64xf32, #tpu.memory_space<hbm>>) dst(%arg9 : memref<128x64xf32, #tpu.memory_space<vmem>>)
      %add3A_109 = arith.constant 128 : i32
      %add3A_110 = arith.addi %mul3A_90, %add3A_109 : i32
      %dma_start3A_111 = tpu.memref_slice %arg7[%add3A_110] : memref<10112xi32, #tpu.memory_space<vmem>> -> memref<128xi32, #tpu.memory_space<vmem>>
      %dma_start3A_112 = arith.constant 0 : i32
      %dma_start3A_113 = arith.constant 0 : i32
      %dma_start3A_114 = tpu.memref_slice %arg14[%dma_start3A_112, %dma_start3A_113] : memref<10000x64xf32, #tpu.memory_space<vmem_shared>> -> memref<10000x64xf32, #tpu.memory_space<vmem_shared>>
      tpu.enqueue_indirect_dma source(%arg9 : memref<128x64xf32, #tpu.memory_space<vmem>>) target(%dma_start3A_114 : memref<10000x64xf32, #tpu.memory_space<vmem_shared>>) offsets(%dma_start3A_111 : memref<128xi32, #tpu.memory_space<vmem>>) semaphore(%arg22 : memref<!tpu.dma_semaphore, #tpu.memory_space<semaphore_mem>>) {add = true}
      %add3A_115 = arith.constant 256 : i32
      %add3A_116 = arith.addi %mul3A_90, %add3A_115 : i32
      %dma_wait3A_117 = tpu.memref_slice %arg6[%add3A_116] : memref<10112xi32, #tpu.memory_space<vmem>> -> memref<128xi32, #tpu.memory_space<vmem>>
      %dma_wait3A_118 = arith.constant 0 : i32
      %dma_wait3A_119 = arith.constant 0 : i32
      %dma_wait3A_120 = tpu.memref_slice %arg2[%dma_wait3A_118, %dma_wait3A_119] : memref<10000x64xf32, #tpu.memory_space<hbm>> -> memref<10000x64xf32, #tpu.memory_space<hbm>>
      tpu.wait_indirect_dma semaphore(%arg17 : memref<!tpu.dma_semaphore, #tpu.memory_space<semaphore_mem>>) src(%dma_wait3A_120 : memref<10000x64xf32, #tpu.memory_space<hbm>>) dst(%arg10 : memref<128x64xf32, #tpu.memory_space<vmem>>)
      %add3A_121 = arith.constant 256 : i32
      %add3A_122 = arith.addi %mul3A_90, %add3A_121 : i32
      %dma_start3A_123 = tpu.memref_slice %arg7[%add3A_122] : memref<10112xi32, #tpu.memory_space<vmem>> -> memref<128xi32, #tpu.memory_space<vmem>>
      %dma_start3A_124 = arith.constant 0 : i32
      %dma_start3A_125 = arith.constant 0 : i32
      %dma_start3A_126 = tpu.memref_slice %arg14[%dma_start3A_124, %dma_start3A_125] : memref<10000x64xf32, #tpu.memory_space<vmem_shared>> -> memref<10000x64xf32, #tpu.memory_space<vmem_shared>>
      tpu.enqueue_indirect_dma source(%arg10 : memref<128x64xf32, #tpu.memory_space<vmem>>) target(%dma_start3A_126 : memref<10000x64xf32, #tpu.memory_space<vmem_shared>>) offsets(%dma_start3A_123 : memref<128xi32, #tpu.memory_space<vmem>>) semaphore(%arg23 : memref<!tpu.dma_semaphore, #tpu.memory_space<semaphore_mem>>) {add = true}
      %add3A_127 = arith.constant 384 : i32
      %add3A_128 = arith.addi %mul3A_90, %add3A_127 : i32
      %dma_wait3A_129 = tpu.memref_slice %arg6[%add3A_128] : memref<10112xi32, #tpu.memory_space<vmem>> -> memref<128xi32, #tpu.memory_space<vmem>>
      %dma_wait3A_130 = arith.constant 0 : i32
      %dma_wait3A_131 = arith.constant 0 : i32
      %dma_wait3A_132 = tpu.memref_slice %arg2[%dma_wait3A_130, %dma_wait3A_131] : memref<10000x64xf32, #tpu.memory_space<hbm>> -> memref<10000x64xf32, #tpu.memory_space<hbm>>
      tpu.wait_indirect_dma semaphore(%arg18 : memref<!tpu.dma_semaphore, #tpu.memory_space<semaphore_mem>>) src(%dma_wait3A_132 : memref<10000x64xf32, #tpu.memory_space<hbm>>) dst(%arg11 : memref<128x64xf32, #tpu.memory_space<vmem>>)
      %add3A_133 = arith.constant 384 : i32
      %add3A_134 = arith.addi %mul3A_90, %add3A_133 : i32
      %dma_start3A_135 = tpu.memref_slice %arg7[%add3A_134] : memref<10112xi32, #tpu.memory_space<vmem>> -> memref<128xi32, #tpu.memory_space<vmem>>
      %dma_start3A_136 = arith.constant 0 : i32
      %dma_start3A_137 = arith.constant 0 : i32
      %dma_start3A_138 = tpu.memref_slice %arg14[%dma_start3A_136, %dma_start3A_137] : memref<10000x64xf32, #tpu.memory_space<vmem_shared>> -> memref<10000x64xf32, #tpu.memory_space<vmem_shared>>
      tpu.enqueue_indirect_dma source(%arg11 : memref<128x64xf32, #tpu.memory_space<vmem>>) target(%dma_start3A_138 : memref<10000x64xf32, #tpu.memory_space<vmem_shared>>) offsets(%dma_start3A_135 : memref<128xi32, #tpu.memory_space<vmem>>) semaphore(%arg24 : memref<!tpu.dma_semaphore, #tpu.memory_space<semaphore_mem>>) {add = true}
      %add3A_139 = arith.constant 512 : i32
      %add3A_140 = arith.addi %mul3A_90, %add3A_139 : i32
      %dma_wait3A_141 = tpu.memref_slice %arg6[%add3A_140] : memref<10112xi32, #tpu.memory_space<vmem>> -> memref<128xi32, #tpu.memory_space<vmem>>
      %dma_wait3A_142 = arith.constant 0 : i32
      %dma_wait3A_143 = arith.constant 0 : i32
      %dma_wait3A_144 = tpu.memref_slice %arg2[%dma_wait3A_142, %dma_wait3A_143] : memref<10000x64xf32, #tpu.memory_space<hbm>> -> memref<10000x64xf32, #tpu.memory_space<hbm>>
      tpu.wait_indirect_dma semaphore(%arg19 : memref<!tpu.dma_semaphore, #tpu.memory_space<semaphore_mem>>) src(%dma_wait3A_144 : memref<10000x64xf32, #tpu.memory_space<hbm>>) dst(%arg12 : memref<128x64xf32, #tpu.memory_space<vmem>>)
      %add3A_145 = arith.constant 512 : i32
      %add3A_146 = arith.addi %mul3A_90, %add3A_145 : i32
      %dma_start3A_147 = tpu.memref_slice %arg7[%add3A_146] : memref<10112xi32, #tpu.memory_space<vmem>> -> memref<128xi32, #tpu.memory_space<vmem>>
      %dma_start3A_148 = arith.constant 0 : i32
      %dma_start3A_149 = arith.constant 0 : i32
      %dma_start3A_150 = tpu.memref_slice %arg14[%dma_start3A_148, %dma_start3A_149] : memref<10000x64xf32, #tpu.memory_space<vmem_shared>> -> memref<10000x64xf32, #tpu.memory_space<vmem_shared>>
      tpu.enqueue_indirect_dma source(%arg12 : memref<128x64xf32, #tpu.memory_space<vmem>>) target(%dma_start3A_150 : memref<10000x64xf32, #tpu.memory_space<vmem_shared>>) offsets(%dma_start3A_147 : memref<128xi32, #tpu.memory_space<vmem>>) semaphore(%arg25 : memref<!tpu.dma_semaphore, #tpu.memory_space<semaphore_mem>>) {add = true}
      %add3A_151 = arith.constant 640 : i32
      %add3A_152 = arith.addi %mul3A_90, %add3A_151 : i32
      %dma_wait3A_153 = tpu.memref_slice %arg6[%add3A_152] : memref<10112xi32, #tpu.memory_space<vmem>> -> memref<128xi32, #tpu.memory_space<vmem>>
      %dma_wait3A_154 = arith.constant 0 : i32
      %dma_wait3A_155 = arith.constant 0 : i32
      %dma_wait3A_156 = tpu.memref_slice %arg2[%dma_wait3A_154, %dma_wait3A_155] : memref<10000x64xf32, #tpu.memory_space<hbm>> -> memref<10000x64xf32, #tpu.memory_space<hbm>>
      tpu.wait_indirect_dma semaphore(%arg20 : memref<!tpu.dma_semaphore, #tpu.memory_space<semaphore_mem>>) src(%dma_wait3A_156 : memref<10000x64xf32, #tpu.memory_space<hbm>>) dst(%arg13 : memref<128x64xf32, #tpu.memory_space<vmem>>)
      %add3A_157 = arith.constant 640 : i32
      %add3A_158 = arith.addi %mul3A_90, %add3A_157 : i32
      %dma_start3A_159 = tpu.memref_slice %arg7[%add3A_158] : memref<10112xi32, #tpu.memory_space<vmem>> -> memref<128xi32, #tpu.memory_space<vmem>>
      %dma_start3A_160 = arith.constant 0 : i32
      %dma_start3A_161 = arith.constant 0 : i32
      %dma_start3A_162 = tpu.memref_slice %arg14[%dma_start3A_160, %dma_start3A_161] : memref<10000x64xf32, #tpu.memory_space<vmem_shared>> -> memref<10000x64xf32, #tpu.memory_space<vmem_shared>>
      tpu.enqueue_indirect_dma source(%arg13 : memref<128x64xf32, #tpu.memory_space<vmem>>) target(%dma_start3A_162 : memref<10000x64xf32, #tpu.memory_space<vmem_shared>>) offsets(%dma_start3A_159 : memref<128xi32, #tpu.memory_space<vmem>>) semaphore(%arg26 : memref<!tpu.dma_semaphore, #tpu.memory_space<semaphore_mem>>) {add = true}
      %add3A_163 = arith.constant 768 : i32
      %add3A_164 = arith.addi %mul3A_90, %add3A_163 : i32
      %lt3A_165 = arith.constant 9984 : i32
      %lt3A_166 = arith.cmpi slt, %add3A_164, %lt3A_165 : i32
      %convert_element_type3A_167 = arith.extui %lt3A_166 : i1 to i32
      %cond3A_168 = arith.constant 0 : i32
      %cond3A_169 = arith.cmpi ne, %convert_element_type3A_167, %cond3A_168 : i32
      scf.if %cond3A_169 {
        %add3A_205 = arith.constant 0 : i32
        %add3A_206 = arith.addi %mul3A_90, %add3A_205 : i32
        %dma_wait3A_207 = tpu.memref_slice %arg7[%add3A_206] : memref<10112xi32, #tpu.memory_space<vmem>> -> memref<128xi32, #tpu.memory_space<vmem>>
        %dma_wait3A_208 = arith.constant 0 : i32
        %dma_wait3A_209 = arith.constant 0 : i32
        %dma_wait3A_210 = tpu.memref_slice %arg14[%dma_wait3A_208, %dma_wait3A_209] : memref<10000x64xf32, #tpu.memory_space<vmem_shared>> -> memref<10000x64xf32, #tpu.memory_space<vmem_shared>>
        tpu.wait_indirect_dma semaphore(%arg21 : memref<!tpu.dma_semaphore, #tpu.memory_space<semaphore_mem>>) src(%arg8 : memref<128x64xf32, #tpu.memory_space<vmem>>) dst(%dma_wait3A_210 : memref<10000x64xf32, #tpu.memory_space<vmem_shared>>)
        %dma_start3A_211 = tpu.memref_slice %arg6[%add3A_164] : memref<10112xi32, #tpu.memory_space<vmem>> -> memref<128xi32, #tpu.memory_space<vmem>>
        %dma_start3A_212 = arith.constant 0 : i32
        %dma_start3A_213 = arith.constant 0 : i32
        %dma_start3A_214 = tpu.memref_slice %arg2[%dma_start3A_212, %dma_start3A_213] : memref<10000x64xf32, #tpu.memory_space<hbm>> -> memref<10000x64xf32, #tpu.memory_space<hbm>>
        tpu.enqueue_indirect_dma source(%dma_start3A_214 : memref<10000x64xf32, #tpu.memory_space<hbm>>) target(%arg8 : memref<128x64xf32, #tpu.memory_space<vmem>>) offsets(%dma_start3A_211 : memref<128xi32, #tpu.memory_space<vmem>>) semaphore(%arg15 : memref<!tpu.dma_semaphore, #tpu.memory_space<semaphore_mem>>)
      } else {
      }
      %add3A_170 = arith.constant 896 : i32
      %add3A_171 = arith.addi %mul3A_90, %add3A_170 : i32
      %lt3A_172 = arith.constant 9984 : i32
      %lt3A_173 = arith.cmpi slt, %add3A_171, %lt3A_172 : i32
      %convert_element_type3A_174 = arith.extui %lt3A_173 : i1 to i32
      %cond3A_175 = arith.constant 0 : i32
      %cond3A_176 = arith.cmpi ne, %convert_element_type3A_174, %cond3A_175 : i32
      scf.if %cond3A_176 {
        %add3A_205 = arith.constant 128 : i32
        %add3A_206 = arith.addi %mul3A_90, %add3A_205 : i32
        %dma_wait3A_207 = tpu.memref_slice %arg7[%add3A_206] : memref<10112xi32, #tpu.memory_space<vmem>> -> memref<128xi32, #tpu.memory_space<vmem>>
        %dma_wait3A_208 = arith.constant 0 : i32
        %dma_wait3A_209 = arith.constant 0 : i32
        %dma_wait3A_210 = tpu.memref_slice %arg14[%dma_wait3A_208, %dma_wait3A_209] : memref<10000x64xf32, #tpu.memory_space<vmem_shared>> -> memref<10000x64xf32, #tpu.memory_space<vmem_shared>>
        tpu.wait_indirect_dma semaphore(%arg22 : memref<!tpu.dma_semaphore, #tpu.memory_space<semaphore_mem>>) src(%arg9 : memref<128x64xf32, #tpu.memory_space<vmem>>) dst(%dma_wait3A_210 : memref<10000x64xf32, #tpu.memory_space<vmem_shared>>)
        %dma_start3A_211 = tpu.memref_slice %arg6[%add3A_171] : memref<10112xi32, #tpu.memory_space<vmem>> -> memref<128xi32, #tpu.memory_space<vmem>>
        %dma_start3A_212 = arith.constant 0 : i32
        %dma_start3A_213 = arith.constant 0 : i32
        %dma_start3A_214 = tpu.memref_slice %arg2[%dma_start3A_212, %dma_start3A_213] : memref<10000x64xf32, #tpu.memory_space<hbm>> -> memref<10000x64xf32, #tpu.memory_space<hbm>>
        tpu.enqueue_indirect_dma source(%dma_start3A_214 : memref<10000x64xf32, #tpu.memory_space<hbm>>) target(%arg9 : memref<128x64xf32, #tpu.memory_space<vmem>>) offsets(%dma_start3A_211 : memref<128xi32, #tpu.memory_space<vmem>>) semaphore(%arg16 : memref<!tpu.dma_semaphore, #tpu.memory_space<semaphore_mem>>)
      } else {
      }
      %add3A_177 = arith.constant 1024 : i32
      %add3A_178 = arith.addi %mul3A_90, %add3A_177 : i32
      %lt3A_179 = arith.constant 9984 : i32
      %lt3A_180 = arith.cmpi slt, %add3A_178, %lt3A_179 : i32
      %convert_element_type3A_181 = arith.extui %lt3A_180 : i1 to i32
      %cond3A_182 = arith.constant 0 : i32
      %cond3A_183 = arith.cmpi ne, %convert_element_type3A_181, %cond3A_182 : i32
      scf.if %cond3A_183 {
        %add3A_205 = arith.constant 256 : i32
        %add3A_206 = arith.addi %mul3A_90, %add3A_205 : i32
        %dma_wait3A_207 = tpu.memref_slice %arg7[%add3A_206] : memref<10112xi32, #tpu.memory_space<vmem>> -> memref<128xi32, #tpu.memory_space<vmem>>
        %dma_wait3A_208 = arith.constant 0 : i32
        %dma_wait3A_209 = arith.constant 0 : i32
        %dma_wait3A_210 = tpu.memref_slice %arg14[%dma_wait3A_208, %dma_wait3A_209] : memref<10000x64xf32, #tpu.memory_space<vmem_shared>> -> memref<10000x64xf32, #tpu.memory_space<vmem_shared>>
        tpu.wait_indirect_dma semaphore(%arg23 : memref<!tpu.dma_semaphore, #tpu.memory_space<semaphore_mem>>) src(%arg10 : memref<128x64xf32, #tpu.memory_space<vmem>>) dst(%dma_wait3A_210 : memref<10000x64xf32, #tpu.memory_space<vmem_shared>>)
        %dma_start3A_211 = tpu.memref_slice %arg6[%add3A_178] : memref<10112xi32, #tpu.memory_space<vmem>> -> memref<128xi32, #tpu.memory_space<vmem>>
        %dma_start3A_212 = arith.constant 0 : i32
        %dma_start3A_213 = arith.constant 0 : i32
        %dma_start3A_214 = tpu.memref_slice %arg2[%dma_start3A_212, %dma_start3A_213] : memref<10000x64xf32, #tpu.memory_space<hbm>> -> memref<10000x64xf32, #tpu.memory_space<hbm>>
        tpu.enqueue_indirect_dma source(%dma_start3A_214 : memref<10000x64xf32, #tpu.memory_space<hbm>>) target(%arg10 : memref<128x64xf32, #tpu.memory_space<vmem>>) offsets(%dma_start3A_211 : memref<128xi32, #tpu.memory_space<vmem>>) semaphore(%arg17 : memref<!tpu.dma_semaphore, #tpu.memory_space<semaphore_mem>>)
      } else {
      }
      %add3A_184 = arith.constant 1152 : i32
      %add3A_185 = arith.addi %mul3A_90, %add3A_184 : i32
      %lt3A_186 = arith.constant 9984 : i32
      %lt3A_187 = arith.cmpi slt, %add3A_185, %lt3A_186 : i32
      %convert_element_type3A_188 = arith.extui %lt3A_187 : i1 to i32
      %cond3A_189 = arith.constant 0 : i32
      %cond3A_190 = arith.cmpi ne, %convert_element_type3A_188, %cond3A_189 : i32
      scf.if %cond3A_190 {
        %add3A_205 = arith.constant 384 : i32
        %add3A_206 = arith.addi %mul3A_90, %add3A_205 : i32
        %dma_wait3A_207 = tpu.memref_slice %arg7[%add3A_206] : memref<10112xi32, #tpu.memory_space<vmem>> -> memref<128xi32, #tpu.memory_space<vmem>>
        %dma_wait3A_208 = arith.constant 0 : i32
        %dma_wait3A_209 = arith.constant 0 : i32
        %dma_wait3A_210 = tpu.memref_slice %arg14[%dma_wait3A_208, %dma_wait3A_209] : memref<10000x64xf32, #tpu.memory_space<vmem_shared>> -> memref<10000x64xf32, #tpu.memory_space<vmem_shared>>
        tpu.wait_indirect_dma semaphore(%arg24 : memref<!tpu.dma_semaphore, #tpu.memory_space<semaphore_mem>>) src(%arg11 : memref<128x64xf32, #tpu.memory_space<vmem>>) dst(%dma_wait3A_210 : memref<10000x64xf32, #tpu.memory_space<vmem_shared>>)
        %dma_start3A_211 = tpu.memref_slice %arg6[%add3A_185] : memref<10112xi32, #tpu.memory_space<vmem>> -> memref<128xi32, #tpu.memory_space<vmem>>
        %dma_start3A_212 = arith.constant 0 : i32
        %dma_start3A_213 = arith.constant 0 : i32
        %dma_start3A_214 = tpu.memref_slice %arg2[%dma_start3A_212, %dma_start3A_213] : memref<10000x64xf32, #tpu.memory_space<hbm>> -> memref<10000x64xf32, #tpu.memory_space<hbm>>
        tpu.enqueue_indirect_dma source(%dma_start3A_214 : memref<10000x64xf32, #tpu.memory_space<hbm>>) target(%arg11 : memref<128x64xf32, #tpu.memory_space<vmem>>) offsets(%dma_start3A_211 : memref<128xi32, #tpu.memory_space<vmem>>) semaphore(%arg18 : memref<!tpu.dma_semaphore, #tpu.memory_space<semaphore_mem>>)
      } else {
      }
      %add3A_191 = arith.constant 1280 : i32
      %add3A_192 = arith.addi %mul3A_90, %add3A_191 : i32
      %lt3A_193 = arith.constant 9984 : i32
      %lt3A_194 = arith.cmpi slt, %add3A_192, %lt3A_193 : i32
      %convert_element_type3A_195 = arith.extui %lt3A_194 : i1 to i32
      %cond3A_196 = arith.constant 0 : i32
      %cond3A_197 = arith.cmpi ne, %convert_element_type3A_195, %cond3A_196 : i32
      scf.if %cond3A_197 {
        %add3A_205 = arith.constant 512 : i32
        %add3A_206 = arith.addi %mul3A_90, %add3A_205 : i32
        %dma_wait3A_207 = tpu.memref_slice %arg7[%add3A_206] : memref<10112xi32, #tpu.memory_space<vmem>> -> memref<128xi32, #tpu.memory_space<vmem>>
        %dma_wait3A_208 = arith.constant 0 : i32
        %dma_wait3A_209 = arith.constant 0 : i32
        %dma_wait3A_210 = tpu.memref_slice %arg14[%dma_wait3A_208, %dma_wait3A_209] : memref<10000x64xf32, #tpu.memory_space<vmem_shared>> -> memref<10000x64xf32, #tpu.memory_space<vmem_shared>>
        tpu.wait_indirect_dma semaphore(%arg25 : memref<!tpu.dma_semaphore, #tpu.memory_space<semaphore_mem>>) src(%arg12 : memref<128x64xf32, #tpu.memory_space<vmem>>) dst(%dma_wait3A_210 : memref<10000x64xf32, #tpu.memory_space<vmem_shared>>)
        %dma_start3A_211 = tpu.memref_slice %arg6[%add3A_192] : memref<10112xi32, #tpu.memory_space<vmem>> -> memref<128xi32, #tpu.memory_space<vmem>>
        %dma_start3A_212 = arith.constant 0 : i32
        %dma_start3A_213 = arith.constant 0 : i32
        %dma_start3A_214 = tpu.memref_slice %arg2[%dma_start3A_212, %dma_start3A_213] : memref<10000x64xf32, #tpu.memory_space<hbm>> -> memref<10000x64xf32, #tpu.memory_space<hbm>>
        tpu.enqueue_indirect_dma source(%dma_start3A_214 : memref<10000x64xf32, #tpu.memory_space<hbm>>) target(%arg12 : memref<128x64xf32, #tpu.memory_space<vmem>>) offsets(%dma_start3A_211 : memref<128xi32, #tpu.memory_space<vmem>>) semaphore(%arg19 : memref<!tpu.dma_semaphore, #tpu.memory_space<semaphore_mem>>)
      } else {
      }
      %add3A_198 = arith.constant 1408 : i32
      %add3A_199 = arith.addi %mul3A_90, %add3A_198 : i32
      %lt3A_200 = arith.constant 9984 : i32
      %lt3A_201 = arith.cmpi slt, %add3A_199, %lt3A_200 : i32
      %convert_element_type3A_202 = arith.extui %lt3A_201 : i1 to i32
      %cond3A_203 = arith.constant 0 : i32
      %cond3A_204 = arith.cmpi ne, %convert_element_type3A_202, %cond3A_203 : i32
      scf.if %cond3A_204 {
        %add3A_205 = arith.constant 640 : i32
        %add3A_206 = arith.addi %mul3A_90, %add3A_205 : i32
        %dma_wait3A_207 = tpu.memref_slice %arg7[%add3A_206] : memref<10112xi32, #tpu.memory_space<vmem>> -> memref<128xi32, #tpu.memory_space<vmem>>
        %dma_wait3A_208 = arith.constant 0 : i32
        %dma_wait3A_209 = arith.constant 0 : i32
        %dma_wait3A_210 = tpu.memref_slice %arg14[%dma_wait3A_208, %dma_wait3A_209] : memref<10000x64xf32, #tpu.memory_space<vmem_shared>> -> memref<10000x64xf32, #tpu.memory_space<vmem_shared>>
        tpu.wait_indirect_dma semaphore(%arg26 : memref<!tpu.dma_semaphore, #tpu.memory_space<semaphore_mem>>) src(%arg13 : memref<128x64xf32, #tpu.memory_space<vmem>>) dst(%dma_wait3A_210 : memref<10000x64xf32, #tpu.memory_space<vmem_shared>>)
        %dma_start3A_211 = tpu.memref_slice %arg6[%add3A_199] : memref<10112xi32, #tpu.memory_space<vmem>> -> memref<128xi32, #tpu.memory_space<vmem>>
        %dma_start3A_212 = arith.constant 0 : i32
        %dma_start3A_213 = arith.constant 0 : i32
        %dma_start3A_214 = tpu.memref_slice %arg2[%dma_start3A_212, %dma_start3A_213] : memref<10000x64xf32, #tpu.memory_space<hbm>> -> memref<10000x64xf32, #tpu.memory_space<hbm>>
        tpu.enqueue_indirect_dma source(%dma_start3A_214 : memref<10000x64xf32, #tpu.memory_space<hbm>>) target(%arg13 : memref<128x64xf32, #tpu.memory_space<vmem>>) offsets(%dma_start3A_211 : memref<128xi32, #tpu.memory_space<vmem>>) semaphore(%arg20 : memref<!tpu.dma_semaphore, #tpu.memory_space<semaphore_mem>>)
      } else {
      }
    }
    %scan3A_42 = arith.constant 13 : i32
    %dma_wait3A = arith.constant 9216 : i32
    %dma_wait3A_43 = tpu.memref_slice %arg7[%dma_wait3A] : memref<10112xi32, #tpu.memory_space<vmem>> -> memref<128xi32, #tpu.memory_space<vmem>>
    %dma_wait3A_44 = arith.constant 0 : i32
    %dma_wait3A_45 = arith.constant 0 : i32
    %dma_wait3A_46 = tpu.memref_slice %arg14[%dma_wait3A_44, %dma_wait3A_45] : memref<10000x64xf32, #tpu.memory_space<vmem_shared>> -> memref<10000x64xf32, #tpu.memory_space<vmem_shared>>
    tpu.wait_indirect_dma semaphore(%arg21 : memref<!tpu.dma_semaphore, #tpu.memory_space<semaphore_mem>>) src(%arg8 : memref<128x64xf32, #tpu.memory_space<vmem>>) dst(%dma_wait3A_46 : memref<10000x64xf32, #tpu.memory_space<vmem_shared>>)
    %dma_wait3A_47 = arith.constant 9344 : i32
    %dma_wait3A_48 = tpu.memref_slice %arg7[%dma_wait3A_47] : memref<10112xi32, #tpu.memory_space<vmem>> -> memref<128xi32, #tpu.memory_space<vmem>>
    %dma_wait3A_49 = arith.constant 0 : i32
    %dma_wait3A_50 = arith.constant 0 : i32
    %dma_wait3A_51 = tpu.memref_slice %arg14[%dma_wait3A_49, %dma_wait3A_50] : memref<10000x64xf32, #tpu.memory_space<vmem_shared>> -> memref<10000x64xf32, #tpu.memory_space<vmem_shared>>
    tpu.wait_indirect_dma semaphore(%arg22 : memref<!tpu.dma_semaphore, #tpu.memory_space<semaphore_mem>>) src(%arg9 : memref<128x64xf32, #tpu.memory_space<vmem>>) dst(%dma_wait3A_51 : memref<10000x64xf32, #tpu.memory_space<vmem_shared>>)
    %dma_wait3A_52 = arith.constant 9472 : i32
    %dma_wait3A_53 = tpu.memref_slice %arg7[%dma_wait3A_52] : memref<10112xi32, #tpu.memory_space<vmem>> -> memref<128xi32, #tpu.memory_space<vmem>>
    %dma_wait3A_54 = arith.constant 0 : i32
    %dma_wait3A_55 = arith.constant 0 : i32
    %dma_wait3A_56 = tpu.memref_slice %arg14[%dma_wait3A_54, %dma_wait3A_55] : memref<10000x64xf32, #tpu.memory_space<vmem_shared>> -> memref<10000x64xf32, #tpu.memory_space<vmem_shared>>
    tpu.wait_indirect_dma semaphore(%arg23 : memref<!tpu.dma_semaphore, #tpu.memory_space<semaphore_mem>>) src(%arg10 : memref<128x64xf32, #tpu.memory_space<vmem>>) dst(%dma_wait3A_56 : memref<10000x64xf32, #tpu.memory_space<vmem_shared>>)
    %dma_wait3A_57 = arith.constant 9600 : i32
    %dma_wait3A_58 = tpu.memref_slice %arg7[%dma_wait3A_57] : memref<10112xi32, #tpu.memory_space<vmem>> -> memref<128xi32, #tpu.memory_space<vmem>>
    %dma_wait3A_59 = arith.constant 0 : i32
    %dma_wait3A_60 = arith.constant 0 : i32
    %dma_wait3A_61 = tpu.memref_slice %arg14[%dma_wait3A_59, %dma_wait3A_60] : memref<10000x64xf32, #tpu.memory_space<vmem_shared>> -> memref<10000x64xf32, #tpu.memory_space<vmem_shared>>
    tpu.wait_indirect_dma semaphore(%arg24 : memref<!tpu.dma_semaphore, #tpu.memory_space<semaphore_mem>>) src(%arg11 : memref<128x64xf32, #tpu.memory_space<vmem>>) dst(%dma_wait3A_61 : memref<10000x64xf32, #tpu.memory_space<vmem_shared>>)
    %dma_wait3A_62 = arith.constant 9728 : i32
    %dma_wait3A_63 = tpu.memref_slice %arg7[%dma_wait3A_62] : memref<10112xi32, #tpu.memory_space<vmem>> -> memref<128xi32, #tpu.memory_space<vmem>>
    %dma_wait3A_64 = arith.constant 0 : i32
    %dma_wait3A_65 = arith.constant 0 : i32
    %dma_wait3A_66 = tpu.memref_slice %arg14[%dma_wait3A_64, %dma_wait3A_65] : memref<10000x64xf32, #tpu.memory_space<vmem_shared>> -> memref<10000x64xf32, #tpu.memory_space<vmem_shared>>
    tpu.wait_indirect_dma semaphore(%arg25 : memref<!tpu.dma_semaphore, #tpu.memory_space<semaphore_mem>>) src(%arg12 : memref<128x64xf32, #tpu.memory_space<vmem>>) dst(%dma_wait3A_66 : memref<10000x64xf32, #tpu.memory_space<vmem_shared>>)
    %dma_wait3A_67 = arith.constant 9856 : i32
    %dma_wait3A_68 = tpu.memref_slice %arg7[%dma_wait3A_67] : memref<10112xi32, #tpu.memory_space<vmem>> -> memref<128xi32, #tpu.memory_space<vmem>>
    %dma_wait3A_69 = arith.constant 0 : i32
    %dma_wait3A_70 = arith.constant 0 : i32
    %dma_wait3A_71 = tpu.memref_slice %arg14[%dma_wait3A_69, %dma_wait3A_70] : memref<10000x64xf32, #tpu.memory_space<vmem_shared>> -> memref<10000x64xf32, #tpu.memory_space<vmem_shared>>
    tpu.wait_indirect_dma semaphore(%arg26 : memref<!tpu.dma_semaphore, #tpu.memory_space<semaphore_mem>>) src(%arg13 : memref<128x64xf32, #tpu.memory_space<vmem>>) dst(%dma_wait3A_71 : memref<10000x64xf32, #tpu.memory_space<vmem_shared>>)
    %lt3A_72 = arith.constant 4 : i32
    %lt3A_73 = arith.cmpi slt, %add3A, %lt3A_72 : i32
    %convert_element_type3A_74 = arith.extui %lt3A_73 : i1 to i32
    %cond3A_75 = arith.constant 0 : i32
    %cond3A_76 = arith.cmpi ne, %convert_element_type3A_74, %cond3A_75 : i32
    scf.if %cond3A_76 {
      %dma_start3A_84 = arith.constant 9984 : i32
      %dma_start3A_85 = tpu.memref_slice %arg6[%dma_start3A_84] : memref<10112xi32, #tpu.memory_space<vmem>> -> memref<128xi32, #tpu.memory_space<vmem>>
      %dma_start3A_86 = arith.constant 0 : i32
      %dma_start3A_87 = arith.constant 0 : i32
      %dma_start3A_88 = tpu.memref_slice %arg2[%dma_start3A_86, %dma_start3A_87] : memref<10000x64xf32, #tpu.memory_space<hbm>> -> memref<10000x64xf32, #tpu.memory_space<hbm>>
      tpu.enqueue_indirect_dma source(%dma_start3A_88 : memref<10000x64xf32, #tpu.memory_space<hbm>>) target(%arg8 : memref<128x64xf32, #tpu.memory_space<vmem>>) offsets(%dma_start3A_85 : memref<128xi32, #tpu.memory_space<vmem>>) semaphore(%arg15 : memref<!tpu.dma_semaphore, #tpu.memory_space<semaphore_mem>>)
      %dma_wait3A_89 = arith.constant 9984 : i32
      %dma_wait3A_90 = tpu.memref_slice %arg6[%dma_wait3A_89] : memref<10112xi32, #tpu.memory_space<vmem>> -> memref<128xi32, #tpu.memory_space<vmem>>
      %dma_wait3A_91 = arith.constant 0 : i32
      %dma_wait3A_92 = arith.constant 0 : i32
      %dma_wait3A_93 = tpu.memref_slice %arg2[%dma_wait3A_91, %dma_wait3A_92] : memref<10000x64xf32, #tpu.memory_space<hbm>> -> memref<10000x64xf32, #tpu.memory_space<hbm>>
      tpu.wait_indirect_dma semaphore(%arg15 : memref<!tpu.dma_semaphore, #tpu.memory_space<semaphore_mem>>) src(%dma_wait3A_93 : memref<10000x64xf32, #tpu.memory_space<hbm>>) dst(%arg8 : memref<128x64xf32, #tpu.memory_space<vmem>>)
      %dma_start3A_94 = arith.constant 9984 : i32
      %dma_start3A_95 = tpu.memref_slice %arg7[%dma_start3A_94] : memref<10112xi32, #tpu.memory_space<vmem>> -> memref<128xi32, #tpu.memory_space<vmem>>
      %dma_start3A_96 = arith.constant 0 : i32
      %dma_start3A_97 = arith.constant 0 : i32
      %dma_start3A_98 = tpu.memref_slice %arg14[%dma_start3A_96, %dma_start3A_97] : memref<10000x64xf32, #tpu.memory_space<vmem_shared>> -> memref<10000x64xf32, #tpu.memory_space<vmem_shared>>
      tpu.enqueue_indirect_dma source(%arg8 : memref<128x64xf32, #tpu.memory_space<vmem>>) target(%dma_start3A_98 : memref<10000x64xf32, #tpu.memory_space<vmem_shared>>) offsets(%dma_start3A_95 : memref<128xi32, #tpu.memory_space<vmem>>) semaphore(%arg21 : memref<!tpu.dma_semaphore, #tpu.memory_space<semaphore_mem>>) {add = true}
      %dma_wait3A_99 = arith.constant 9984 : i32
      %dma_wait3A_100 = tpu.memref_slice %arg7[%dma_wait3A_99] : memref<10112xi32, #tpu.memory_space<vmem>> -> memref<128xi32, #tpu.memory_space<vmem>>
      %dma_wait3A_101 = arith.constant 0 : i32
      %dma_wait3A_102 = arith.constant 0 : i32
      %dma_wait3A_103 = tpu.memref_slice %arg14[%dma_wait3A_101, %dma_wait3A_102] : memref<10000x64xf32, #tpu.memory_space<vmem_shared>> -> memref<10000x64xf32, #tpu.memory_space<vmem_shared>>
      tpu.wait_indirect_dma semaphore(%arg21 : memref<!tpu.dma_semaphore, #tpu.memory_space<semaphore_mem>>) src(%arg8 : memref<128x64xf32, #tpu.memory_space<vmem>>) dst(%dma_wait3A_103 : memref<10000x64xf32, #tpu.memory_space<vmem_shared>>)
    } else {
    }
    %barrier3A_77 = arith.constant 0 : index
    tpu.barrier barrier_id(%barrier3A_77)
    %mul3A_78 = arith.constant 625 : i32
    %mul3A_79 = arith.muli %arg1, %mul3A_78 : i32
    %mul3A_80 = arith.constant 625 : i32
    %mul3A_81 = arith.muli %arg1, %mul3A_80 : i32
    %mul3A_82 = arith.constant 64 : i32
    %mul3A_83 = arith.muli %arg0, %mul3A_82 : i32
    "tpu.region"() ({
      %run_scoped3A_84 = tpu.sem_alloc : memref<!tpu.dma_semaphore, #tpu.memory_space<semaphore_mem>>
      %dma_start3A_85 = tpu.memref_slice %arg5[%mul3A_81, %mul3A_83] : memref<10000x128xf32, #tpu.memory_space<hbm>> -> memref<625x64xf32, #tpu.memory_space<hbm>>
      %dma_start3A_86 = arith.constant 0 : i32
      %dma_start3A_87 = tpu.memref_slice %arg14[%mul3A_79, %dma_start3A_86] : memref<10000x64xf32, #tpu.memory_space<vmem_shared>> -> memref<625x64xf32, #tpu.memory_space<vmem_shared>>
      tpu.enqueue_dma source(%dma_start3A_87 : memref<625x64xf32, #tpu.memory_space<vmem_shared>>) target(%dma_start3A_85 : memref<625x64xf32, #tpu.memory_space<hbm>>) target_semaphore(%run_scoped3A_84 : memref<!tpu.dma_semaphore, #tpu.memory_space<semaphore_mem>>)
      %dma_wait3A_88 = tpu.memref_slice %arg5[%mul3A_81, %mul3A_83] : memref<10000x128xf32, #tpu.memory_space<hbm>> -> memref<625x64xf32, #tpu.memory_space<hbm>>
      %dma_wait3A_89 = arith.constant 0 : i32
      %dma_wait3A_90 = tpu.memref_slice %arg14[%mul3A_79, %dma_wait3A_89] : memref<10000x64xf32, #tpu.memory_space<vmem_shared>> -> memref<625x64xf32, #tpu.memory_space<vmem_shared>>
      tpu.wait_dma2 semaphore(%run_scoped3A_84 : memref<!tpu.dma_semaphore, #tpu.memory_space<semaphore_mem>>) src(%dma_wait3A_90 : memref<625x64xf32, #tpu.memory_space<vmem_shared>>) dst(%dma_wait3A_88 : memref<625x64xf32, #tpu.memory_space<hbm>>)
      tpu.yield
    }) : () -> ()
    return
  }
}

#map = affine_map<(d0, d1) -> (0, 0)>
module attributes {stable_mosaic.version = 14 : i64} {
  func.func @deg_kernel(%arg0: i32, %arg1: i32, %arg2: memref<2x320000xi32, #tpu.memory_space<hbm>>, %arg3: memref<128x16xf32, #tpu.memory_space<hbm>>, %arg4: memref<625x16xf32, #tpu.memory_space<hbm>>, %arg5: memref<10000x128xf32, #tpu.memory_space<hbm>>, %arg6: memref<10112xi32, #tpu.memory_space<vmem>>, %arg7: memref<128x16xf32, #tpu.memory_space<vmem>>, %arg8: memref<10000x16xf32, #tpu.memory_space<vmem_shared>>, %arg9: memref<!tpu.dma_semaphore, #tpu.memory_space<semaphore_mem>>, %arg10: memref<!tpu.dma_semaphore, #tpu.memory_space<semaphore_mem>>, %arg11: memref<!tpu.dma_semaphore, #tpu.memory_space<semaphore_mem>>, %arg12: memref<!tpu.dma_semaphore, #tpu.memory_space<semaphore_mem>>, %arg13: memref<!tpu.dma_semaphore, #tpu.memory_space<semaphore_mem>>, %arg14: memref<!tpu.dma_semaphore, #tpu.memory_space<semaphore_mem>>) attributes {dimension_semantics = [#tpu.dimension_semantics<core_parallel>, #tpu.dimension_semantics<subcore_parallel>], iteration_bounds = array<i64: 2, 16>, scalar_prefetch = 0 : i64, scratch_operands = 9 : i64, tpu.core_type = #tpu.core_type<sc_vector_subcore>, window_params = [{transform_indices = #map}, {transform_indices = #map}, {transform_indices = #map}, {transform_indices = #map}]} {
    %mul3A = arith.constant 16 : i32
    %mul3A_0 = arith.muli %arg0, %mul3A : i32
    %add3A = arith.addi %mul3A_0, %arg1 : i32
    %mul3A_1 = arith.constant 9984 : i32
    %mul3A_2 = arith.muli %add3A, %mul3A_1 : i32
    %run_scoped3A = arith.constant 1 : i32
    "tpu.region"() ({
      %run_scoped3A_81 = tpu.sem_alloc : memref<!tpu.dma_semaphore, #tpu.memory_space<semaphore_mem>>
      %dma_start3A_82 = arith.constant 0 : i32
      %dma_start3A_83 = tpu.memref_slice %arg6[%dma_start3A_82] : memref<10112xi32, #tpu.memory_space<vmem>> -> memref<9984xi32, #tpu.memory_space<vmem>>
      %dma_start3A_84 = tpu.memref_slice %arg2[%run_scoped3A, %mul3A_2] : memref<2x320000xi32, #tpu.memory_space<hbm>> -> memref<1x9984xi32, #tpu.memory_space<hbm>>
      %dma_start3A_85 = tpu.memref_squeeze %dma_start3A_84 : memref<1x9984xi32, #tpu.memory_space<hbm>> -> memref<9984xi32, #tpu.memory_space<hbm>>
      %dma_start3A_86 = arith.constant 0 : i32
      %dma_start3A_87 = tpu.memref_slice %arg6[%dma_start3A_86] : memref<10112xi32, #tpu.memory_space<vmem>> -> memref<9984xi32, #tpu.memory_space<vmem>>
      %dma_start3A_88 = tpu.memref_slice %arg2[%run_scoped3A, %mul3A_2] : memref<2x320000xi32, #tpu.memory_space<hbm>> -> memref<1x9984xi32, #tpu.memory_space<hbm>>
      %dma_start3A_89 = tpu.memref_squeeze %dma_start3A_88 : memref<1x9984xi32, #tpu.memory_space<hbm>> -> memref<9984xi32, #tpu.memory_space<hbm>>
      tpu.enqueue_dma source(%dma_start3A_89 : memref<9984xi32, #tpu.memory_space<hbm>>) target(%dma_start3A_87 : memref<9984xi32, #tpu.memory_space<vmem>>) target_semaphore(%run_scoped3A_81 : memref<!tpu.dma_semaphore, #tpu.memory_space<semaphore_mem>>)
      %dma_wait3A_90 = arith.constant 0 : i32
      %dma_wait3A_91 = tpu.memref_slice %arg6[%dma_wait3A_90] : memref<10112xi32, #tpu.memory_space<vmem>> -> memref<9984xi32, #tpu.memory_space<vmem>>
      %dma_wait3A_92 = tpu.memref_slice %arg2[%run_scoped3A, %mul3A_2] : memref<2x320000xi32, #tpu.memory_space<hbm>> -> memref<1x9984xi32, #tpu.memory_space<hbm>>
      %dma_wait3A_93 = tpu.memref_squeeze %dma_wait3A_92 : memref<1x9984xi32, #tpu.memory_space<hbm>> -> memref<9984xi32, #tpu.memory_space<hbm>>
      %dma_wait3A_94 = arith.constant 0 : i32
      %dma_wait3A_95 = tpu.memref_slice %arg6[%dma_wait3A_94] : memref<10112xi32, #tpu.memory_space<vmem>> -> memref<9984xi32, #tpu.memory_space<vmem>>
      %dma_wait3A_96 = tpu.memref_slice %arg2[%run_scoped3A, %mul3A_2] : memref<2x320000xi32, #tpu.memory_space<hbm>> -> memref<1x9984xi32, #tpu.memory_space<hbm>>
      %dma_wait3A_97 = tpu.memref_squeeze %dma_wait3A_96 : memref<1x9984xi32, #tpu.memory_space<hbm>> -> memref<9984xi32, #tpu.memory_space<hbm>>
      tpu.wait_dma2 semaphore(%run_scoped3A_81 : memref<!tpu.dma_semaphore, #tpu.memory_space<semaphore_mem>>) src(%dma_wait3A_97 : memref<9984xi32, #tpu.memory_space<hbm>>) dst(%dma_wait3A_95 : memref<9984xi32, #tpu.memory_space<vmem>>)
      tpu.yield
    }) : () -> ()
    "tpu.region"() ({
      %run_scoped3A_81 = tpu.sem_alloc : memref<!tpu.dma_semaphore, #tpu.memory_space<semaphore_mem>>
      tpu.enqueue_dma source(%arg3 : memref<128x16xf32, #tpu.memory_space<hbm>>) target(%arg7 : memref<128x16xf32, #tpu.memory_space<vmem>>) target_semaphore(%run_scoped3A_81 : memref<!tpu.dma_semaphore, #tpu.memory_space<semaphore_mem>>)
      tpu.wait_dma2 semaphore(%run_scoped3A_81 : memref<!tpu.dma_semaphore, #tpu.memory_space<semaphore_mem>>) src(%arg3 : memref<128x16xf32, #tpu.memory_space<hbm>>) dst(%arg7 : memref<128x16xf32, #tpu.memory_space<vmem>>)
      tpu.yield
    }) : () -> ()
    %mul3A_3 = arith.constant 625 : i32
    %mul3A_4 = arith.muli %arg1, %mul3A_3 : i32
    "tpu.region"() ({
      %run_scoped3A_81 = tpu.sem_alloc : memref<!tpu.dma_semaphore, #tpu.memory_space<semaphore_mem>>
      %dma_start3A_82 = arith.constant 0 : i32
      %dma_start3A_83 = tpu.memref_slice %arg8[%mul3A_4, %dma_start3A_82] : memref<10000x16xf32, #tpu.memory_space<vmem_shared>> -> memref<625x16xf32, #tpu.memory_space<vmem_shared>>
      tpu.enqueue_dma source(%arg4 : memref<625x16xf32, #tpu.memory_space<hbm>>) target(%dma_start3A_83 : memref<625x16xf32, #tpu.memory_space<vmem_shared>>) target_semaphore(%run_scoped3A_81 : memref<!tpu.dma_semaphore, #tpu.memory_space<semaphore_mem>>)
      %dma_wait3A_84 = arith.constant 0 : i32
      %dma_wait3A_85 = tpu.memref_slice %arg8[%mul3A_4, %dma_wait3A_84] : memref<10000x16xf32, #tpu.memory_space<vmem_shared>> -> memref<625x16xf32, #tpu.memory_space<vmem_shared>>
      tpu.wait_dma2 semaphore(%run_scoped3A_81 : memref<!tpu.dma_semaphore, #tpu.memory_space<semaphore_mem>>) src(%arg4 : memref<625x16xf32, #tpu.memory_space<hbm>>) dst(%dma_wait3A_85 : memref<625x16xf32, #tpu.memory_space<vmem_shared>>)
      tpu.yield
    }) : () -> ()
    %lt3A = arith.constant 4 : i32
    %lt3A_5 = arith.cmpi slt, %add3A, %lt3A : i32
    %convert_element_type3A = arith.extui %lt3A_5 : i1 to i32
    %cond3A = arith.constant 0 : i32
    %cond3A_6 = arith.cmpi ne, %convert_element_type3A, %cond3A : i32
    scf.if %cond3A_6 {
      %mul3A_81 = arith.constant 128 : i32
      %mul3A_82 = arith.muli %add3A, %mul3A_81 : i32
      %add3A_83 = arith.constant 319488 : i32
      %add3A_84 = arith.addi %add3A_83, %mul3A_82 : i32
      %run_scoped3A_85 = arith.constant 1 : i32
      "tpu.region"() ({
        %run_scoped3A_86 = tpu.sem_alloc : memref<!tpu.dma_semaphore, #tpu.memory_space<semaphore_mem>>
        %dma_start3A_87 = arith.constant 9984 : i32
        %dma_start3A_88 = tpu.memref_slice %arg6[%dma_start3A_87] : memref<10112xi32, #tpu.memory_space<vmem>> -> memref<128xi32, #tpu.memory_space<vmem>>
        %dma_start3A_89 = tpu.memref_slice %arg2[%run_scoped3A_85, %add3A_84] : memref<2x320000xi32, #tpu.memory_space<hbm>> -> memref<1x128xi32, #tpu.memory_space<hbm>>
        %dma_start3A_90 = tpu.memref_squeeze %dma_start3A_89 : memref<1x128xi32, #tpu.memory_space<hbm>> -> memref<128xi32, #tpu.memory_space<hbm>>
        %dma_start3A_91 = arith.constant 9984 : i32
        %dma_start3A_92 = tpu.memref_slice %arg6[%dma_start3A_91] : memref<10112xi32, #tpu.memory_space<vmem>> -> memref<128xi32, #tpu.memory_space<vmem>>
        %dma_start3A_93 = tpu.memref_slice %arg2[%run_scoped3A_85, %add3A_84] : memref<2x320000xi32, #tpu.memory_space<hbm>> -> memref<1x128xi32, #tpu.memory_space<hbm>>
        %dma_start3A_94 = tpu.memref_squeeze %dma_start3A_93 : memref<1x128xi32, #tpu.memory_space<hbm>> -> memref<128xi32, #tpu.memory_space<hbm>>
        tpu.enqueue_dma source(%dma_start3A_94 : memref<128xi32, #tpu.memory_space<hbm>>) target(%dma_start3A_92 : memref<128xi32, #tpu.memory_space<vmem>>) target_semaphore(%run_scoped3A_86 : memref<!tpu.dma_semaphore, #tpu.memory_space<semaphore_mem>>)
        %dma_wait3A_95 = arith.constant 9984 : i32
        %dma_wait3A_96 = tpu.memref_slice %arg6[%dma_wait3A_95] : memref<10112xi32, #tpu.memory_space<vmem>> -> memref<128xi32, #tpu.memory_space<vmem>>
        %dma_wait3A_97 = tpu.memref_slice %arg2[%run_scoped3A_85, %add3A_84] : memref<2x320000xi32, #tpu.memory_space<hbm>> -> memref<1x128xi32, #tpu.memory_space<hbm>>
        %dma_wait3A_98 = tpu.memref_squeeze %dma_wait3A_97 : memref<1x128xi32, #tpu.memory_space<hbm>> -> memref<128xi32, #tpu.memory_space<hbm>>
        %dma_wait3A_99 = arith.constant 9984 : i32
        %dma_wait3A_100 = tpu.memref_slice %arg6[%dma_wait3A_99] : memref<10112xi32, #tpu.memory_space<vmem>> -> memref<128xi32, #tpu.memory_space<vmem>>
        %dma_wait3A_101 = tpu.memref_slice %arg2[%run_scoped3A_85, %add3A_84] : memref<2x320000xi32, #tpu.memory_space<hbm>> -> memref<1x128xi32, #tpu.memory_space<hbm>>
        %dma_wait3A_102 = tpu.memref_squeeze %dma_wait3A_101 : memref<1x128xi32, #tpu.memory_space<hbm>> -> memref<128xi32, #tpu.memory_space<hbm>>
        tpu.wait_dma2 semaphore(%run_scoped3A_86 : memref<!tpu.dma_semaphore, #tpu.memory_space<semaphore_mem>>) src(%dma_wait3A_102 : memref<128xi32, #tpu.memory_space<hbm>>) dst(%dma_wait3A_100 : memref<128xi32, #tpu.memory_space<vmem>>)
        tpu.yield
      }) : () -> ()
    } else {
    }
    %barrier3A = arith.constant 0 : index
    tpu.barrier barrier_id(%barrier3A)
    %dma_start3A = arith.constant 0 : i32
    %dma_start3A_7 = tpu.memref_slice %arg6[%dma_start3A] : memref<10112xi32, #tpu.memory_space<vmem>> -> memref<128xi32, #tpu.memory_space<vmem>>
    %dma_start3A_8 = arith.constant 0 : i32
    %dma_start3A_9 = arith.constant 0 : i32
    %dma_start3A_10 = tpu.memref_slice %arg8[%dma_start3A_8, %dma_start3A_9] : memref<10000x16xf32, #tpu.memory_space<vmem_shared>> -> memref<10000x16xf32, #tpu.memory_space<vmem_shared>>
    tpu.enqueue_indirect_dma source(%arg7 : memref<128x16xf32, #tpu.memory_space<vmem>>) target(%dma_start3A_10 : memref<10000x16xf32, #tpu.memory_space<vmem_shared>>) offsets(%dma_start3A_7 : memref<128xi32, #tpu.memory_space<vmem>>) semaphore(%arg9 : memref<!tpu.dma_semaphore, #tpu.memory_space<semaphore_mem>>) {add = true}
    %dma_start3A_11 = arith.constant 128 : i32
    %dma_start3A_12 = tpu.memref_slice %arg6[%dma_start3A_11] : memref<10112xi32, #tpu.memory_space<vmem>> -> memref<128xi32, #tpu.memory_space<vmem>>
    %dma_start3A_13 = arith.constant 0 : i32
    %dma_start3A_14 = arith.constant 0 : i32
    %dma_start3A_15 = tpu.memref_slice %arg8[%dma_start3A_13, %dma_start3A_14] : memref<10000x16xf32, #tpu.memory_space<vmem_shared>> -> memref<10000x16xf32, #tpu.memory_space<vmem_shared>>
    tpu.enqueue_indirect_dma source(%arg7 : memref<128x16xf32, #tpu.memory_space<vmem>>) target(%dma_start3A_15 : memref<10000x16xf32, #tpu.memory_space<vmem_shared>>) offsets(%dma_start3A_12 : memref<128xi32, #tpu.memory_space<vmem>>) semaphore(%arg10 : memref<!tpu.dma_semaphore, #tpu.memory_space<semaphore_mem>>) {add = true}
    %dma_start3A_16 = arith.constant 256 : i32
    %dma_start3A_17 = tpu.memref_slice %arg6[%dma_start3A_16] : memref<10112xi32, #tpu.memory_space<vmem>> -> memref<128xi32, #tpu.memory_space<vmem>>
    %dma_start3A_18 = arith.constant 0 : i32
    %dma_start3A_19 = arith.constant 0 : i32
    %dma_start3A_20 = tpu.memref_slice %arg8[%dma_start3A_18, %dma_start3A_19] : memref<10000x16xf32, #tpu.memory_space<vmem_shared>> -> memref<10000x16xf32, #tpu.memory_space<vmem_shared>>
    tpu.enqueue_indirect_dma source(%arg7 : memref<128x16xf32, #tpu.memory_space<vmem>>) target(%dma_start3A_20 : memref<10000x16xf32, #tpu.memory_space<vmem_shared>>) offsets(%dma_start3A_17 : memref<128xi32, #tpu.memory_space<vmem>>) semaphore(%arg11 : memref<!tpu.dma_semaphore, #tpu.memory_space<semaphore_mem>>) {add = true}
    %dma_start3A_21 = arith.constant 384 : i32
    %dma_start3A_22 = tpu.memref_slice %arg6[%dma_start3A_21] : memref<10112xi32, #tpu.memory_space<vmem>> -> memref<128xi32, #tpu.memory_space<vmem>>
    %dma_start3A_23 = arith.constant 0 : i32
    %dma_start3A_24 = arith.constant 0 : i32
    %dma_start3A_25 = tpu.memref_slice %arg8[%dma_start3A_23, %dma_start3A_24] : memref<10000x16xf32, #tpu.memory_space<vmem_shared>> -> memref<10000x16xf32, #tpu.memory_space<vmem_shared>>
    tpu.enqueue_indirect_dma source(%arg7 : memref<128x16xf32, #tpu.memory_space<vmem>>) target(%dma_start3A_25 : memref<10000x16xf32, #tpu.memory_space<vmem_shared>>) offsets(%dma_start3A_22 : memref<128xi32, #tpu.memory_space<vmem>>) semaphore(%arg12 : memref<!tpu.dma_semaphore, #tpu.memory_space<semaphore_mem>>) {add = true}
    %dma_start3A_26 = arith.constant 512 : i32
    %dma_start3A_27 = tpu.memref_slice %arg6[%dma_start3A_26] : memref<10112xi32, #tpu.memory_space<vmem>> -> memref<128xi32, #tpu.memory_space<vmem>>
    %dma_start3A_28 = arith.constant 0 : i32
    %dma_start3A_29 = arith.constant 0 : i32
    %dma_start3A_30 = tpu.memref_slice %arg8[%dma_start3A_28, %dma_start3A_29] : memref<10000x16xf32, #tpu.memory_space<vmem_shared>> -> memref<10000x16xf32, #tpu.memory_space<vmem_shared>>
    tpu.enqueue_indirect_dma source(%arg7 : memref<128x16xf32, #tpu.memory_space<vmem>>) target(%dma_start3A_30 : memref<10000x16xf32, #tpu.memory_space<vmem_shared>>) offsets(%dma_start3A_27 : memref<128xi32, #tpu.memory_space<vmem>>) semaphore(%arg13 : memref<!tpu.dma_semaphore, #tpu.memory_space<semaphore_mem>>) {add = true}
    %dma_start3A_31 = arith.constant 640 : i32
    %dma_start3A_32 = tpu.memref_slice %arg6[%dma_start3A_31] : memref<10112xi32, #tpu.memory_space<vmem>> -> memref<128xi32, #tpu.memory_space<vmem>>
    %dma_start3A_33 = arith.constant 0 : i32
    %dma_start3A_34 = arith.constant 0 : i32
    %dma_start3A_35 = tpu.memref_slice %arg8[%dma_start3A_33, %dma_start3A_34] : memref<10000x16xf32, #tpu.memory_space<vmem_shared>> -> memref<10000x16xf32, #tpu.memory_space<vmem_shared>>
    tpu.enqueue_indirect_dma source(%arg7 : memref<128x16xf32, #tpu.memory_space<vmem>>) target(%dma_start3A_35 : memref<10000x16xf32, #tpu.memory_space<vmem_shared>>) offsets(%dma_start3A_32 : memref<128xi32, #tpu.memory_space<vmem>>) semaphore(%arg14 : memref<!tpu.dma_semaphore, #tpu.memory_space<semaphore_mem>>) {add = true}
    %scan3A = arith.constant 0 : i32
    %scan3A_36 = arith.constant 12 : i32
    %scan3A_37 = arith.addi %scan3A, %scan3A_36 : i32
    %scan3A_38 = arith.constant 1 : i32
    scf.for %scan3A_81 = %scan3A to %scan3A_37 step %scan3A_38  : i32 {
      %mul3A_82 = arith.constant 1 : i32
      %mul3A_83 = arith.muli %scan3A_81, %mul3A_82 : i32
      %add3A_84 = arith.constant 0 : i32
      %add3A_85 = arith.addi %add3A_84, %mul3A_83 : i32
      %mul3A_86 = arith.constant 768 : i32
      %mul3A_87 = arith.muli %add3A_85, %mul3A_86 : i32
      %add3A_88 = arith.constant 0 : i32
      %add3A_89 = arith.addi %mul3A_87, %add3A_88 : i32
      %dma_wait3A_90 = tpu.memref_slice %arg6[%add3A_89] : memref<10112xi32, #tpu.memory_space<vmem>> -> memref<128xi32, #tpu.memory_space<vmem>>
      %dma_wait3A_91 = arith.constant 0 : i32
      %dma_wait3A_92 = arith.constant 0 : i32
      %dma_wait3A_93 = tpu.memref_slice %arg8[%dma_wait3A_91, %dma_wait3A_92] : memref<10000x16xf32, #tpu.memory_space<vmem_shared>> -> memref<10000x16xf32, #tpu.memory_space<vmem_shared>>
      tpu.wait_indirect_dma semaphore(%arg9 : memref<!tpu.dma_semaphore, #tpu.memory_space<semaphore_mem>>) src(%arg7 : memref<128x16xf32, #tpu.memory_space<vmem>>) dst(%dma_wait3A_93 : memref<10000x16xf32, #tpu.memory_space<vmem_shared>>)
      %add3A_94 = arith.constant 768 : i32
      %add3A_95 = arith.addi %mul3A_87, %add3A_94 : i32
      %dma_start3A_96 = tpu.memref_slice %arg6[%add3A_95] : memref<10112xi32, #tpu.memory_space<vmem>> -> memref<128xi32, #tpu.memory_space<vmem>>
      %dma_start3A_97 = arith.constant 0 : i32
      %dma_start3A_98 = arith.constant 0 : i32
      %dma_start3A_99 = tpu.memref_slice %arg8[%dma_start3A_97, %dma_start3A_98] : memref<10000x16xf32, #tpu.memory_space<vmem_shared>> -> memref<10000x16xf32, #tpu.memory_space<vmem_shared>>
      tpu.enqueue_indirect_dma source(%arg7 : memref<128x16xf32, #tpu.memory_space<vmem>>) target(%dma_start3A_99 : memref<10000x16xf32, #tpu.memory_space<vmem_shared>>) offsets(%dma_start3A_96 : memref<128xi32, #tpu.memory_space<vmem>>) semaphore(%arg9 : memref<!tpu.dma_semaphore, #tpu.memory_space<semaphore_mem>>) {add = true}
      %add3A_100 = arith.constant 128 : i32
      %add3A_101 = arith.addi %mul3A_87, %add3A_100 : i32
      %dma_wait3A_102 = tpu.memref_slice %arg6[%add3A_101] : memref<10112xi32, #tpu.memory_space<vmem>> -> memref<128xi32, #tpu.memory_space<vmem>>
      %dma_wait3A_103 = arith.constant 0 : i32
      %dma_wait3A_104 = arith.constant 0 : i32
      %dma_wait3A_105 = tpu.memref_slice %arg8[%dma_wait3A_103, %dma_wait3A_104] : memref<10000x16xf32, #tpu.memory_space<vmem_shared>> -> memref<10000x16xf32, #tpu.memory_space<vmem_shared>>
      tpu.wait_indirect_dma semaphore(%arg10 : memref<!tpu.dma_semaphore, #tpu.memory_space<semaphore_mem>>) src(%arg7 : memref<128x16xf32, #tpu.memory_space<vmem>>) dst(%dma_wait3A_105 : memref<10000x16xf32, #tpu.memory_space<vmem_shared>>)
      %add3A_106 = arith.constant 896 : i32
      %add3A_107 = arith.addi %mul3A_87, %add3A_106 : i32
      %dma_start3A_108 = tpu.memref_slice %arg6[%add3A_107] : memref<10112xi32, #tpu.memory_space<vmem>> -> memref<128xi32, #tpu.memory_space<vmem>>
      %dma_start3A_109 = arith.constant 0 : i32
      %dma_start3A_110 = arith.constant 0 : i32
      %dma_start3A_111 = tpu.memref_slice %arg8[%dma_start3A_109, %dma_start3A_110] : memref<10000x16xf32, #tpu.memory_space<vmem_shared>> -> memref<10000x16xf32, #tpu.memory_space<vmem_shared>>
      tpu.enqueue_indirect_dma source(%arg7 : memref<128x16xf32, #tpu.memory_space<vmem>>) target(%dma_start3A_111 : memref<10000x16xf32, #tpu.memory_space<vmem_shared>>) offsets(%dma_start3A_108 : memref<128xi32, #tpu.memory_space<vmem>>) semaphore(%arg10 : memref<!tpu.dma_semaphore, #tpu.memory_space<semaphore_mem>>) {add = true}
      %add3A_112 = arith.constant 256 : i32
      %add3A_113 = arith.addi %mul3A_87, %add3A_112 : i32
      %dma_wait3A_114 = tpu.memref_slice %arg6[%add3A_113] : memref<10112xi32, #tpu.memory_space<vmem>> -> memref<128xi32, #tpu.memory_space<vmem>>
      %dma_wait3A_115 = arith.constant 0 : i32
      %dma_wait3A_116 = arith.constant 0 : i32
      %dma_wait3A_117 = tpu.memref_slice %arg8[%dma_wait3A_115, %dma_wait3A_116] : memref<10000x16xf32, #tpu.memory_space<vmem_shared>> -> memref<10000x16xf32, #tpu.memory_space<vmem_shared>>
      tpu.wait_indirect_dma semaphore(%arg11 : memref<!tpu.dma_semaphore, #tpu.memory_space<semaphore_mem>>) src(%arg7 : memref<128x16xf32, #tpu.memory_space<vmem>>) dst(%dma_wait3A_117 : memref<10000x16xf32, #tpu.memory_space<vmem_shared>>)
      %add3A_118 = arith.constant 1024 : i32
      %add3A_119 = arith.addi %mul3A_87, %add3A_118 : i32
      %dma_start3A_120 = tpu.memref_slice %arg6[%add3A_119] : memref<10112xi32, #tpu.memory_space<vmem>> -> memref<128xi32, #tpu.memory_space<vmem>>
      %dma_start3A_121 = arith.constant 0 : i32
      %dma_start3A_122 = arith.constant 0 : i32
      %dma_start3A_123 = tpu.memref_slice %arg8[%dma_start3A_121, %dma_start3A_122] : memref<10000x16xf32, #tpu.memory_space<vmem_shared>> -> memref<10000x16xf32, #tpu.memory_space<vmem_shared>>
      tpu.enqueue_indirect_dma source(%arg7 : memref<128x16xf32, #tpu.memory_space<vmem>>) target(%dma_start3A_123 : memref<10000x16xf32, #tpu.memory_space<vmem_shared>>) offsets(%dma_start3A_120 : memref<128xi32, #tpu.memory_space<vmem>>) semaphore(%arg11 : memref<!tpu.dma_semaphore, #tpu.memory_space<semaphore_mem>>) {add = true}
      %add3A_124 = arith.constant 384 : i32
      %add3A_125 = arith.addi %mul3A_87, %add3A_124 : i32
      %dma_wait3A_126 = tpu.memref_slice %arg6[%add3A_125] : memref<10112xi32, #tpu.memory_space<vmem>> -> memref<128xi32, #tpu.memory_space<vmem>>
      %dma_wait3A_127 = arith.constant 0 : i32
      %dma_wait3A_128 = arith.constant 0 : i32
      %dma_wait3A_129 = tpu.memref_slice %arg8[%dma_wait3A_127, %dma_wait3A_128] : memref<10000x16xf32, #tpu.memory_space<vmem_shared>> -> memref<10000x16xf32, #tpu.memory_space<vmem_shared>>
      tpu.wait_indirect_dma semaphore(%arg12 : memref<!tpu.dma_semaphore, #tpu.memory_space<semaphore_mem>>) src(%arg7 : memref<128x16xf32, #tpu.memory_space<vmem>>) dst(%dma_wait3A_129 : memref<10000x16xf32, #tpu.memory_space<vmem_shared>>)
      %add3A_130 = arith.constant 1152 : i32
      %add3A_131 = arith.addi %mul3A_87, %add3A_130 : i32
      %dma_start3A_132 = tpu.memref_slice %arg6[%add3A_131] : memref<10112xi32, #tpu.memory_space<vmem>> -> memref<128xi32, #tpu.memory_space<vmem>>
      %dma_start3A_133 = arith.constant 0 : i32
      %dma_start3A_134 = arith.constant 0 : i32
      %dma_start3A_135 = tpu.memref_slice %arg8[%dma_start3A_133, %dma_start3A_134] : memref<10000x16xf32, #tpu.memory_space<vmem_shared>> -> memref<10000x16xf32, #tpu.memory_space<vmem_shared>>
      tpu.enqueue_indirect_dma source(%arg7 : memref<128x16xf32, #tpu.memory_space<vmem>>) target(%dma_start3A_135 : memref<10000x16xf32, #tpu.memory_space<vmem_shared>>) offsets(%dma_start3A_132 : memref<128xi32, #tpu.memory_space<vmem>>) semaphore(%arg12 : memref<!tpu.dma_semaphore, #tpu.memory_space<semaphore_mem>>) {add = true}
      %add3A_136 = arith.constant 512 : i32
      %add3A_137 = arith.addi %mul3A_87, %add3A_136 : i32
      %dma_wait3A_138 = tpu.memref_slice %arg6[%add3A_137] : memref<10112xi32, #tpu.memory_space<vmem>> -> memref<128xi32, #tpu.memory_space<vmem>>
      %dma_wait3A_139 = arith.constant 0 : i32
      %dma_wait3A_140 = arith.constant 0 : i32
      %dma_wait3A_141 = tpu.memref_slice %arg8[%dma_wait3A_139, %dma_wait3A_140] : memref<10000x16xf32, #tpu.memory_space<vmem_shared>> -> memref<10000x16xf32, #tpu.memory_space<vmem_shared>>
      tpu.wait_indirect_dma semaphore(%arg13 : memref<!tpu.dma_semaphore, #tpu.memory_space<semaphore_mem>>) src(%arg7 : memref<128x16xf32, #tpu.memory_space<vmem>>) dst(%dma_wait3A_141 : memref<10000x16xf32, #tpu.memory_space<vmem_shared>>)
      %add3A_142 = arith.constant 1280 : i32
      %add3A_143 = arith.addi %mul3A_87, %add3A_142 : i32
      %dma_start3A_144 = tpu.memref_slice %arg6[%add3A_143] : memref<10112xi32, #tpu.memory_space<vmem>> -> memref<128xi32, #tpu.memory_space<vmem>>
      %dma_start3A_145 = arith.constant 0 : i32
      %dma_start3A_146 = arith.constant 0 : i32
      %dma_start3A_147 = tpu.memref_slice %arg8[%dma_start3A_145, %dma_start3A_146] : memref<10000x16xf32, #tpu.memory_space<vmem_shared>> -> memref<10000x16xf32, #tpu.memory_space<vmem_shared>>
      tpu.enqueue_indirect_dma source(%arg7 : memref<128x16xf32, #tpu.memory_space<vmem>>) target(%dma_start3A_147 : memref<10000x16xf32, #tpu.memory_space<vmem_shared>>) offsets(%dma_start3A_144 : memref<128xi32, #tpu.memory_space<vmem>>) semaphore(%arg13 : memref<!tpu.dma_semaphore, #tpu.memory_space<semaphore_mem>>) {add = true}
      %add3A_148 = arith.constant 640 : i32
      %add3A_149 = arith.addi %mul3A_87, %add3A_148 : i32
      %dma_wait3A_150 = tpu.memref_slice %arg6[%add3A_149] : memref<10112xi32, #tpu.memory_space<vmem>> -> memref<128xi32, #tpu.memory_space<vmem>>
      %dma_wait3A_151 = arith.constant 0 : i32
      %dma_wait3A_152 = arith.constant 0 : i32
      %dma_wait3A_153 = tpu.memref_slice %arg8[%dma_wait3A_151, %dma_wait3A_152] : memref<10000x16xf32, #tpu.memory_space<vmem_shared>> -> memref<10000x16xf32, #tpu.memory_space<vmem_shared>>
      tpu.wait_indirect_dma semaphore(%arg14 : memref<!tpu.dma_semaphore, #tpu.memory_space<semaphore_mem>>) src(%arg7 : memref<128x16xf32, #tpu.memory_space<vmem>>) dst(%dma_wait3A_153 : memref<10000x16xf32, #tpu.memory_space<vmem_shared>>)
      %add3A_154 = arith.constant 1408 : i32
      %add3A_155 = arith.addi %mul3A_87, %add3A_154 : i32
      %dma_start3A_156 = tpu.memref_slice %arg6[%add3A_155] : memref<10112xi32, #tpu.memory_space<vmem>> -> memref<128xi32, #tpu.memory_space<vmem>>
      %dma_start3A_157 = arith.constant 0 : i32
      %dma_start3A_158 = arith.constant 0 : i32
      %dma_start3A_159 = tpu.memref_slice %arg8[%dma_start3A_157, %dma_start3A_158] : memref<10000x16xf32, #tpu.memory_space<vmem_shared>> -> memref<10000x16xf32, #tpu.memory_space<vmem_shared>>
      tpu.enqueue_indirect_dma source(%arg7 : memref<128x16xf32, #tpu.memory_space<vmem>>) target(%dma_start3A_159 : memref<10000x16xf32, #tpu.memory_space<vmem_shared>>) offsets(%dma_start3A_156 : memref<128xi32, #tpu.memory_space<vmem>>) semaphore(%arg14 : memref<!tpu.dma_semaphore, #tpu.memory_space<semaphore_mem>>) {add = true}
    }
    %scan3A_39 = arith.constant 12 : i32
    %dma_wait3A = arith.constant 9216 : i32
    %dma_wait3A_40 = tpu.memref_slice %arg6[%dma_wait3A] : memref<10112xi32, #tpu.memory_space<vmem>> -> memref<128xi32, #tpu.memory_space<vmem>>
    %dma_wait3A_41 = arith.constant 0 : i32
    %dma_wait3A_42 = arith.constant 0 : i32
    %dma_wait3A_43 = tpu.memref_slice %arg8[%dma_wait3A_41, %dma_wait3A_42] : memref<10000x16xf32, #tpu.memory_space<vmem_shared>> -> memref<10000x16xf32, #tpu.memory_space<vmem_shared>>
    tpu.wait_indirect_dma semaphore(%arg9 : memref<!tpu.dma_semaphore, #tpu.memory_space<semaphore_mem>>) src(%arg7 : memref<128x16xf32, #tpu.memory_space<vmem>>) dst(%dma_wait3A_43 : memref<10000x16xf32, #tpu.memory_space<vmem_shared>>)
    %dma_wait3A_44 = arith.constant 9344 : i32
    %dma_wait3A_45 = tpu.memref_slice %arg6[%dma_wait3A_44] : memref<10112xi32, #tpu.memory_space<vmem>> -> memref<128xi32, #tpu.memory_space<vmem>>
    %dma_wait3A_46 = arith.constant 0 : i32
    %dma_wait3A_47 = arith.constant 0 : i32
    %dma_wait3A_48 = tpu.memref_slice %arg8[%dma_wait3A_46, %dma_wait3A_47] : memref<10000x16xf32, #tpu.memory_space<vmem_shared>> -> memref<10000x16xf32, #tpu.memory_space<vmem_shared>>
    tpu.wait_indirect_dma semaphore(%arg10 : memref<!tpu.dma_semaphore, #tpu.memory_space<semaphore_mem>>) src(%arg7 : memref<128x16xf32, #tpu.memory_space<vmem>>) dst(%dma_wait3A_48 : memref<10000x16xf32, #tpu.memory_space<vmem_shared>>)
    %dma_wait3A_49 = arith.constant 9472 : i32
    %dma_wait3A_50 = tpu.memref_slice %arg6[%dma_wait3A_49] : memref<10112xi32, #tpu.memory_space<vmem>> -> memref<128xi32, #tpu.memory_space<vmem>>
    %dma_wait3A_51 = arith.constant 0 : i32
    %dma_wait3A_52 = arith.constant 0 : i32
    %dma_wait3A_53 = tpu.memref_slice %arg8[%dma_wait3A_51, %dma_wait3A_52] : memref<10000x16xf32, #tpu.memory_space<vmem_shared>> -> memref<10000x16xf32, #tpu.memory_space<vmem_shared>>
    tpu.wait_indirect_dma semaphore(%arg11 : memref<!tpu.dma_semaphore, #tpu.memory_space<semaphore_mem>>) src(%arg7 : memref<128x16xf32, #tpu.memory_space<vmem>>) dst(%dma_wait3A_53 : memref<10000x16xf32, #tpu.memory_space<vmem_shared>>)
    %dma_wait3A_54 = arith.constant 9600 : i32
    %dma_wait3A_55 = tpu.memref_slice %arg6[%dma_wait3A_54] : memref<10112xi32, #tpu.memory_space<vmem>> -> memref<128xi32, #tpu.memory_space<vmem>>
    %dma_wait3A_56 = arith.constant 0 : i32
    %dma_wait3A_57 = arith.constant 0 : i32
    %dma_wait3A_58 = tpu.memref_slice %arg8[%dma_wait3A_56, %dma_wait3A_57] : memref<10000x16xf32, #tpu.memory_space<vmem_shared>> -> memref<10000x16xf32, #tpu.memory_space<vmem_shared>>
    tpu.wait_indirect_dma semaphore(%arg12 : memref<!tpu.dma_semaphore, #tpu.memory_space<semaphore_mem>>) src(%arg7 : memref<128x16xf32, #tpu.memory_space<vmem>>) dst(%dma_wait3A_58 : memref<10000x16xf32, #tpu.memory_space<vmem_shared>>)
    %dma_wait3A_59 = arith.constant 9728 : i32
    %dma_wait3A_60 = tpu.memref_slice %arg6[%dma_wait3A_59] : memref<10112xi32, #tpu.memory_space<vmem>> -> memref<128xi32, #tpu.memory_space<vmem>>
    %dma_wait3A_61 = arith.constant 0 : i32
    %dma_wait3A_62 = arith.constant 0 : i32
    %dma_wait3A_63 = tpu.memref_slice %arg8[%dma_wait3A_61, %dma_wait3A_62] : memref<10000x16xf32, #tpu.memory_space<vmem_shared>> -> memref<10000x16xf32, #tpu.memory_space<vmem_shared>>
    tpu.wait_indirect_dma semaphore(%arg13 : memref<!tpu.dma_semaphore, #tpu.memory_space<semaphore_mem>>) src(%arg7 : memref<128x16xf32, #tpu.memory_space<vmem>>) dst(%dma_wait3A_63 : memref<10000x16xf32, #tpu.memory_space<vmem_shared>>)
    %dma_wait3A_64 = arith.constant 9856 : i32
    %dma_wait3A_65 = tpu.memref_slice %arg6[%dma_wait3A_64] : memref<10112xi32, #tpu.memory_space<vmem>> -> memref<128xi32, #tpu.memory_space<vmem>>
    %dma_wait3A_66 = arith.constant 0 : i32
    %dma_wait3A_67 = arith.constant 0 : i32
    %dma_wait3A_68 = tpu.memref_slice %arg8[%dma_wait3A_66, %dma_wait3A_67] : memref<10000x16xf32, #tpu.memory_space<vmem_shared>> -> memref<10000x16xf32, #tpu.memory_space<vmem_shared>>
    tpu.wait_indirect_dma semaphore(%arg14 : memref<!tpu.dma_semaphore, #tpu.memory_space<semaphore_mem>>) src(%arg7 : memref<128x16xf32, #tpu.memory_space<vmem>>) dst(%dma_wait3A_68 : memref<10000x16xf32, #tpu.memory_space<vmem_shared>>)
    %lt3A_69 = arith.constant 4 : i32
    %lt3A_70 = arith.cmpi slt, %add3A, %lt3A_69 : i32
    %convert_element_type3A_71 = arith.extui %lt3A_70 : i1 to i32
    %cond3A_72 = arith.constant 0 : i32
    %cond3A_73 = arith.cmpi ne, %convert_element_type3A_71, %cond3A_72 : i32
    scf.if %cond3A_73 {
      "tpu.region"() ({
        %run_scoped3A_81 = tpu.sem_alloc : memref<!tpu.dma_semaphore, #tpu.memory_space<semaphore_mem>>
        %dma_start3A_82 = arith.constant 9984 : i32
        %dma_start3A_83 = tpu.memref_slice %arg6[%dma_start3A_82] : memref<10112xi32, #tpu.memory_space<vmem>> -> memref<128xi32, #tpu.memory_space<vmem>>
        %dma_start3A_84 = arith.constant 0 : i32
        %dma_start3A_85 = arith.constant 0 : i32
        %dma_start3A_86 = tpu.memref_slice %arg8[%dma_start3A_84, %dma_start3A_85] : memref<10000x16xf32, #tpu.memory_space<vmem_shared>> -> memref<10000x16xf32, #tpu.memory_space<vmem_shared>>
        tpu.enqueue_indirect_dma source(%arg7 : memref<128x16xf32, #tpu.memory_space<vmem>>) target(%dma_start3A_86 : memref<10000x16xf32, #tpu.memory_space<vmem_shared>>) offsets(%dma_start3A_83 : memref<128xi32, #tpu.memory_space<vmem>>) semaphore(%run_scoped3A_81 : memref<!tpu.dma_semaphore, #tpu.memory_space<semaphore_mem>>) {add = true}
        %dma_wait3A_87 = arith.constant 9984 : i32
        %dma_wait3A_88 = tpu.memref_slice %arg6[%dma_wait3A_87] : memref<10112xi32, #tpu.memory_space<vmem>> -> memref<128xi32, #tpu.memory_space<vmem>>
        %dma_wait3A_89 = arith.constant 0 : i32
        %dma_wait3A_90 = arith.constant 0 : i32
        %dma_wait3A_91 = tpu.memref_slice %arg8[%dma_wait3A_89, %dma_wait3A_90] : memref<10000x16xf32, #tpu.memory_space<vmem_shared>> -> memref<10000x16xf32, #tpu.memory_space<vmem_shared>>
        tpu.wait_indirect_dma semaphore(%run_scoped3A_81 : memref<!tpu.dma_semaphore, #tpu.memory_space<semaphore_mem>>) src(%arg7 : memref<128x16xf32, #tpu.memory_space<vmem>>) dst(%dma_wait3A_91 : memref<10000x16xf32, #tpu.memory_space<vmem_shared>>)
        tpu.yield
      }) : () -> ()
    } else {
    }
    %barrier3A_74 = arith.constant 0 : index
    tpu.barrier barrier_id(%barrier3A_74)
    %mul3A_75 = arith.constant 625 : i32
    %mul3A_76 = arith.muli %arg1, %mul3A_75 : i32
    %mul3A_77 = arith.constant 625 : i32
    %mul3A_78 = arith.muli %arg1, %mul3A_77 : i32
    %mul3A_79 = arith.constant 16 : i32
    %mul3A_80 = arith.muli %arg0, %mul3A_79 : i32
    "tpu.region"() ({
      %run_scoped3A_81 = tpu.sem_alloc : memref<!tpu.dma_semaphore, #tpu.memory_space<semaphore_mem>>
      %dma_start3A_82 = tpu.memref_slice %arg5[%mul3A_78, %mul3A_80] : memref<10000x128xf32, #tpu.memory_space<hbm>> -> memref<625x16xf32, #tpu.memory_space<hbm>>
      %dma_start3A_83 = arith.constant 0 : i32
      %dma_start3A_84 = tpu.memref_slice %arg8[%mul3A_76, %dma_start3A_83] : memref<10000x16xf32, #tpu.memory_space<vmem_shared>> -> memref<625x16xf32, #tpu.memory_space<vmem_shared>>
      tpu.enqueue_dma source(%dma_start3A_84 : memref<625x16xf32, #tpu.memory_space<vmem_shared>>) target(%dma_start3A_82 : memref<625x16xf32, #tpu.memory_space<hbm>>) target_semaphore(%run_scoped3A_81 : memref<!tpu.dma_semaphore, #tpu.memory_space<semaphore_mem>>)
      %dma_wait3A_85 = tpu.memref_slice %arg5[%mul3A_78, %mul3A_80] : memref<10000x128xf32, #tpu.memory_space<hbm>> -> memref<625x16xf32, #tpu.memory_space<hbm>>
      %dma_wait3A_86 = arith.constant 0 : i32
      %dma_wait3A_87 = tpu.memref_slice %arg8[%mul3A_76, %dma_wait3A_86] : memref<10000x16xf32, #tpu.memory_space<vmem_shared>> -> memref<625x16xf32, #tpu.memory_space<vmem_shared>>
      tpu.wait_dma2 semaphore(%run_scoped3A_81 : memref<!tpu.dma_semaphore, #tpu.memory_space<semaphore_mem>>) src(%dma_wait3A_87 : memref<625x16xf32, #tpu.memory_space<vmem_shared>>) dst(%dma_wait3A_85 : memref<625x16xf32, #tpu.memory_space<hbm>>)
      tpu.yield
    }) : () -> ()
    return
  }
}

#map = affine_map<(d0, d1) -> (0, 0)>
module attributes {stable_mosaic.version = 14 : i64} {
  func.func @scat_kernel(%arg0: i32, %arg1: i32, %arg2: memref<10000x32xf32, #tpu.memory_space<hbm>>, %arg3: memref<2x320000xi32, #tpu.memory_space<hbm>>, %arg4: memref<625x32xf32, #tpu.memory_space<hbm>>, %arg5: memref<10000x128xf32, #tpu.memory_space<hbm>>, %arg6: memref<10112xi32, #tpu.memory_space<vmem>>, %arg7: memref<10112xi32, #tpu.memory_space<vmem>>, %arg8: memref<128x32xf32, #tpu.memory_space<vmem>>, %arg9: memref<128x32xf32, #tpu.memory_space<vmem>>, %arg10: memref<128x32xf32, #tpu.memory_space<vmem>>, %arg11: memref<128x32xf32, #tpu.memory_space<vmem>>, %arg12: memref<128x32xf32, #tpu.memory_space<vmem>>, %arg13: memref<128x32xf32, #tpu.memory_space<vmem>>, %arg14: memref<10000x32xf32, #tpu.memory_space<vmem_shared>>, %arg15: memref<!tpu.dma_semaphore, #tpu.memory_space<semaphore_mem>>, %arg16: memref<!tpu.dma_semaphore, #tpu.memory_space<semaphore_mem>>, %arg17: memref<!tpu.dma_semaphore, #tpu.memory_space<semaphore_mem>>, %arg18: memref<!tpu.dma_semaphore, #tpu.memory_space<semaphore_mem>>, %arg19: memref<!tpu.dma_semaphore, #tpu.memory_space<semaphore_mem>>, %arg20: memref<!tpu.dma_semaphore, #tpu.memory_space<semaphore_mem>>, %arg21: memref<!tpu.dma_semaphore, #tpu.memory_space<semaphore_mem>>, %arg22: memref<!tpu.dma_semaphore, #tpu.memory_space<semaphore_mem>>, %arg23: memref<!tpu.dma_semaphore, #tpu.memory_space<semaphore_mem>>, %arg24: memref<!tpu.dma_semaphore, #tpu.memory_space<semaphore_mem>>, %arg25: memref<!tpu.dma_semaphore, #tpu.memory_space<semaphore_mem>>, %arg26: memref<!tpu.dma_semaphore, #tpu.memory_space<semaphore_mem>>) attributes {dimension_semantics = [#tpu.dimension_semantics<core_parallel>, #tpu.dimension_semantics<subcore_parallel>], iteration_bounds = array<i64: 2, 16>, scalar_prefetch = 0 : i64, scratch_operands = 21 : i64, tpu.core_type = #tpu.core_type<sc_vector_subcore>, window_params = [{transform_indices = #map}, {transform_indices = #map}, {transform_indices = #map}, {transform_indices = #map}]} {
    %mul3A = arith.constant 16 : i32
    %mul3A_0 = arith.muli %arg0, %mul3A : i32
    %add3A = arith.addi %mul3A_0, %arg1 : i32
    %mul3A_1 = arith.constant 9984 : i32
    %mul3A_2 = arith.muli %add3A, %mul3A_1 : i32
    %run_scoped3A = arith.constant 0 : i32
    "tpu.region"() ({
      %run_scoped3A_84 = tpu.sem_alloc : memref<!tpu.dma_semaphore, #tpu.memory_space<semaphore_mem>>
      %dma_start3A_85 = arith.constant 0 : i32
      %dma_start3A_86 = tpu.memref_slice %arg6[%dma_start3A_85] : memref<10112xi32, #tpu.memory_space<vmem>> -> memref<9984xi32, #tpu.memory_space<vmem>>
      %dma_start3A_87 = tpu.memref_slice %arg3[%run_scoped3A, %mul3A_2] : memref<2x320000xi32, #tpu.memory_space<hbm>> -> memref<1x9984xi32, #tpu.memory_space<hbm>>
      %dma_start3A_88 = tpu.memref_squeeze %dma_start3A_87 : memref<1x9984xi32, #tpu.memory_space<hbm>> -> memref<9984xi32, #tpu.memory_space<hbm>>
      %dma_start3A_89 = arith.constant 0 : i32
      %dma_start3A_90 = tpu.memref_slice %arg6[%dma_start3A_89] : memref<10112xi32, #tpu.memory_space<vmem>> -> memref<9984xi32, #tpu.memory_space<vmem>>
      %dma_start3A_91 = tpu.memref_slice %arg3[%run_scoped3A, %mul3A_2] : memref<2x320000xi32, #tpu.memory_space<hbm>> -> memref<1x9984xi32, #tpu.memory_space<hbm>>
      %dma_start3A_92 = tpu.memref_squeeze %dma_start3A_91 : memref<1x9984xi32, #tpu.memory_space<hbm>> -> memref<9984xi32, #tpu.memory_space<hbm>>
      tpu.enqueue_dma source(%dma_start3A_92 : memref<9984xi32, #tpu.memory_space<hbm>>) target(%dma_start3A_90 : memref<9984xi32, #tpu.memory_space<vmem>>) target_semaphore(%run_scoped3A_84 : memref<!tpu.dma_semaphore, #tpu.memory_space<semaphore_mem>>)
      %dma_wait3A_93 = arith.constant 0 : i32
      %dma_wait3A_94 = tpu.memref_slice %arg6[%dma_wait3A_93] : memref<10112xi32, #tpu.memory_space<vmem>> -> memref<9984xi32, #tpu.memory_space<vmem>>
      %dma_wait3A_95 = tpu.memref_slice %arg3[%run_scoped3A, %mul3A_2] : memref<2x320000xi32, #tpu.memory_space<hbm>> -> memref<1x9984xi32, #tpu.memory_space<hbm>>
      %dma_wait3A_96 = tpu.memref_squeeze %dma_wait3A_95 : memref<1x9984xi32, #tpu.memory_space<hbm>> -> memref<9984xi32, #tpu.memory_space<hbm>>
      %dma_wait3A_97 = arith.constant 0 : i32
      %dma_wait3A_98 = tpu.memref_slice %arg6[%dma_wait3A_97] : memref<10112xi32, #tpu.memory_space<vmem>> -> memref<9984xi32, #tpu.memory_space<vmem>>
      %dma_wait3A_99 = tpu.memref_slice %arg3[%run_scoped3A, %mul3A_2] : memref<2x320000xi32, #tpu.memory_space<hbm>> -> memref<1x9984xi32, #tpu.memory_space<hbm>>
      %dma_wait3A_100 = tpu.memref_squeeze %dma_wait3A_99 : memref<1x9984xi32, #tpu.memory_space<hbm>> -> memref<9984xi32, #tpu.memory_space<hbm>>
      tpu.wait_dma2 semaphore(%run_scoped3A_84 : memref<!tpu.dma_semaphore, #tpu.memory_space<semaphore_mem>>) src(%dma_wait3A_100 : memref<9984xi32, #tpu.memory_space<hbm>>) dst(%dma_wait3A_98 : memref<9984xi32, #tpu.memory_space<vmem>>)
      tpu.yield
    }) : () -> ()
    %mul3A_3 = arith.constant 9984 : i32
    %mul3A_4 = arith.muli %add3A, %mul3A_3 : i32
    %run_scoped3A_5 = arith.constant 1 : i32
    "tpu.region"() ({
      %run_scoped3A_84 = tpu.sem_alloc : memref<!tpu.dma_semaphore, #tpu.memory_space<semaphore_mem>>
      %dma_start3A_85 = arith.constant 0 : i32
      %dma_start3A_86 = tpu.memref_slice %arg7[%dma_start3A_85] : memref<10112xi32, #tpu.memory_space<vmem>> -> memref<9984xi32, #tpu.memory_space<vmem>>
      %dma_start3A_87 = tpu.memref_slice %arg3[%run_scoped3A_5, %mul3A_4] : memref<2x320000xi32, #tpu.memory_space<hbm>> -> memref<1x9984xi32, #tpu.memory_space<hbm>>
      %dma_start3A_88 = tpu.memref_squeeze %dma_start3A_87 : memref<1x9984xi32, #tpu.memory_space<hbm>> -> memref<9984xi32, #tpu.memory_space<hbm>>
      %dma_start3A_89 = arith.constant 0 : i32
      %dma_start3A_90 = tpu.memref_slice %arg7[%dma_start3A_89] : memref<10112xi32, #tpu.memory_space<vmem>> -> memref<9984xi32, #tpu.memory_space<vmem>>
      %dma_start3A_91 = tpu.memref_slice %arg3[%run_scoped3A_5, %mul3A_4] : memref<2x320000xi32, #tpu.memory_space<hbm>> -> memref<1x9984xi32, #tpu.memory_space<hbm>>
      %dma_start3A_92 = tpu.memref_squeeze %dma_start3A_91 : memref<1x9984xi32, #tpu.memory_space<hbm>> -> memref<9984xi32, #tpu.memory_space<hbm>>
      tpu.enqueue_dma source(%dma_start3A_92 : memref<9984xi32, #tpu.memory_space<hbm>>) target(%dma_start3A_90 : memref<9984xi32, #tpu.memory_space<vmem>>) target_semaphore(%run_scoped3A_84 : memref<!tpu.dma_semaphore, #tpu.memory_space<semaphore_mem>>)
      %dma_wait3A_93 = arith.constant 0 : i32
      %dma_wait3A_94 = tpu.memref_slice %arg7[%dma_wait3A_93] : memref<10112xi32, #tpu.memory_space<vmem>> -> memref<9984xi32, #tpu.memory_space<vmem>>
      %dma_wait3A_95 = tpu.memref_slice %arg3[%run_scoped3A_5, %mul3A_4] : memref<2x320000xi32, #tpu.memory_space<hbm>> -> memref<1x9984xi32, #tpu.memory_space<hbm>>
      %dma_wait3A_96 = tpu.memref_squeeze %dma_wait3A_95 : memref<1x9984xi32, #tpu.memory_space<hbm>> -> memref<9984xi32, #tpu.memory_space<hbm>>
      %dma_wait3A_97 = arith.constant 0 : i32
      %dma_wait3A_98 = tpu.memref_slice %arg7[%dma_wait3A_97] : memref<10112xi32, #tpu.memory_space<vmem>> -> memref<9984xi32, #tpu.memory_space<vmem>>
      %dma_wait3A_99 = tpu.memref_slice %arg3[%run_scoped3A_5, %mul3A_4] : memref<2x320000xi32, #tpu.memory_space<hbm>> -> memref<1x9984xi32, #tpu.memory_space<hbm>>
      %dma_wait3A_100 = tpu.memref_squeeze %dma_wait3A_99 : memref<1x9984xi32, #tpu.memory_space<hbm>> -> memref<9984xi32, #tpu.memory_space<hbm>>
      tpu.wait_dma2 semaphore(%run_scoped3A_84 : memref<!tpu.dma_semaphore, #tpu.memory_space<semaphore_mem>>) src(%dma_wait3A_100 : memref<9984xi32, #tpu.memory_space<hbm>>) dst(%dma_wait3A_98 : memref<9984xi32, #tpu.memory_space<vmem>>)
      tpu.yield
    }) : () -> ()
    %mul3A_6 = arith.constant 625 : i32
    %mul3A_7 = arith.muli %arg1, %mul3A_6 : i32
    "tpu.region"() ({
      %run_scoped3A_84 = tpu.sem_alloc : memref<!tpu.dma_semaphore, #tpu.memory_space<semaphore_mem>>
      %dma_start3A_85 = arith.constant 0 : i32
      %dma_start3A_86 = tpu.memref_slice %arg14[%mul3A_7, %dma_start3A_85] : memref<10000x32xf32, #tpu.memory_space<vmem_shared>> -> memref<625x32xf32, #tpu.memory_space<vmem_shared>>
      tpu.enqueue_dma source(%arg4 : memref<625x32xf32, #tpu.memory_space<hbm>>) target(%dma_start3A_86 : memref<625x32xf32, #tpu.memory_space<vmem_shared>>) target_semaphore(%run_scoped3A_84 : memref<!tpu.dma_semaphore, #tpu.memory_space<semaphore_mem>>)
      %dma_wait3A_87 = arith.constant 0 : i32
      %dma_wait3A_88 = tpu.memref_slice %arg14[%mul3A_7, %dma_wait3A_87] : memref<10000x32xf32, #tpu.memory_space<vmem_shared>> -> memref<625x32xf32, #tpu.memory_space<vmem_shared>>
      tpu.wait_dma2 semaphore(%run_scoped3A_84 : memref<!tpu.dma_semaphore, #tpu.memory_space<semaphore_mem>>) src(%arg4 : memref<625x32xf32, #tpu.memory_space<hbm>>) dst(%dma_wait3A_88 : memref<625x32xf32, #tpu.memory_space<vmem_shared>>)
      tpu.yield
    }) : () -> ()
    %lt3A = arith.constant 4 : i32
    %lt3A_8 = arith.cmpi slt, %add3A, %lt3A : i32
    %convert_element_type3A = arith.extui %lt3A_8 : i1 to i32
    %cond3A = arith.constant 0 : i32
    %cond3A_9 = arith.cmpi ne, %convert_element_type3A, %cond3A : i32
    scf.if %cond3A_9 {
      %mul3A_84 = arith.constant 128 : i32
      %mul3A_85 = arith.muli %add3A, %mul3A_84 : i32
      %add3A_86 = arith.constant 319488 : i32
      %add3A_87 = arith.addi %add3A_86, %mul3A_85 : i32
      %run_scoped3A_88 = arith.constant 0 : i32
      "tpu.region"() ({
        %run_scoped3A_94 = tpu.sem_alloc : memref<!tpu.dma_semaphore, #tpu.memory_space<semaphore_mem>>
        %dma_start3A_95 = arith.constant 9984 : i32
        %dma_start3A_96 = tpu.memref_slice %arg6[%dma_start3A_95] : memref<10112xi32, #tpu.memory_space<vmem>> -> memref<128xi32, #tpu.memory_space<vmem>>
        %dma_start3A_97 = tpu.memref_slice %arg3[%run_scoped3A_88, %add3A_87] : memref<2x320000xi32, #tpu.memory_space<hbm>> -> memref<1x128xi32, #tpu.memory_space<hbm>>
        %dma_start3A_98 = tpu.memref_squeeze %dma_start3A_97 : memref<1x128xi32, #tpu.memory_space<hbm>> -> memref<128xi32, #tpu.memory_space<hbm>>
        %dma_start3A_99 = arith.constant 9984 : i32
        %dma_start3A_100 = tpu.memref_slice %arg6[%dma_start3A_99] : memref<10112xi32, #tpu.memory_space<vmem>> -> memref<128xi32, #tpu.memory_space<vmem>>
        %dma_start3A_101 = tpu.memref_slice %arg3[%run_scoped3A_88, %add3A_87] : memref<2x320000xi32, #tpu.memory_space<hbm>> -> memref<1x128xi32, #tpu.memory_space<hbm>>
        %dma_start3A_102 = tpu.memref_squeeze %dma_start3A_101 : memref<1x128xi32, #tpu.memory_space<hbm>> -> memref<128xi32, #tpu.memory_space<hbm>>
        tpu.enqueue_dma source(%dma_start3A_102 : memref<128xi32, #tpu.memory_space<hbm>>) target(%dma_start3A_100 : memref<128xi32, #tpu.memory_space<vmem>>) target_semaphore(%run_scoped3A_94 : memref<!tpu.dma_semaphore, #tpu.memory_space<semaphore_mem>>)
        %dma_wait3A_103 = arith.constant 9984 : i32
        %dma_wait3A_104 = tpu.memref_slice %arg6[%dma_wait3A_103] : memref<10112xi32, #tpu.memory_space<vmem>> -> memref<128xi32, #tpu.memory_space<vmem>>
        %dma_wait3A_105 = tpu.memref_slice %arg3[%run_scoped3A_88, %add3A_87] : memref<2x320000xi32, #tpu.memory_space<hbm>> -> memref<1x128xi32, #tpu.memory_space<hbm>>
        %dma_wait3A_106 = tpu.memref_squeeze %dma_wait3A_105 : memref<1x128xi32, #tpu.memory_space<hbm>> -> memref<128xi32, #tpu.memory_space<hbm>>
        %dma_wait3A_107 = arith.constant 9984 : i32
        %dma_wait3A_108 = tpu.memref_slice %arg6[%dma_wait3A_107] : memref<10112xi32, #tpu.memory_space<vmem>> -> memref<128xi32, #tpu.memory_space<vmem>>
        %dma_wait3A_109 = tpu.memref_slice %arg3[%run_scoped3A_88, %add3A_87] : memref<2x320000xi32, #tpu.memory_space<hbm>> -> memref<1x128xi32, #tpu.memory_space<hbm>>
        %dma_wait3A_110 = tpu.memref_squeeze %dma_wait3A_109 : memref<1x128xi32, #tpu.memory_space<hbm>> -> memref<128xi32, #tpu.memory_space<hbm>>
        tpu.wait_dma2 semaphore(%run_scoped3A_94 : memref<!tpu.dma_semaphore, #tpu.memory_space<semaphore_mem>>) src(%dma_wait3A_110 : memref<128xi32, #tpu.memory_space<hbm>>) dst(%dma_wait3A_108 : memref<128xi32, #tpu.memory_space<vmem>>)
        tpu.yield
      }) : () -> ()
      %mul3A_89 = arith.constant 128 : i32
      %mul3A_90 = arith.muli %add3A, %mul3A_89 : i32
      %add3A_91 = arith.constant 319488 : i32
      %add3A_92 = arith.addi %add3A_91, %mul3A_90 : i32
      %run_scoped3A_93 = arith.constant 1 : i32
      "tpu.region"() ({
        %run_scoped3A_94 = tpu.sem_alloc : memref<!tpu.dma_semaphore, #tpu.memory_space<semaphore_mem>>
        %dma_start3A_95 = arith.constant 9984 : i32
        %dma_start3A_96 = tpu.memref_slice %arg7[%dma_start3A_95] : memref<10112xi32, #tpu.memory_space<vmem>> -> memref<128xi32, #tpu.memory_space<vmem>>
        %dma_start3A_97 = tpu.memref_slice %arg3[%run_scoped3A_93, %add3A_92] : memref<2x320000xi32, #tpu.memory_space<hbm>> -> memref<1x128xi32, #tpu.memory_space<hbm>>
        %dma_start3A_98 = tpu.memref_squeeze %dma_start3A_97 : memref<1x128xi32, #tpu.memory_space<hbm>> -> memref<128xi32, #tpu.memory_space<hbm>>
        %dma_start3A_99 = arith.constant 9984 : i32
        %dma_start3A_100 = tpu.memref_slice %arg7[%dma_start3A_99] : memref<10112xi32, #tpu.memory_space<vmem>> -> memref<128xi32, #tpu.memory_space<vmem>>
        %dma_start3A_101 = tpu.memref_slice %arg3[%run_scoped3A_93, %add3A_92] : memref<2x320000xi32, #tpu.memory_space<hbm>> -> memref<1x128xi32, #tpu.memory_space<hbm>>
        %dma_start3A_102 = tpu.memref_squeeze %dma_start3A_101 : memref<1x128xi32, #tpu.memory_space<hbm>> -> memref<128xi32, #tpu.memory_space<hbm>>
        tpu.enqueue_dma source(%dma_start3A_102 : memref<128xi32, #tpu.memory_space<hbm>>) target(%dma_start3A_100 : memref<128xi32, #tpu.memory_space<vmem>>) target_semaphore(%run_scoped3A_94 : memref<!tpu.dma_semaphore, #tpu.memory_space<semaphore_mem>>)
        %dma_wait3A_103 = arith.constant 9984 : i32
        %dma_wait3A_104 = tpu.memref_slice %arg7[%dma_wait3A_103] : memref<10112xi32, #tpu.memory_space<vmem>> -> memref<128xi32, #tpu.memory_space<vmem>>
        %dma_wait3A_105 = tpu.memref_slice %arg3[%run_scoped3A_93, %add3A_92] : memref<2x320000xi32, #tpu.memory_space<hbm>> -> memref<1x128xi32, #tpu.memory_space<hbm>>
        %dma_wait3A_106 = tpu.memref_squeeze %dma_wait3A_105 : memref<1x128xi32, #tpu.memory_space<hbm>> -> memref<128xi32, #tpu.memory_space<hbm>>
        %dma_wait3A_107 = arith.constant 9984 : i32
        %dma_wait3A_108 = tpu.memref_slice %arg7[%dma_wait3A_107] : memref<10112xi32, #tpu.memory_space<vmem>> -> memref<128xi32, #tpu.memory_space<vmem>>
        %dma_wait3A_109 = tpu.memref_slice %arg3[%run_scoped3A_93, %add3A_92] : memref<2x320000xi32, #tpu.memory_space<hbm>> -> memref<1x128xi32, #tpu.memory_space<hbm>>
        %dma_wait3A_110 = tpu.memref_squeeze %dma_wait3A_109 : memref<1x128xi32, #tpu.memory_space<hbm>> -> memref<128xi32, #tpu.memory_space<hbm>>
        tpu.wait_dma2 semaphore(%run_scoped3A_94 : memref<!tpu.dma_semaphore, #tpu.memory_space<semaphore_mem>>) src(%dma_wait3A_110 : memref<128xi32, #tpu.memory_space<hbm>>) dst(%dma_wait3A_108 : memref<128xi32, #tpu.memory_space<vmem>>)
        tpu.yield
      }) : () -> ()
    } else {
    }
    %barrier3A = arith.constant 0 : index
    tpu.barrier barrier_id(%barrier3A)
    %dma_start3A = arith.constant 0 : i32
    %dma_start3A_10 = tpu.memref_slice %arg6[%dma_start3A] : memref<10112xi32, #tpu.memory_space<vmem>> -> memref<128xi32, #tpu.memory_space<vmem>>
    %dma_start3A_11 = arith.constant 0 : i32
    %dma_start3A_12 = arith.constant 0 : i32
    %dma_start3A_13 = tpu.memref_slice %arg2[%dma_start3A_11, %dma_start3A_12] : memref<10000x32xf32, #tpu.memory_space<hbm>> -> memref<10000x32xf32, #tpu.memory_space<hbm>>
    tpu.enqueue_indirect_dma source(%dma_start3A_13 : memref<10000x32xf32, #tpu.memory_space<hbm>>) target(%arg8 : memref<128x32xf32, #tpu.memory_space<vmem>>) offsets(%dma_start3A_10 : memref<128xi32, #tpu.memory_space<vmem>>) semaphore(%arg15 : memref<!tpu.dma_semaphore, #tpu.memory_space<semaphore_mem>>)
    %dma_start3A_14 = arith.constant 128 : i32
    %dma_start3A_15 = tpu.memref_slice %arg6[%dma_start3A_14] : memref<10112xi32, #tpu.memory_space<vmem>> -> memref<128xi32, #tpu.memory_space<vmem>>
    %dma_start3A_16 = arith.constant 0 : i32
    %dma_start3A_17 = arith.constant 0 : i32
    %dma_start3A_18 = tpu.memref_slice %arg2[%dma_start3A_16, %dma_start3A_17] : memref<10000x32xf32, #tpu.memory_space<hbm>> -> memref<10000x32xf32, #tpu.memory_space<hbm>>
    tpu.enqueue_indirect_dma source(%dma_start3A_18 : memref<10000x32xf32, #tpu.memory_space<hbm>>) target(%arg9 : memref<128x32xf32, #tpu.memory_space<vmem>>) offsets(%dma_start3A_15 : memref<128xi32, #tpu.memory_space<vmem>>) semaphore(%arg16 : memref<!tpu.dma_semaphore, #tpu.memory_space<semaphore_mem>>)
    %dma_start3A_19 = arith.constant 256 : i32
    %dma_start3A_20 = tpu.memref_slice %arg6[%dma_start3A_19] : memref<10112xi32, #tpu.memory_space<vmem>> -> memref<128xi32, #tpu.memory_space<vmem>>
    %dma_start3A_21 = arith.constant 0 : i32
    %dma_start3A_22 = arith.constant 0 : i32
    %dma_start3A_23 = tpu.memref_slice %arg2[%dma_start3A_21, %dma_start3A_22] : memref<10000x32xf32, #tpu.memory_space<hbm>> -> memref<10000x32xf32, #tpu.memory_space<hbm>>
    tpu.enqueue_indirect_dma source(%dma_start3A_23 : memref<10000x32xf32, #tpu.memory_space<hbm>>) target(%arg10 : memref<128x32xf32, #tpu.memory_space<vmem>>) offsets(%dma_start3A_20 : memref<128xi32, #tpu.memory_space<vmem>>) semaphore(%arg17 : memref<!tpu.dma_semaphore, #tpu.memory_space<semaphore_mem>>)
    %dma_start3A_24 = arith.constant 384 : i32
    %dma_start3A_25 = tpu.memref_slice %arg6[%dma_start3A_24] : memref<10112xi32, #tpu.memory_space<vmem>> -> memref<128xi32, #tpu.memory_space<vmem>>
    %dma_start3A_26 = arith.constant 0 : i32
    %dma_start3A_27 = arith.constant 0 : i32
    %dma_start3A_28 = tpu.memref_slice %arg2[%dma_start3A_26, %dma_start3A_27] : memref<10000x32xf32, #tpu.memory_space<hbm>> -> memref<10000x32xf32, #tpu.memory_space<hbm>>
    tpu.enqueue_indirect_dma source(%dma_start3A_28 : memref<10000x32xf32, #tpu.memory_space<hbm>>) target(%arg11 : memref<128x32xf32, #tpu.memory_space<vmem>>) offsets(%dma_start3A_25 : memref<128xi32, #tpu.memory_space<vmem>>) semaphore(%arg18 : memref<!tpu.dma_semaphore, #tpu.memory_space<semaphore_mem>>)
    %dma_start3A_29 = arith.constant 512 : i32
    %dma_start3A_30 = tpu.memref_slice %arg6[%dma_start3A_29] : memref<10112xi32, #tpu.memory_space<vmem>> -> memref<128xi32, #tpu.memory_space<vmem>>
    %dma_start3A_31 = arith.constant 0 : i32
    %dma_start3A_32 = arith.constant 0 : i32
    %dma_start3A_33 = tpu.memref_slice %arg2[%dma_start3A_31, %dma_start3A_32] : memref<10000x32xf32, #tpu.memory_space<hbm>> -> memref<10000x32xf32, #tpu.memory_space<hbm>>
    tpu.enqueue_indirect_dma source(%dma_start3A_33 : memref<10000x32xf32, #tpu.memory_space<hbm>>) target(%arg12 : memref<128x32xf32, #tpu.memory_space<vmem>>) offsets(%dma_start3A_30 : memref<128xi32, #tpu.memory_space<vmem>>) semaphore(%arg19 : memref<!tpu.dma_semaphore, #tpu.memory_space<semaphore_mem>>)
    %dma_start3A_34 = arith.constant 640 : i32
    %dma_start3A_35 = tpu.memref_slice %arg6[%dma_start3A_34] : memref<10112xi32, #tpu.memory_space<vmem>> -> memref<128xi32, #tpu.memory_space<vmem>>
    %dma_start3A_36 = arith.constant 0 : i32
    %dma_start3A_37 = arith.constant 0 : i32
    %dma_start3A_38 = tpu.memref_slice %arg2[%dma_start3A_36, %dma_start3A_37] : memref<10000x32xf32, #tpu.memory_space<hbm>> -> memref<10000x32xf32, #tpu.memory_space<hbm>>
    tpu.enqueue_indirect_dma source(%dma_start3A_38 : memref<10000x32xf32, #tpu.memory_space<hbm>>) target(%arg13 : memref<128x32xf32, #tpu.memory_space<vmem>>) offsets(%dma_start3A_35 : memref<128xi32, #tpu.memory_space<vmem>>) semaphore(%arg20 : memref<!tpu.dma_semaphore, #tpu.memory_space<semaphore_mem>>)
    %scan3A = arith.constant 0 : i32
    %scan3A_39 = arith.constant 13 : i32
    %scan3A_40 = arith.addi %scan3A, %scan3A_39 : i32
    %scan3A_41 = arith.constant 1 : i32
    scf.for %scan3A_84 = %scan3A to %scan3A_40 step %scan3A_41  : i32 {
      %mul3A_85 = arith.constant 1 : i32
      %mul3A_86 = arith.muli %scan3A_84, %mul3A_85 : i32
      %add3A_87 = arith.constant 0 : i32
      %add3A_88 = arith.addi %add3A_87, %mul3A_86 : i32
      %mul3A_89 = arith.constant 768 : i32
      %mul3A_90 = arith.muli %add3A_88, %mul3A_89 : i32
      %add3A_91 = arith.constant 0 : i32
      %add3A_92 = arith.addi %mul3A_90, %add3A_91 : i32
      %dma_wait3A_93 = tpu.memref_slice %arg6[%add3A_92] : memref<10112xi32, #tpu.memory_space<vmem>> -> memref<128xi32, #tpu.memory_space<vmem>>
      %dma_wait3A_94 = arith.constant 0 : i32
      %dma_wait3A_95 = arith.constant 0 : i32
      %dma_wait3A_96 = tpu.memref_slice %arg2[%dma_wait3A_94, %dma_wait3A_95] : memref<10000x32xf32, #tpu.memory_space<hbm>> -> memref<10000x32xf32, #tpu.memory_space<hbm>>
      tpu.wait_indirect_dma semaphore(%arg15 : memref<!tpu.dma_semaphore, #tpu.memory_space<semaphore_mem>>) src(%dma_wait3A_96 : memref<10000x32xf32, #tpu.memory_space<hbm>>) dst(%arg8 : memref<128x32xf32, #tpu.memory_space<vmem>>)
      %add3A_97 = arith.constant 0 : i32
      %add3A_98 = arith.addi %mul3A_90, %add3A_97 : i32
      %dma_start3A_99 = tpu.memref_slice %arg7[%add3A_98] : memref<10112xi32, #tpu.memory_space<vmem>> -> memref<128xi32, #tpu.memory_space<vmem>>
      %dma_start3A_100 = arith.constant 0 : i32
      %dma_start3A_101 = arith.constant 0 : i32
      %dma_start3A_102 = tpu.memref_slice %arg14[%dma_start3A_100, %dma_start3A_101] : memref<10000x32xf32, #tpu.memory_space<vmem_shared>> -> memref<10000x32xf32, #tpu.memory_space<vmem_shared>>
      tpu.enqueue_indirect_dma source(%arg8 : memref<128x32xf32, #tpu.memory_space<vmem>>) target(%dma_start3A_102 : memref<10000x32xf32, #tpu.memory_space<vmem_shared>>) offsets(%dma_start3A_99 : memref<128xi32, #tpu.memory_space<vmem>>) semaphore(%arg21 : memref<!tpu.dma_semaphore, #tpu.memory_space<semaphore_mem>>) {add = true}
      %add3A_103 = arith.constant 128 : i32
      %add3A_104 = arith.addi %mul3A_90, %add3A_103 : i32
      %dma_wait3A_105 = tpu.memref_slice %arg6[%add3A_104] : memref<10112xi32, #tpu.memory_space<vmem>> -> memref<128xi32, #tpu.memory_space<vmem>>
      %dma_wait3A_106 = arith.constant 0 : i32
      %dma_wait3A_107 = arith.constant 0 : i32
      %dma_wait3A_108 = tpu.memref_slice %arg2[%dma_wait3A_106, %dma_wait3A_107] : memref<10000x32xf32, #tpu.memory_space<hbm>> -> memref<10000x32xf32, #tpu.memory_space<hbm>>
      tpu.wait_indirect_dma semaphore(%arg16 : memref<!tpu.dma_semaphore, #tpu.memory_space<semaphore_mem>>) src(%dma_wait3A_108 : memref<10000x32xf32, #tpu.memory_space<hbm>>) dst(%arg9 : memref<128x32xf32, #tpu.memory_space<vmem>>)
      %add3A_109 = arith.constant 128 : i32
      %add3A_110 = arith.addi %mul3A_90, %add3A_109 : i32
      %dma_start3A_111 = tpu.memref_slice %arg7[%add3A_110] : memref<10112xi32, #tpu.memory_space<vmem>> -> memref<128xi32, #tpu.memory_space<vmem>>
      %dma_start3A_112 = arith.constant 0 : i32
      %dma_start3A_113 = arith.constant 0 : i32
      %dma_start3A_114 = tpu.memref_slice %arg14[%dma_start3A_112, %dma_start3A_113] : memref<10000x32xf32, #tpu.memory_space<vmem_shared>> -> memref<10000x32xf32, #tpu.memory_space<vmem_shared>>
      tpu.enqueue_indirect_dma source(%arg9 : memref<128x32xf32, #tpu.memory_space<vmem>>) target(%dma_start3A_114 : memref<10000x32xf32, #tpu.memory_space<vmem_shared>>) offsets(%dma_start3A_111 : memref<128xi32, #tpu.memory_space<vmem>>) semaphore(%arg22 : memref<!tpu.dma_semaphore, #tpu.memory_space<semaphore_mem>>) {add = true}
      %add3A_115 = arith.constant 256 : i32
      %add3A_116 = arith.addi %mul3A_90, %add3A_115 : i32
      %dma_wait3A_117 = tpu.memref_slice %arg6[%add3A_116] : memref<10112xi32, #tpu.memory_space<vmem>> -> memref<128xi32, #tpu.memory_space<vmem>>
      %dma_wait3A_118 = arith.constant 0 : i32
      %dma_wait3A_119 = arith.constant 0 : i32
      %dma_wait3A_120 = tpu.memref_slice %arg2[%dma_wait3A_118, %dma_wait3A_119] : memref<10000x32xf32, #tpu.memory_space<hbm>> -> memref<10000x32xf32, #tpu.memory_space<hbm>>
      tpu.wait_indirect_dma semaphore(%arg17 : memref<!tpu.dma_semaphore, #tpu.memory_space<semaphore_mem>>) src(%dma_wait3A_120 : memref<10000x32xf32, #tpu.memory_space<hbm>>) dst(%arg10 : memref<128x32xf32, #tpu.memory_space<vmem>>)
      %add3A_121 = arith.constant 256 : i32
      %add3A_122 = arith.addi %mul3A_90, %add3A_121 : i32
      %dma_start3A_123 = tpu.memref_slice %arg7[%add3A_122] : memref<10112xi32, #tpu.memory_space<vmem>> -> memref<128xi32, #tpu.memory_space<vmem>>
      %dma_start3A_124 = arith.constant 0 : i32
      %dma_start3A_125 = arith.constant 0 : i32
      %dma_start3A_126 = tpu.memref_slice %arg14[%dma_start3A_124, %dma_start3A_125] : memref<10000x32xf32, #tpu.memory_space<vmem_shared>> -> memref<10000x32xf32, #tpu.memory_space<vmem_shared>>
      tpu.enqueue_indirect_dma source(%arg10 : memref<128x32xf32, #tpu.memory_space<vmem>>) target(%dma_start3A_126 : memref<10000x32xf32, #tpu.memory_space<vmem_shared>>) offsets(%dma_start3A_123 : memref<128xi32, #tpu.memory_space<vmem>>) semaphore(%arg23 : memref<!tpu.dma_semaphore, #tpu.memory_space<semaphore_mem>>) {add = true}
      %add3A_127 = arith.constant 384 : i32
      %add3A_128 = arith.addi %mul3A_90, %add3A_127 : i32
      %dma_wait3A_129 = tpu.memref_slice %arg6[%add3A_128] : memref<10112xi32, #tpu.memory_space<vmem>> -> memref<128xi32, #tpu.memory_space<vmem>>
      %dma_wait3A_130 = arith.constant 0 : i32
      %dma_wait3A_131 = arith.constant 0 : i32
      %dma_wait3A_132 = tpu.memref_slice %arg2[%dma_wait3A_130, %dma_wait3A_131] : memref<10000x32xf32, #tpu.memory_space<hbm>> -> memref<10000x32xf32, #tpu.memory_space<hbm>>
      tpu.wait_indirect_dma semaphore(%arg18 : memref<!tpu.dma_semaphore, #tpu.memory_space<semaphore_mem>>) src(%dma_wait3A_132 : memref<10000x32xf32, #tpu.memory_space<hbm>>) dst(%arg11 : memref<128x32xf32, #tpu.memory_space<vmem>>)
      %add3A_133 = arith.constant 384 : i32
      %add3A_134 = arith.addi %mul3A_90, %add3A_133 : i32
      %dma_start3A_135 = tpu.memref_slice %arg7[%add3A_134] : memref<10112xi32, #tpu.memory_space<vmem>> -> memref<128xi32, #tpu.memory_space<vmem>>
      %dma_start3A_136 = arith.constant 0 : i32
      %dma_start3A_137 = arith.constant 0 : i32
      %dma_start3A_138 = tpu.memref_slice %arg14[%dma_start3A_136, %dma_start3A_137] : memref<10000x32xf32, #tpu.memory_space<vmem_shared>> -> memref<10000x32xf32, #tpu.memory_space<vmem_shared>>
      tpu.enqueue_indirect_dma source(%arg11 : memref<128x32xf32, #tpu.memory_space<vmem>>) target(%dma_start3A_138 : memref<10000x32xf32, #tpu.memory_space<vmem_shared>>) offsets(%dma_start3A_135 : memref<128xi32, #tpu.memory_space<vmem>>) semaphore(%arg24 : memref<!tpu.dma_semaphore, #tpu.memory_space<semaphore_mem>>) {add = true}
      %add3A_139 = arith.constant 512 : i32
      %add3A_140 = arith.addi %mul3A_90, %add3A_139 : i32
      %dma_wait3A_141 = tpu.memref_slice %arg6[%add3A_140] : memref<10112xi32, #tpu.memory_space<vmem>> -> memref<128xi32, #tpu.memory_space<vmem>>
      %dma_wait3A_142 = arith.constant 0 : i32
      %dma_wait3A_143 = arith.constant 0 : i32
      %dma_wait3A_144 = tpu.memref_slice %arg2[%dma_wait3A_142, %dma_wait3A_143] : memref<10000x32xf32, #tpu.memory_space<hbm>> -> memref<10000x32xf32, #tpu.memory_space<hbm>>
      tpu.wait_indirect_dma semaphore(%arg19 : memref<!tpu.dma_semaphore, #tpu.memory_space<semaphore_mem>>) src(%dma_wait3A_144 : memref<10000x32xf32, #tpu.memory_space<hbm>>) dst(%arg12 : memref<128x32xf32, #tpu.memory_space<vmem>>)
      %add3A_145 = arith.constant 512 : i32
      %add3A_146 = arith.addi %mul3A_90, %add3A_145 : i32
      %dma_start3A_147 = tpu.memref_slice %arg7[%add3A_146] : memref<10112xi32, #tpu.memory_space<vmem>> -> memref<128xi32, #tpu.memory_space<vmem>>
      %dma_start3A_148 = arith.constant 0 : i32
      %dma_start3A_149 = arith.constant 0 : i32
      %dma_start3A_150 = tpu.memref_slice %arg14[%dma_start3A_148, %dma_start3A_149] : memref<10000x32xf32, #tpu.memory_space<vmem_shared>> -> memref<10000x32xf32, #tpu.memory_space<vmem_shared>>
      tpu.enqueue_indirect_dma source(%arg12 : memref<128x32xf32, #tpu.memory_space<vmem>>) target(%dma_start3A_150 : memref<10000x32xf32, #tpu.memory_space<vmem_shared>>) offsets(%dma_start3A_147 : memref<128xi32, #tpu.memory_space<vmem>>) semaphore(%arg25 : memref<!tpu.dma_semaphore, #tpu.memory_space<semaphore_mem>>) {add = true}
      %add3A_151 = arith.constant 640 : i32
      %add3A_152 = arith.addi %mul3A_90, %add3A_151 : i32
      %dma_wait3A_153 = tpu.memref_slice %arg6[%add3A_152] : memref<10112xi32, #tpu.memory_space<vmem>> -> memref<128xi32, #tpu.memory_space<vmem>>
      %dma_wait3A_154 = arith.constant 0 : i32
      %dma_wait3A_155 = arith.constant 0 : i32
      %dma_wait3A_156 = tpu.memref_slice %arg2[%dma_wait3A_154, %dma_wait3A_155] : memref<10000x32xf32, #tpu.memory_space<hbm>> -> memref<10000x32xf32, #tpu.memory_space<hbm>>
      tpu.wait_indirect_dma semaphore(%arg20 : memref<!tpu.dma_semaphore, #tpu.memory_space<semaphore_mem>>) src(%dma_wait3A_156 : memref<10000x32xf32, #tpu.memory_space<hbm>>) dst(%arg13 : memref<128x32xf32, #tpu.memory_space<vmem>>)
      %add3A_157 = arith.constant 640 : i32
      %add3A_158 = arith.addi %mul3A_90, %add3A_157 : i32
      %dma_start3A_159 = tpu.memref_slice %arg7[%add3A_158] : memref<10112xi32, #tpu.memory_space<vmem>> -> memref<128xi32, #tpu.memory_space<vmem>>
      %dma_start3A_160 = arith.constant 0 : i32
      %dma_start3A_161 = arith.constant 0 : i32
      %dma_start3A_162 = tpu.memref_slice %arg14[%dma_start3A_160, %dma_start3A_161] : memref<10000x32xf32, #tpu.memory_space<vmem_shared>> -> memref<10000x32xf32, #tpu.memory_space<vmem_shared>>
      tpu.enqueue_indirect_dma source(%arg13 : memref<128x32xf32, #tpu.memory_space<vmem>>) target(%dma_start3A_162 : memref<10000x32xf32, #tpu.memory_space<vmem_shared>>) offsets(%dma_start3A_159 : memref<128xi32, #tpu.memory_space<vmem>>) semaphore(%arg26 : memref<!tpu.dma_semaphore, #tpu.memory_space<semaphore_mem>>) {add = true}
      %add3A_163 = arith.constant 768 : i32
      %add3A_164 = arith.addi %mul3A_90, %add3A_163 : i32
      %lt3A_165 = arith.constant 9984 : i32
      %lt3A_166 = arith.cmpi slt, %add3A_164, %lt3A_165 : i32
      %convert_element_type3A_167 = arith.extui %lt3A_166 : i1 to i32
      %cond3A_168 = arith.constant 0 : i32
      %cond3A_169 = arith.cmpi ne, %convert_element_type3A_167, %cond3A_168 : i32
      scf.if %cond3A_169 {
        %add3A_205 = arith.constant 0 : i32
        %add3A_206 = arith.addi %mul3A_90, %add3A_205 : i32
        %dma_wait3A_207 = tpu.memref_slice %arg7[%add3A_206] : memref<10112xi32, #tpu.memory_space<vmem>> -> memref<128xi32, #tpu.memory_space<vmem>>
        %dma_wait3A_208 = arith.constant 0 : i32
        %dma_wait3A_209 = arith.constant 0 : i32
        %dma_wait3A_210 = tpu.memref_slice %arg14[%dma_wait3A_208, %dma_wait3A_209] : memref<10000x32xf32, #tpu.memory_space<vmem_shared>> -> memref<10000x32xf32, #tpu.memory_space<vmem_shared>>
        tpu.wait_indirect_dma semaphore(%arg21 : memref<!tpu.dma_semaphore, #tpu.memory_space<semaphore_mem>>) src(%arg8 : memref<128x32xf32, #tpu.memory_space<vmem>>) dst(%dma_wait3A_210 : memref<10000x32xf32, #tpu.memory_space<vmem_shared>>)
        %dma_start3A_211 = tpu.memref_slice %arg6[%add3A_164] : memref<10112xi32, #tpu.memory_space<vmem>> -> memref<128xi32, #tpu.memory_space<vmem>>
        %dma_start3A_212 = arith.constant 0 : i32
        %dma_start3A_213 = arith.constant 0 : i32
        %dma_start3A_214 = tpu.memref_slice %arg2[%dma_start3A_212, %dma_start3A_213] : memref<10000x32xf32, #tpu.memory_space<hbm>> -> memref<10000x32xf32, #tpu.memory_space<hbm>>
        tpu.enqueue_indirect_dma source(%dma_start3A_214 : memref<10000x32xf32, #tpu.memory_space<hbm>>) target(%arg8 : memref<128x32xf32, #tpu.memory_space<vmem>>) offsets(%dma_start3A_211 : memref<128xi32, #tpu.memory_space<vmem>>) semaphore(%arg15 : memref<!tpu.dma_semaphore, #tpu.memory_space<semaphore_mem>>)
      } else {
      }
      %add3A_170 = arith.constant 896 : i32
      %add3A_171 = arith.addi %mul3A_90, %add3A_170 : i32
      %lt3A_172 = arith.constant 9984 : i32
      %lt3A_173 = arith.cmpi slt, %add3A_171, %lt3A_172 : i32
      %convert_element_type3A_174 = arith.extui %lt3A_173 : i1 to i32
      %cond3A_175 = arith.constant 0 : i32
      %cond3A_176 = arith.cmpi ne, %convert_element_type3A_174, %cond3A_175 : i32
      scf.if %cond3A_176 {
        %add3A_205 = arith.constant 128 : i32
        %add3A_206 = arith.addi %mul3A_90, %add3A_205 : i32
        %dma_wait3A_207 = tpu.memref_slice %arg7[%add3A_206] : memref<10112xi32, #tpu.memory_space<vmem>> -> memref<128xi32, #tpu.memory_space<vmem>>
        %dma_wait3A_208 = arith.constant 0 : i32
        %dma_wait3A_209 = arith.constant 0 : i32
        %dma_wait3A_210 = tpu.memref_slice %arg14[%dma_wait3A_208, %dma_wait3A_209] : memref<10000x32xf32, #tpu.memory_space<vmem_shared>> -> memref<10000x32xf32, #tpu.memory_space<vmem_shared>>
        tpu.wait_indirect_dma semaphore(%arg22 : memref<!tpu.dma_semaphore, #tpu.memory_space<semaphore_mem>>) src(%arg9 : memref<128x32xf32, #tpu.memory_space<vmem>>) dst(%dma_wait3A_210 : memref<10000x32xf32, #tpu.memory_space<vmem_shared>>)
        %dma_start3A_211 = tpu.memref_slice %arg6[%add3A_171] : memref<10112xi32, #tpu.memory_space<vmem>> -> memref<128xi32, #tpu.memory_space<vmem>>
        %dma_start3A_212 = arith.constant 0 : i32
        %dma_start3A_213 = arith.constant 0 : i32
        %dma_start3A_214 = tpu.memref_slice %arg2[%dma_start3A_212, %dma_start3A_213] : memref<10000x32xf32, #tpu.memory_space<hbm>> -> memref<10000x32xf32, #tpu.memory_space<hbm>>
        tpu.enqueue_indirect_dma source(%dma_start3A_214 : memref<10000x32xf32, #tpu.memory_space<hbm>>) target(%arg9 : memref<128x32xf32, #tpu.memory_space<vmem>>) offsets(%dma_start3A_211 : memref<128xi32, #tpu.memory_space<vmem>>) semaphore(%arg16 : memref<!tpu.dma_semaphore, #tpu.memory_space<semaphore_mem>>)
      } else {
      }
      %add3A_177 = arith.constant 1024 : i32
      %add3A_178 = arith.addi %mul3A_90, %add3A_177 : i32
      %lt3A_179 = arith.constant 9984 : i32
      %lt3A_180 = arith.cmpi slt, %add3A_178, %lt3A_179 : i32
      %convert_element_type3A_181 = arith.extui %lt3A_180 : i1 to i32
      %cond3A_182 = arith.constant 0 : i32
      %cond3A_183 = arith.cmpi ne, %convert_element_type3A_181, %cond3A_182 : i32
      scf.if %cond3A_183 {
        %add3A_205 = arith.constant 256 : i32
        %add3A_206 = arith.addi %mul3A_90, %add3A_205 : i32
        %dma_wait3A_207 = tpu.memref_slice %arg7[%add3A_206] : memref<10112xi32, #tpu.memory_space<vmem>> -> memref<128xi32, #tpu.memory_space<vmem>>
        %dma_wait3A_208 = arith.constant 0 : i32
        %dma_wait3A_209 = arith.constant 0 : i32
        %dma_wait3A_210 = tpu.memref_slice %arg14[%dma_wait3A_208, %dma_wait3A_209] : memref<10000x32xf32, #tpu.memory_space<vmem_shared>> -> memref<10000x32xf32, #tpu.memory_space<vmem_shared>>
        tpu.wait_indirect_dma semaphore(%arg23 : memref<!tpu.dma_semaphore, #tpu.memory_space<semaphore_mem>>) src(%arg10 : memref<128x32xf32, #tpu.memory_space<vmem>>) dst(%dma_wait3A_210 : memref<10000x32xf32, #tpu.memory_space<vmem_shared>>)
        %dma_start3A_211 = tpu.memref_slice %arg6[%add3A_178] : memref<10112xi32, #tpu.memory_space<vmem>> -> memref<128xi32, #tpu.memory_space<vmem>>
        %dma_start3A_212 = arith.constant 0 : i32
        %dma_start3A_213 = arith.constant 0 : i32
        %dma_start3A_214 = tpu.memref_slice %arg2[%dma_start3A_212, %dma_start3A_213] : memref<10000x32xf32, #tpu.memory_space<hbm>> -> memref<10000x32xf32, #tpu.memory_space<hbm>>
        tpu.enqueue_indirect_dma source(%dma_start3A_214 : memref<10000x32xf32, #tpu.memory_space<hbm>>) target(%arg10 : memref<128x32xf32, #tpu.memory_space<vmem>>) offsets(%dma_start3A_211 : memref<128xi32, #tpu.memory_space<vmem>>) semaphore(%arg17 : memref<!tpu.dma_semaphore, #tpu.memory_space<semaphore_mem>>)
      } else {
      }
      %add3A_184 = arith.constant 1152 : i32
      %add3A_185 = arith.addi %mul3A_90, %add3A_184 : i32
      %lt3A_186 = arith.constant 9984 : i32
      %lt3A_187 = arith.cmpi slt, %add3A_185, %lt3A_186 : i32
      %convert_element_type3A_188 = arith.extui %lt3A_187 : i1 to i32
      %cond3A_189 = arith.constant 0 : i32
      %cond3A_190 = arith.cmpi ne, %convert_element_type3A_188, %cond3A_189 : i32
      scf.if %cond3A_190 {
        %add3A_205 = arith.constant 384 : i32
        %add3A_206 = arith.addi %mul3A_90, %add3A_205 : i32
        %dma_wait3A_207 = tpu.memref_slice %arg7[%add3A_206] : memref<10112xi32, #tpu.memory_space<vmem>> -> memref<128xi32, #tpu.memory_space<vmem>>
        %dma_wait3A_208 = arith.constant 0 : i32
        %dma_wait3A_209 = arith.constant 0 : i32
        %dma_wait3A_210 = tpu.memref_slice %arg14[%dma_wait3A_208, %dma_wait3A_209] : memref<10000x32xf32, #tpu.memory_space<vmem_shared>> -> memref<10000x32xf32, #tpu.memory_space<vmem_shared>>
        tpu.wait_indirect_dma semaphore(%arg24 : memref<!tpu.dma_semaphore, #tpu.memory_space<semaphore_mem>>) src(%arg11 : memref<128x32xf32, #tpu.memory_space<vmem>>) dst(%dma_wait3A_210 : memref<10000x32xf32, #tpu.memory_space<vmem_shared>>)
        %dma_start3A_211 = tpu.memref_slice %arg6[%add3A_185] : memref<10112xi32, #tpu.memory_space<vmem>> -> memref<128xi32, #tpu.memory_space<vmem>>
        %dma_start3A_212 = arith.constant 0 : i32
        %dma_start3A_213 = arith.constant 0 : i32
        %dma_start3A_214 = tpu.memref_slice %arg2[%dma_start3A_212, %dma_start3A_213] : memref<10000x32xf32, #tpu.memory_space<hbm>> -> memref<10000x32xf32, #tpu.memory_space<hbm>>
        tpu.enqueue_indirect_dma source(%dma_start3A_214 : memref<10000x32xf32, #tpu.memory_space<hbm>>) target(%arg11 : memref<128x32xf32, #tpu.memory_space<vmem>>) offsets(%dma_start3A_211 : memref<128xi32, #tpu.memory_space<vmem>>) semaphore(%arg18 : memref<!tpu.dma_semaphore, #tpu.memory_space<semaphore_mem>>)
      } else {
      }
      %add3A_191 = arith.constant 1280 : i32
      %add3A_192 = arith.addi %mul3A_90, %add3A_191 : i32
      %lt3A_193 = arith.constant 9984 : i32
      %lt3A_194 = arith.cmpi slt, %add3A_192, %lt3A_193 : i32
      %convert_element_type3A_195 = arith.extui %lt3A_194 : i1 to i32
      %cond3A_196 = arith.constant 0 : i32
      %cond3A_197 = arith.cmpi ne, %convert_element_type3A_195, %cond3A_196 : i32
      scf.if %cond3A_197 {
        %add3A_205 = arith.constant 512 : i32
        %add3A_206 = arith.addi %mul3A_90, %add3A_205 : i32
        %dma_wait3A_207 = tpu.memref_slice %arg7[%add3A_206] : memref<10112xi32, #tpu.memory_space<vmem>> -> memref<128xi32, #tpu.memory_space<vmem>>
        %dma_wait3A_208 = arith.constant 0 : i32
        %dma_wait3A_209 = arith.constant 0 : i32
        %dma_wait3A_210 = tpu.memref_slice %arg14[%dma_wait3A_208, %dma_wait3A_209] : memref<10000x32xf32, #tpu.memory_space<vmem_shared>> -> memref<10000x32xf32, #tpu.memory_space<vmem_shared>>
        tpu.wait_indirect_dma semaphore(%arg25 : memref<!tpu.dma_semaphore, #tpu.memory_space<semaphore_mem>>) src(%arg12 : memref<128x32xf32, #tpu.memory_space<vmem>>) dst(%dma_wait3A_210 : memref<10000x32xf32, #tpu.memory_space<vmem_shared>>)
        %dma_start3A_211 = tpu.memref_slice %arg6[%add3A_192] : memref<10112xi32, #tpu.memory_space<vmem>> -> memref<128xi32, #tpu.memory_space<vmem>>
        %dma_start3A_212 = arith.constant 0 : i32
        %dma_start3A_213 = arith.constant 0 : i32
        %dma_start3A_214 = tpu.memref_slice %arg2[%dma_start3A_212, %dma_start3A_213] : memref<10000x32xf32, #tpu.memory_space<hbm>> -> memref<10000x32xf32, #tpu.memory_space<hbm>>
        tpu.enqueue_indirect_dma source(%dma_start3A_214 : memref<10000x32xf32, #tpu.memory_space<hbm>>) target(%arg12 : memref<128x32xf32, #tpu.memory_space<vmem>>) offsets(%dma_start3A_211 : memref<128xi32, #tpu.memory_space<vmem>>) semaphore(%arg19 : memref<!tpu.dma_semaphore, #tpu.memory_space<semaphore_mem>>)
      } else {
      }
      %add3A_198 = arith.constant 1408 : i32
      %add3A_199 = arith.addi %mul3A_90, %add3A_198 : i32
      %lt3A_200 = arith.constant 9984 : i32
      %lt3A_201 = arith.cmpi slt, %add3A_199, %lt3A_200 : i32
      %convert_element_type3A_202 = arith.extui %lt3A_201 : i1 to i32
      %cond3A_203 = arith.constant 0 : i32
      %cond3A_204 = arith.cmpi ne, %convert_element_type3A_202, %cond3A_203 : i32
      scf.if %cond3A_204 {
        %add3A_205 = arith.constant 640 : i32
        %add3A_206 = arith.addi %mul3A_90, %add3A_205 : i32
        %dma_wait3A_207 = tpu.memref_slice %arg7[%add3A_206] : memref<10112xi32, #tpu.memory_space<vmem>> -> memref<128xi32, #tpu.memory_space<vmem>>
        %dma_wait3A_208 = arith.constant 0 : i32
        %dma_wait3A_209 = arith.constant 0 : i32
        %dma_wait3A_210 = tpu.memref_slice %arg14[%dma_wait3A_208, %dma_wait3A_209] : memref<10000x32xf32, #tpu.memory_space<vmem_shared>> -> memref<10000x32xf32, #tpu.memory_space<vmem_shared>>
        tpu.wait_indirect_dma semaphore(%arg26 : memref<!tpu.dma_semaphore, #tpu.memory_space<semaphore_mem>>) src(%arg13 : memref<128x32xf32, #tpu.memory_space<vmem>>) dst(%dma_wait3A_210 : memref<10000x32xf32, #tpu.memory_space<vmem_shared>>)
        %dma_start3A_211 = tpu.memref_slice %arg6[%add3A_199] : memref<10112xi32, #tpu.memory_space<vmem>> -> memref<128xi32, #tpu.memory_space<vmem>>
        %dma_start3A_212 = arith.constant 0 : i32
        %dma_start3A_213 = arith.constant 0 : i32
        %dma_start3A_214 = tpu.memref_slice %arg2[%dma_start3A_212, %dma_start3A_213] : memref<10000x32xf32, #tpu.memory_space<hbm>> -> memref<10000x32xf32, #tpu.memory_space<hbm>>
        tpu.enqueue_indirect_dma source(%dma_start3A_214 : memref<10000x32xf32, #tpu.memory_space<hbm>>) target(%arg13 : memref<128x32xf32, #tpu.memory_space<vmem>>) offsets(%dma_start3A_211 : memref<128xi32, #tpu.memory_space<vmem>>) semaphore(%arg20 : memref<!tpu.dma_semaphore, #tpu.memory_space<semaphore_mem>>)
      } else {
      }
    }
    %scan3A_42 = arith.constant 13 : i32
    %dma_wait3A = arith.constant 9216 : i32
    %dma_wait3A_43 = tpu.memref_slice %arg7[%dma_wait3A] : memref<10112xi32, #tpu.memory_space<vmem>> -> memref<128xi32, #tpu.memory_space<vmem>>
    %dma_wait3A_44 = arith.constant 0 : i32
    %dma_wait3A_45 = arith.constant 0 : i32
    %dma_wait3A_46 = tpu.memref_slice %arg14[%dma_wait3A_44, %dma_wait3A_45] : memref<10000x32xf32, #tpu.memory_space<vmem_shared>> -> memref<10000x32xf32, #tpu.memory_space<vmem_shared>>
    tpu.wait_indirect_dma semaphore(%arg21 : memref<!tpu.dma_semaphore, #tpu.memory_space<semaphore_mem>>) src(%arg8 : memref<128x32xf32, #tpu.memory_space<vmem>>) dst(%dma_wait3A_46 : memref<10000x32xf32, #tpu.memory_space<vmem_shared>>)
    %dma_wait3A_47 = arith.constant 9344 : i32
    %dma_wait3A_48 = tpu.memref_slice %arg7[%dma_wait3A_47] : memref<10112xi32, #tpu.memory_space<vmem>> -> memref<128xi32, #tpu.memory_space<vmem>>
    %dma_wait3A_49 = arith.constant 0 : i32
    %dma_wait3A_50 = arith.constant 0 : i32
    %dma_wait3A_51 = tpu.memref_slice %arg14[%dma_wait3A_49, %dma_wait3A_50] : memref<10000x32xf32, #tpu.memory_space<vmem_shared>> -> memref<10000x32xf32, #tpu.memory_space<vmem_shared>>
    tpu.wait_indirect_dma semaphore(%arg22 : memref<!tpu.dma_semaphore, #tpu.memory_space<semaphore_mem>>) src(%arg9 : memref<128x32xf32, #tpu.memory_space<vmem>>) dst(%dma_wait3A_51 : memref<10000x32xf32, #tpu.memory_space<vmem_shared>>)
    %dma_wait3A_52 = arith.constant 9472 : i32
    %dma_wait3A_53 = tpu.memref_slice %arg7[%dma_wait3A_52] : memref<10112xi32, #tpu.memory_space<vmem>> -> memref<128xi32, #tpu.memory_space<vmem>>
    %dma_wait3A_54 = arith.constant 0 : i32
    %dma_wait3A_55 = arith.constant 0 : i32
    %dma_wait3A_56 = tpu.memref_slice %arg14[%dma_wait3A_54, %dma_wait3A_55] : memref<10000x32xf32, #tpu.memory_space<vmem_shared>> -> memref<10000x32xf32, #tpu.memory_space<vmem_shared>>
    tpu.wait_indirect_dma semaphore(%arg23 : memref<!tpu.dma_semaphore, #tpu.memory_space<semaphore_mem>>) src(%arg10 : memref<128x32xf32, #tpu.memory_space<vmem>>) dst(%dma_wait3A_56 : memref<10000x32xf32, #tpu.memory_space<vmem_shared>>)
    %dma_wait3A_57 = arith.constant 9600 : i32
    %dma_wait3A_58 = tpu.memref_slice %arg7[%dma_wait3A_57] : memref<10112xi32, #tpu.memory_space<vmem>> -> memref<128xi32, #tpu.memory_space<vmem>>
    %dma_wait3A_59 = arith.constant 0 : i32
    %dma_wait3A_60 = arith.constant 0 : i32
    %dma_wait3A_61 = tpu.memref_slice %arg14[%dma_wait3A_59, %dma_wait3A_60] : memref<10000x32xf32, #tpu.memory_space<vmem_shared>> -> memref<10000x32xf32, #tpu.memory_space<vmem_shared>>
    tpu.wait_indirect_dma semaphore(%arg24 : memref<!tpu.dma_semaphore, #tpu.memory_space<semaphore_mem>>) src(%arg11 : memref<128x32xf32, #tpu.memory_space<vmem>>) dst(%dma_wait3A_61 : memref<10000x32xf32, #tpu.memory_space<vmem_shared>>)
    %dma_wait3A_62 = arith.constant 9728 : i32
    %dma_wait3A_63 = tpu.memref_slice %arg7[%dma_wait3A_62] : memref<10112xi32, #tpu.memory_space<vmem>> -> memref<128xi32, #tpu.memory_space<vmem>>
    %dma_wait3A_64 = arith.constant 0 : i32
    %dma_wait3A_65 = arith.constant 0 : i32
    %dma_wait3A_66 = tpu.memref_slice %arg14[%dma_wait3A_64, %dma_wait3A_65] : memref<10000x32xf32, #tpu.memory_space<vmem_shared>> -> memref<10000x32xf32, #tpu.memory_space<vmem_shared>>
    tpu.wait_indirect_dma semaphore(%arg25 : memref<!tpu.dma_semaphore, #tpu.memory_space<semaphore_mem>>) src(%arg12 : memref<128x32xf32, #tpu.memory_space<vmem>>) dst(%dma_wait3A_66 : memref<10000x32xf32, #tpu.memory_space<vmem_shared>>)
    %dma_wait3A_67 = arith.constant 9856 : i32
    %dma_wait3A_68 = tpu.memref_slice %arg7[%dma_wait3A_67] : memref<10112xi32, #tpu.memory_space<vmem>> -> memref<128xi32, #tpu.memory_space<vmem>>
    %dma_wait3A_69 = arith.constant 0 : i32
    %dma_wait3A_70 = arith.constant 0 : i32
    %dma_wait3A_71 = tpu.memref_slice %arg14[%dma_wait3A_69, %dma_wait3A_70] : memref<10000x32xf32, #tpu.memory_space<vmem_shared>> -> memref<10000x32xf32, #tpu.memory_space<vmem_shared>>
    tpu.wait_indirect_dma semaphore(%arg26 : memref<!tpu.dma_semaphore, #tpu.memory_space<semaphore_mem>>) src(%arg13 : memref<128x32xf32, #tpu.memory_space<vmem>>) dst(%dma_wait3A_71 : memref<10000x32xf32, #tpu.memory_space<vmem_shared>>)
    %lt3A_72 = arith.constant 4 : i32
    %lt3A_73 = arith.cmpi slt, %add3A, %lt3A_72 : i32
    %convert_element_type3A_74 = arith.extui %lt3A_73 : i1 to i32
    %cond3A_75 = arith.constant 0 : i32
    %cond3A_76 = arith.cmpi ne, %convert_element_type3A_74, %cond3A_75 : i32
    scf.if %cond3A_76 {
      %dma_start3A_84 = arith.constant 9984 : i32
      %dma_start3A_85 = tpu.memref_slice %arg6[%dma_start3A_84] : memref<10112xi32, #tpu.memory_space<vmem>> -> memref<128xi32, #tpu.memory_space<vmem>>
      %dma_start3A_86 = arith.constant 0 : i32
      %dma_start3A_87 = arith.constant 0 : i32
      %dma_start3A_88 = tpu.memref_slice %arg2[%dma_start3A_86, %dma_start3A_87] : memref<10000x32xf32, #tpu.memory_space<hbm>> -> memref<10000x32xf32, #tpu.memory_space<hbm>>
      tpu.enqueue_indirect_dma source(%dma_start3A_88 : memref<10000x32xf32, #tpu.memory_space<hbm>>) target(%arg8 : memref<128x32xf32, #tpu.memory_space<vmem>>) offsets(%dma_start3A_85 : memref<128xi32, #tpu.memory_space<vmem>>) semaphore(%arg15 : memref<!tpu.dma_semaphore, #tpu.memory_space<semaphore_mem>>)
      %dma_wait3A_89 = arith.constant 9984 : i32
      %dma_wait3A_90 = tpu.memref_slice %arg6[%dma_wait3A_89] : memref<10112xi32, #tpu.memory_space<vmem>> -> memref<128xi32, #tpu.memory_space<vmem>>
      %dma_wait3A_91 = arith.constant 0 : i32
      %dma_wait3A_92 = arith.constant 0 : i32
      %dma_wait3A_93 = tpu.memref_slice %arg2[%dma_wait3A_91, %dma_wait3A_92] : memref<10000x32xf32, #tpu.memory_space<hbm>> -> memref<10000x32xf32, #tpu.memory_space<hbm>>
      tpu.wait_indirect_dma semaphore(%arg15 : memref<!tpu.dma_semaphore, #tpu.memory_space<semaphore_mem>>) src(%dma_wait3A_93 : memref<10000x32xf32, #tpu.memory_space<hbm>>) dst(%arg8 : memref<128x32xf32, #tpu.memory_space<vmem>>)
      %dma_start3A_94 = arith.constant 9984 : i32
      %dma_start3A_95 = tpu.memref_slice %arg7[%dma_start3A_94] : memref<10112xi32, #tpu.memory_space<vmem>> -> memref<128xi32, #tpu.memory_space<vmem>>
      %dma_start3A_96 = arith.constant 0 : i32
      %dma_start3A_97 = arith.constant 0 : i32
      %dma_start3A_98 = tpu.memref_slice %arg14[%dma_start3A_96, %dma_start3A_97] : memref<10000x32xf32, #tpu.memory_space<vmem_shared>> -> memref<10000x32xf32, #tpu.memory_space<vmem_shared>>
      tpu.enqueue_indirect_dma source(%arg8 : memref<128x32xf32, #tpu.memory_space<vmem>>) target(%dma_start3A_98 : memref<10000x32xf32, #tpu.memory_space<vmem_shared>>) offsets(%dma_start3A_95 : memref<128xi32, #tpu.memory_space<vmem>>) semaphore(%arg21 : memref<!tpu.dma_semaphore, #tpu.memory_space<semaphore_mem>>) {add = true}
      %dma_wait3A_99 = arith.constant 9984 : i32
      %dma_wait3A_100 = tpu.memref_slice %arg7[%dma_wait3A_99] : memref<10112xi32, #tpu.memory_space<vmem>> -> memref<128xi32, #tpu.memory_space<vmem>>
      %dma_wait3A_101 = arith.constant 0 : i32
      %dma_wait3A_102 = arith.constant 0 : i32
      %dma_wait3A_103 = tpu.memref_slice %arg14[%dma_wait3A_101, %dma_wait3A_102] : memref<10000x32xf32, #tpu.memory_space<vmem_shared>> -> memref<10000x32xf32, #tpu.memory_space<vmem_shared>>
      tpu.wait_indirect_dma semaphore(%arg21 : memref<!tpu.dma_semaphore, #tpu.memory_space<semaphore_mem>>) src(%arg8 : memref<128x32xf32, #tpu.memory_space<vmem>>) dst(%dma_wait3A_103 : memref<10000x32xf32, #tpu.memory_space<vmem_shared>>)
    } else {
    }
    %barrier3A_77 = arith.constant 0 : index
    tpu.barrier barrier_id(%barrier3A_77)
    %mul3A_78 = arith.constant 625 : i32
    %mul3A_79 = arith.muli %arg1, %mul3A_78 : i32
    %mul3A_80 = arith.constant 625 : i32
    %mul3A_81 = arith.muli %arg1, %mul3A_80 : i32
    %mul3A_82 = arith.constant 32 : i32
    %mul3A_83 = arith.muli %arg0, %mul3A_82 : i32
    "tpu.region"() ({
      %run_scoped3A_84 = tpu.sem_alloc : memref<!tpu.dma_semaphore, #tpu.memory_space<semaphore_mem>>
      %dma_start3A_85 = tpu.memref_slice %arg5[%mul3A_81, %mul3A_83] : memref<10000x128xf32, #tpu.memory_space<hbm>> -> memref<625x32xf32, #tpu.memory_space<hbm>>
      %dma_start3A_86 = arith.constant 0 : i32
      %dma_start3A_87 = tpu.memref_slice %arg14[%mul3A_79, %dma_start3A_86] : memref<10000x32xf32, #tpu.memory_space<vmem_shared>> -> memref<625x32xf32, #tpu.memory_space<vmem_shared>>
      tpu.enqueue_dma source(%dma_start3A_87 : memref<625x32xf32, #tpu.memory_space<vmem_shared>>) target(%dma_start3A_85 : memref<625x32xf32, #tpu.memory_space<hbm>>) target_semaphore(%run_scoped3A_84 : memref<!tpu.dma_semaphore, #tpu.memory_space<semaphore_mem>>)
      %dma_wait3A_88 = tpu.memref_slice %arg5[%mul3A_81, %mul3A_83] : memref<10000x128xf32, #tpu.memory_space<hbm>> -> memref<625x32xf32, #tpu.memory_space<hbm>>
      %dma_wait3A_89 = arith.constant 0 : i32
      %dma_wait3A_90 = tpu.memref_slice %arg14[%mul3A_79, %dma_wait3A_89] : memref<10000x32xf32, #tpu.memory_space<vmem_shared>> -> memref<625x32xf32, #tpu.memory_space<vmem_shared>>
      tpu.wait_dma2 semaphore(%run_scoped3A_84 : memref<!tpu.dma_semaphore, #tpu.memory_space<semaphore_mem>>) src(%dma_wait3A_90 : memref<625x32xf32, #tpu.memory_space<vmem_shared>>) dst(%dma_wait3A_88 : memref<625x32xf32, #tpu.memory_space<hbm>>)
      tpu.yield
    }) : () -> ()
    return
  }
}

module attributes {stable_mosaic.version = 14 : i64} {
  func.func @_tc1_body(%arg0: i32, %arg1: memref<2000x128xf32, #tpu.memory_space<vmem>>, %arg2: memref<128x64xf32, #tpu.memory_space<vmem>>, %arg3: memref<2000x128xf32, #tpu.memory_space<vmem>>, %arg4: memref<2000x64xf32, #tpu.memory_space<vmem>>, %arg5: memref<2000x128xf32, #tpu.memory_space<vmem>>) attributes {dimension_semantics = [#tpu.dimension_semantics<arbitrary>], iteration_bounds = array<i64: 5>, scalar_prefetch = 0 : i64, scratch_operands = 0 : i64, tpu.core_type = #tpu.core_type<tc>, window_params = [{transform_indices = @transform_0, window_bounds = array<i64: 2000, 128>}, {pipeline_mode = #tpu.pipeline_mode<synchronous>, transform_indices = @transform_1, window_bounds = array<i64: 128, 64>}, {transform_indices = @transform_2, window_bounds = array<i64: 2000, 128>}, {transform_indices = @transform_3, window_bounds = array<i64: 2000, 64>}, {transform_indices = @transform_4, window_bounds = array<i64: 2000, 128>}]} {
    %get3A = arith.constant 0 : index
    %get3A_0 = arith.constant 0 : index
    %get3A_1 = vector.load %arg3[%get3A, %get3A_0] : memref<2000x128xf32, #tpu.memory_space<vmem>>, vector<2000x1xf32>
    %get3A_2 = arith.constant 0 : index
    %get3A_3 = arith.constant 16 : index
    %get3A_4 = vector.load %arg3[%get3A_2, %get3A_3] : memref<2000x128xf32, #tpu.memory_space<vmem>>, vector<2000x1xf32>
    %add3A = arith.addf %get3A_1, %get3A_4 : vector<2000x1xf32>
    %add3A_5 = arith.constant 1.000000e+00 : f32
    %add3A_6 = vector.broadcast %add3A_5 : f32 to vector<2000x1xf32>
    %add3A_7 = arith.addf %add3A, %add3A_6 : vector<2000x1xf32>
    %rsqrt3A = math.rsqrt %add3A_7 : vector<2000x1xf32>
    %get3A_8 = arith.constant 0 : index
    %get3A_9 = arith.constant 0 : index
    %get3A_10 = vector.load %arg1[%get3A_8, %get3A_9] : memref<2000x128xf32, #tpu.memory_space<vmem>>, vector<2000x128xf32>
    %get3A_11 = arith.constant 0 : index
    %get3A_12 = arith.constant 0 : index
    %get3A_13 = vector.load %arg2[%get3A_11, %get3A_12] : memref<128x64xf32, #tpu.memory_space<vmem>>, vector<128x64xf32>
    %dot_general3A = arith.constant dense<0.000000e+00> : vector<2000x64xf32>
    %dot_general3A_14 = tpu.matmul %get3A_10, %get3A_13, %dot_general3A {dimension_numbers = #tpu.dot_dimension_numbers<[1], [0], [0], [1], [0, 0, 1, 1], [], []>, transpose_lhs_hint = false} : vector<2000x128xf32>, vector<128x64xf32>, vector<2000x64xf32> -> vector<2000x64xf32>
    %mul3A = vector.broadcast %rsqrt3A : vector<2000x1xf32> to vector<2000x64xf32>
    %mul3A_15 = arith.mulf %dot_general3A_14, %mul3A : vector<2000x64xf32>
    %swap3A = arith.constant 0 : index
    %swap3A_16 = arith.constant 0 : index
    %swap3A_17 = vector.load %arg4[%swap3A, %swap3A_16] : memref<2000x64xf32, #tpu.memory_space<vmem>>, vector<2000x64xf32>
    tpu.vector_store %arg4[%swap3A, %swap3A_16], %mul3A_15 {strides = array<i32>} : memref<2000x64xf32, #tpu.memory_space<vmem>>, vector<2000x64xf32>,
    %broadcast_in_dim3A = vector.shape_cast %rsqrt3A : vector<2000x1xf32> to vector<2000x1xf32>
    %broadcast_in_dim3A_18 = vector.broadcast %broadcast_in_dim3A : vector<2000x1xf32> to vector<2000x64xf32>
    %concatenate3A = tpu.concatenate %dot_general3A_14, %broadcast_in_dim3A_18 in 1 : vector<2000x64xf32>, vector<2000x64xf32> -> vector<2000x128xf32>
    %swap3A_19 = arith.constant 0 : index
    %swap3A_20 = arith.constant 0 : index
    %swap3A_21 = vector.load %arg5[%swap3A_19, %swap3A_20] : memref<2000x128xf32, #tpu.memory_space<vmem>>, vector<2000x128xf32>
    tpu.vector_store %arg5[%swap3A_19, %swap3A_20], %concatenate3A {strides = array<i32>} : memref<2000x128xf32, #tpu.memory_space<vmem>>, vector<2000x128xf32>,
    return
  }
  func.func @transform_0(%arg0: i32) -> (i32, i32) {
    %c0_i32 = arith.constant 0 : i32
    %c0_i32_0 = arith.constant 0 : i32
    return %arg0, %c0_i32 : i32, i32
  }
  func.func @transform_1(%arg0: i32) -> (i32, i32) {
    %c0_i32 = arith.constant 0 : i32
    %c0_i32_0 = arith.constant 0 : i32
    %c0_i32_1 = arith.constant 0 : i32
    return %c0_i32, %c0_i32_0 : i32, i32
  }
  func.func @transform_2(%arg0: i32) -> (i32, i32) {
    %c0_i32 = arith.constant 0 : i32
    %c0_i32_0 = arith.constant 0 : i32
    return %arg0, %c0_i32 : i32, i32
  }
  func.func @transform_3(%arg0: i32) -> (i32, i32) {
    %c0_i32 = arith.constant 0 : i32
    %c0_i32_0 = arith.constant 0 : i32
    return %arg0, %c0_i32 : i32, i32
  }
  func.func @transform_4(%arg0: i32) -> (i32, i32) {
    %c0_i32 = arith.constant 0 : i32
    %c0_i32_0 = arith.constant 0 : i32
    return %arg0, %c0_i32 : i32, i32
  }
}

module attributes {stable_mosaic.version = 14 : i64} {
  func.func @_tc2_body(%arg0: i32, %arg1: memref<2000x128xf32, #tpu.memory_space<vmem>>, %arg2: memref<2000x128xf32, #tpu.memory_space<vmem>>, %arg3: memref<8x64xf32, #tpu.memory_space<vmem>>, %arg4: memref<64x32xf32, #tpu.memory_space<vmem>>, %arg5: memref<2000x32xf32, #tpu.memory_space<vmem>>, %arg6: memref<2000x128xf32, #tpu.memory_space<vmem>>) attributes {dimension_semantics = [#tpu.dimension_semantics<arbitrary>], iteration_bounds = array<i64: 5>, scalar_prefetch = 0 : i64, scratch_operands = 0 : i64, tpu.core_type = #tpu.core_type<tc>, window_params = [{transform_indices = @transform_0, window_bounds = array<i64: 2000, 128>}, {transform_indices = @transform_1, window_bounds = array<i64: 2000, 128>}, {pipeline_mode = #tpu.pipeline_mode<synchronous>, transform_indices = @transform_2, window_bounds = array<i64: 8, 64>}, {pipeline_mode = #tpu.pipeline_mode<synchronous>, transform_indices = @transform_3, window_bounds = array<i64: 64, 32>}, {transform_indices = @transform_4, window_bounds = array<i64: 2000, 32>}, {transform_indices = @transform_5, window_bounds = array<i64: 2000, 128>}]} {
    %get3A = arith.constant 0 : index
    %get3A_0 = arith.constant 0 : index
    %get3A_1 = vector.load %arg1[%get3A, %get3A_0] : memref<2000x128xf32, #tpu.memory_space<vmem>>, vector<2000x64xf32>
    %get3A_2 = arith.constant 0 : index
    %get3A_3 = arith.constant 64 : index
    %get3A_4 = vector.load %arg1[%get3A_2, %get3A_3] : memref<2000x128xf32, #tpu.memory_space<vmem>>, vector<2000x1xf32>
    %get3A_5 = arith.constant 0 : index
    %get3A_6 = arith.constant 0 : index
    %get3A_7 = vector.load %arg2[%get3A_5, %get3A_6] : memref<2000x128xf32, #tpu.memory_space<vmem>>, vector<2000x64xf32>
    %get3A_8 = arith.constant 0 : index
    %get3A_9 = arith.constant 64 : index
    %get3A_10 = vector.load %arg2[%get3A_8, %get3A_9] : memref<2000x128xf32, #tpu.memory_space<vmem>>, vector<2000x64xf32>
    %add3A = arith.addf %get3A_7, %get3A_10 : vector<2000x64xf32>
    %mul3A = vector.broadcast %get3A_4 : vector<2000x1xf32> to vector<2000x64xf32>
    %mul3A_11 = arith.mulf %mul3A, %add3A : vector<2000x64xf32>
    %mul3A_12 = arith.mulf %get3A_4, %get3A_4 : vector<2000x1xf32>
    %mul3A_13 = vector.broadcast %mul3A_12 : vector<2000x1xf32> to vector<2000x64xf32>
    %mul3A_14 = arith.mulf %mul3A_13, %get3A_1 : vector<2000x64xf32>
    %add3A_15 = arith.addf %mul3A_11, %mul3A_14 : vector<2000x64xf32>
    %get3A_16 = arith.constant 0 : index
    %get3A_17 = arith.constant 0 : index
    %get3A_18 = vector.load %arg3[%get3A_16, %get3A_17] : memref<8x64xf32, #tpu.memory_space<vmem>>, vector<1x64xf32>
    %add3A_19 = vector.broadcast %get3A_18 : vector<1x64xf32> to vector<2000x64xf32>
    %add3A_20 = arith.addf %add3A_15, %add3A_19 : vector<2000x64xf32>
    %max3A = arith.constant 0.000000e+00 : f32
    %max3A_21 = vector.broadcast %max3A : f32 to vector<2000x64xf32>
    %max3A_22 = arith.maximumf %add3A_20, %max3A_21 : vector<2000x64xf32>
    %get3A_23 = arith.constant 0 : index
    %get3A_24 = arith.constant 0 : index
    %get3A_25 = vector.load %arg4[%get3A_23, %get3A_24] : memref<64x32xf32, #tpu.memory_space<vmem>>, vector<64x32xf32>
    %dot_general3A = arith.constant dense<0.000000e+00> : vector<2000x32xf32>
    %dot_general3A_26 = tpu.matmul %max3A_22, %get3A_25, %dot_general3A {dimension_numbers = #tpu.dot_dimension_numbers<[1], [0], [0], [1], [0, 0, 1, 1], [], []>, transpose_lhs_hint = false} : vector<2000x64xf32>, vector<64x32xf32>, vector<2000x32xf32> -> vector<2000x32xf32>
    %mul3A_27 = vector.broadcast %get3A_4 : vector<2000x1xf32> to vector<2000x32xf32>
    %mul3A_28 = arith.mulf %dot_general3A_26, %mul3A_27 : vector<2000x32xf32>
    %swap3A = arith.constant 0 : index
    %swap3A_29 = arith.constant 0 : index
    %swap3A_30 = vector.load %arg5[%swap3A, %swap3A_29] : memref<2000x32xf32, #tpu.memory_space<vmem>>, vector<2000x32xf32>
    tpu.vector_store %arg5[%swap3A, %swap3A_29], %mul3A_28 {strides = array<i32>} : memref<2000x32xf32, #tpu.memory_space<vmem>>, vector<2000x32xf32>,
    %broadcast_in_dim3A = vector.shape_cast %get3A_4 : vector<2000x1xf32> to vector<2000x1xf32>
    %broadcast_in_dim3A_31 = vector.broadcast %broadcast_in_dim3A : vector<2000x1xf32> to vector<2000x96xf32>
    %concatenate3A = tpu.concatenate %dot_general3A_26, %broadcast_in_dim3A_31 in 1 : vector<2000x32xf32>, vector<2000x96xf32> -> vector<2000x128xf32>
    %swap3A_32 = arith.constant 0 : index
    %swap3A_33 = arith.constant 0 : index
    %swap3A_34 = vector.load %arg6[%swap3A_32, %swap3A_33] : memref<2000x128xf32, #tpu.memory_space<vmem>>, vector<2000x128xf32>
    tpu.vector_store %arg6[%swap3A_32, %swap3A_33], %concatenate3A {strides = array<i32>} : memref<2000x128xf32, #tpu.memory_space<vmem>>, vector<2000x128xf32>,
    return
  }
  func.func @transform_0(%arg0: i32) -> (i32, i32) {
    %c0_i32 = arith.constant 0 : i32
    %c0_i32_0 = arith.constant 0 : i32
    return %arg0, %c0_i32 : i32, i32
  }
  func.func @transform_1(%arg0: i32) -> (i32, i32) {
    %c0_i32 = arith.constant 0 : i32
    %c0_i32_0 = arith.constant 0 : i32
    return %arg0, %c0_i32 : i32, i32
  }
  func.func @transform_2(%arg0: i32) -> (i32, i32) {
    %c0_i32 = arith.constant 0 : i32
    %c0_i32_0 = arith.constant 0 : i32
    %c0_i32_1 = arith.constant 0 : i32
    return %c0_i32, %c0_i32_0 : i32, i32
  }
  func.func @transform_3(%arg0: i32) -> (i32, i32) {
    %c0_i32 = arith.constant 0 : i32
    %c0_i32_0 = arith.constant 0 : i32
    %c0_i32_1 = arith.constant 0 : i32
    return %c0_i32, %c0_i32_0 : i32, i32
  }
  func.func @transform_4(%arg0: i32) -> (i32, i32) {
    %c0_i32 = arith.constant 0 : i32
    %c0_i32_0 = arith.constant 0 : i32
    return %arg0, %c0_i32 : i32, i32
  }
  func.func @transform_5(%arg0: i32) -> (i32, i32) {
    %c0_i32 = arith.constant 0 : i32
    %c0_i32_0 = arith.constant 0 : i32
    return %arg0, %c0_i32 : i32, i32
  }
}

module attributes {stable_mosaic.version = 14 : i64} {
  func.func @_tc3_body(%arg0: i32, %arg1: memref<2000x128xf32, #tpu.memory_space<vmem>>, %arg2: memref<2000x128xf32, #tpu.memory_space<vmem>>, %arg3: memref<8x32xf32, #tpu.memory_space<vmem>>, %arg4: memref<2000x32xf32, #tpu.memory_space<vmem>>) attributes {dimension_semantics = [#tpu.dimension_semantics<arbitrary>], iteration_bounds = array<i64: 5>, scalar_prefetch = 0 : i64, scratch_operands = 0 : i64, tpu.core_type = #tpu.core_type<tc>, window_params = [{transform_indices = @transform_0, window_bounds = array<i64: 2000, 128>}, {transform_indices = @transform_1, window_bounds = array<i64: 2000, 128>}, {pipeline_mode = #tpu.pipeline_mode<synchronous>, transform_indices = @transform_2, window_bounds = array<i64: 8, 32>}, {transform_indices = @transform_3, window_bounds = array<i64: 2000, 32>}]} {
    %get3A = arith.constant 0 : index
    %get3A_0 = arith.constant 0 : index
    %get3A_1 = vector.load %arg1[%get3A, %get3A_0] : memref<2000x128xf32, #tpu.memory_space<vmem>>, vector<2000x32xf32>
    %get3A_2 = arith.constant 0 : index
    %get3A_3 = arith.constant 32 : index
    %get3A_4 = vector.load %arg1[%get3A_2, %get3A_3] : memref<2000x128xf32, #tpu.memory_space<vmem>>, vector<2000x1xf32>
    %get3A_5 = arith.constant 0 : index
    %get3A_6 = arith.constant 0 : index
    %get3A_7 = vector.load %arg2[%get3A_5, %get3A_6] : memref<2000x128xf32, #tpu.memory_space<vmem>>, vector<2000x32xf32>
    %get3A_8 = arith.constant 0 : index
    %get3A_9 = arith.constant 32 : index
    %get3A_10 = vector.load %arg2[%get3A_8, %get3A_9] : memref<2000x128xf32, #tpu.memory_space<vmem>>, vector<2000x32xf32>
    %add3A = arith.addf %get3A_7, %get3A_10 : vector<2000x32xf32>
    %mul3A = vector.broadcast %get3A_4 : vector<2000x1xf32> to vector<2000x32xf32>
    %mul3A_11 = arith.mulf %mul3A, %add3A : vector<2000x32xf32>
    %mul3A_12 = arith.mulf %get3A_4, %get3A_4 : vector<2000x1xf32>
    %mul3A_13 = vector.broadcast %mul3A_12 : vector<2000x1xf32> to vector<2000x32xf32>
    %mul3A_14 = arith.mulf %mul3A_13, %get3A_1 : vector<2000x32xf32>
    %add3A_15 = arith.addf %mul3A_11, %mul3A_14 : vector<2000x32xf32>
    %get3A_16 = arith.constant 0 : index
    %get3A_17 = arith.constant 0 : index
    %get3A_18 = vector.load %arg3[%get3A_16, %get3A_17] : memref<8x32xf32, #tpu.memory_space<vmem>>, vector<1x32xf32>
    %add3A_19 = vector.broadcast %get3A_18 : vector<1x32xf32> to vector<2000x32xf32>
    %add3A_20 = arith.addf %add3A_15, %add3A_19 : vector<2000x32xf32>
    %swap3A = arith.constant 0 : index
    %swap3A_21 = arith.constant 0 : index
    %swap3A_22 = vector.load %arg4[%swap3A, %swap3A_21] : memref<2000x32xf32, #tpu.memory_space<vmem>>, vector<2000x32xf32>
    tpu.vector_store %arg4[%swap3A, %swap3A_21], %add3A_20 {strides = array<i32>} : memref<2000x32xf32, #tpu.memory_space<vmem>>, vector<2000x32xf32>,
    return
  }
  func.func @transform_0(%arg0: i32) -> (i32, i32) {
    %c0_i32 = arith.constant 0 : i32
    %c0_i32_0 = arith.constant 0 : i32
    return %arg0, %c0_i32 : i32, i32
  }
  func.func @transform_1(%arg0: i32) -> (i32, i32) {
    %c0_i32 = arith.constant 0 : i32
    %c0_i32_0 = arith.constant 0 : i32
    return %arg0, %c0_i32 : i32, i32
  }
  func.func @transform_2(%arg0: i32) -> (i32, i32) {
    %c0_i32 = arith.constant 0 : i32
    %c0_i32_0 = arith.constant 0 : i32
    %c0_i32_1 = arith.constant 0 : i32
    return %c0_i32, %c0_i32_0 : i32, i32
  }
  func.func @transform_3(%arg0: i32) -> (i32, i32) {
    %c0_i32 = arith.constant 0 : i32
    %c0_i32_0 = arith.constant 0 : i32
    return %arg0, %c0_i32 : i32, i32
  }
}

</mosaic_0001>

<sc_bundles>
// kernel: kernel.11.cloned.1.call-start
scs
__scs_entry_jumppad:
0x0: {  	(pc) =	sbr.rel $0x88, $3  }
0x1: {  	(tag) =	ssettag $0x0;
	lr =	simm.s32 $0x1  }
0x2: {  	[smem:$0x3F9B] =	sst lr;
	_ =	strace $0xD0000000  }
0x3: {  	_ = 	snop  }
0x4: {  	_ = 	snop  }
0x5: {  	_ = 	snop  }
0x6: {  	_ = 	snop  }
0x7: {  	_ = 	snop  }
__scs_overlays_trampoline_lowered:
0x8: {  	[smem:$0x3FAA] =	sst s0  }
0x9: {  	[smem:$0x3FAB] =	sst s1  }
0xa: {  	[smem:$0x3FAC] =	sst s2  }
0xb: {  	[smem:$0x3FAD] =	sst s3  }
0xc: {  	[smem:$0x3FAE] =	sst s4  }
0xd: {  	[smem:$0x3FAF] =	sst s5  }
0xe: {  	[smem:$0x3FB0] =	sst s6  }
0xf: {  	[smem:$0x3FB1] =	sst s7  }
0x10: {  	[smem:$0x3FB2] =	sst s8  }
0x11: {  	[smem:$0x3FB3] =	sst s9;
	s0 =	simm.s32 @!p0 $0x0  }
0x12: {  	s1 =	sld [smem:$0x3F99];
	s0 =	simm.s32 @p0 $0x1  }
0x13: {  	[smem:$0x3FB4] =	sst s0;
	s0 =	simm.s32 @!p1 $0x0  }
0x14: {  	s2 =	sld [smem:$0x3F98];
	s0 =	simm.s32 @p1 $0x1  }
0x15: {  	[smem:$0x3FB5] =	sst s0;
	s0 =	simm.s32 @!p2 $0x0  }
0x16: {  	s3 =	sld [smem:$0x3FDB];
	s0 =	simm.s32 @p2 $0x1  }
0x17: {  	s4 =	simm.s32 $0x1BF5;
	[smem:$0x3FB7] =	sst s0  }
0x18: {  	s0 =	sld [smem:$0x3F9A];
	_ =	swait.ge [sflag:s4], $0x0  }
0x19: {  	s7 =	sld [smem:$0x3F9B]  }
0x1a: {  	s8 =	sadd.s32 $0xFFFFE003, lr  }
0x1b: {  	s9 =	sadd.s32 $0xFFFFFEF7, lr;
	s5 =	simm.s32 $0xFFFFFFFF;
	p2 =	slt.u32 s8, $0xFFFFF086  }
0x1c: {  	p1 =	slt.u32 s9, $0xF7A;
	s5 =	simm.s32 @!p2 $0x0  }
0x1d: {  	s5 =	simm.s32 @p1 $0x1;
	p0 =	seq.s32 s7, s2  }
0x1e: {  	s7 =	smul.u32 @!p0 $0xF7A, s2;
	p2 =	seq.s32 @!p0 s5, $0x0  }
0x1f: {  	s9 =	smul.u32 $0xF7A, s1;
	s8 =	simm.s32 @!p0 $0x1BF5;
	p2 =	por !p2, p0  }
0x20: {  	[sflag:s8] =	ssyncset.s32 @!p0 $0xFFFFF086;
	s6 =	sadd.s32 @!p0 s3, s7;
	s7 =	simm.s32 @!p0 $0x108  }
0x21: {  	s3 =	sadd.s32 s3, s9;
	s6 =	sadd.s32 @!p0 $0x88, s6;
	s7 =	simm.s32 @p2 $0x1082  }
0x22: {  	[simem:s7], [sflag:s8] =	dma.local @!p0 [hbm:s6], $0xF7A  }
0x23: {  	s9 =	sor.u32 $0xD0000000, s2;
	s6 =	simm.s32 $0x108;
	_ =	swait.ge @!p0 [sflag:s8], $0x0  }
0x24: {  	s3 =	sadd.s32 $0x88, s3;
	s6 =	simm.s32 @!p1 $0x1082;
	[sflag:s4] =	ssyncset.s32 $0xFFFFF086  }
0x25: {  	[simem:s6], [sflag:s4] =	dma.local [hbm:s3], $0xF7A  }
0x26: {  	[smem:$0x3F9B] =	sst s1;
	(tag) =	ssettag s2;
	_ =	strace s9  }
0x27: {  	s1 =	sld [smem:$0x3FAB]  }
0x28: {  	s2 =	sld [smem:$0x3FAC]  }
0x29: {  	s4 =	sld [smem:$0x3FAE]  }
0x2a: {  	p0 =	seq.s32 s5, $0x0;
	s5 =	sld [smem:$0x3FAF]  }
0x2b: {  	s6 =	sld [smem:$0x3FB0]  }
0x2c: {  	s7 =	sld [smem:$0x3FB1]  }
0x2d: {  	s3 =	simm.s32 $0x108;
	s8 =	sld [smem:$0x3FB2]  }
0x2e: {  	s3 =	simm.s32 @!p0 $0x1082;
	s9 =	sld [smem:$0x3FB3]  }
0x2f: {  	lr =	sadd.s32 s0, s3;
	s0 =	sld [smem:$0x3FAA]  }
0x30: {  	s3 =	sld [smem:$0x3FAD]  }
0x31: {  	[smem:$0x3FB6] =	sst s10  }
0x32: {  	s10 =	sld [smem:$0x3FB4];
	_ =	sdelay $0x3  }
0x33: {  	p0 =	seq.s32 s10, $0x1;
	s10 =	sld [smem:$0x3FB6];
	_ =	sdelay $0x3  }
0x34: {  	[smem:$0x3FB6] =	sst s10  }
0x35: {  	s10 =	sld [smem:$0x3FB5];
	_ =	sdelay $0x3  }
0x36: {  	p1 =	seq.s32 s10, $0x1;
	s10 =	sld [smem:$0x3FB6];
	_ =	sdelay $0x3  }
0x37: {  	[smem:$0x3FB6] =	sst s10  }
0x38: {  	s10 =	sld [smem:$0x3FB7]  }
0x39: {  	_ = 	snop;
	(pc) =	sbr.ind lr, $3  }
0x3a: {  	_ = 	snop  }
0x3b: {  	_ = 	snop  }
0x3c: {  	p2 =	seq.s32 s10, $0x1;
	s10 =	sld [smem:$0x3FB6]  }
0x3d: {  	_ =	shalt  }
0x3e: {  	_ =	shalt  }
0x3f: {  	_ =	shalt  }
0x40: {  	_ =	shalt  }
0x41: {  	_ =	shalt  }
0x42: {  	_ =	shalt  }
0x43: {  	_ =	shalt  }
0x44: {  	_ =	shalt  }
0x45: {  	_ =	shalt  }
0x46: {  	_ =	shalt  }
0x47: {  	_ =	shalt  }
0x48: {  	_ =	shalt  }
0x49: {  	_ =	shalt  }
0x4a: {  	_ =	shalt  }
0x4b: {  	_ =	shalt  }
0x4c: {  	_ =	shalt  }
0x4d: {  	_ =	shalt  }
0x4e: {  	_ =	shalt  }
0x4f: {  	_ =	shalt  }
0x50: {  	_ =	shalt  }
0x51: {  	_ =	shalt  }
0x52: {  	_ =	shalt  }
0x53: {  	_ =	shalt  }
0x54: {  	_ =	shalt  }
0x55: {  	_ =	shalt  }
0x56: {  	_ =	shalt  }
0x57: {  	_ =	shalt  }
0x58: {  	_ =	shalt  }
0x59: {  	_ =	shalt  }
0x5a: {  	_ =	shalt  }
0x5b: {  	_ =	shalt  }
0x5c: {  	_ =	shalt  }
0x5d: {  	_ =	shalt  }
0x5e: {  	_ =	shalt  }
0x5f: {  	_ =	shalt  }
0x60: {  	_ =	shalt  }
0x61: {  	_ =	shalt  }
0x62: {  	_ =	shalt  }
0x63: {  	_ =	shalt  }
0x64: {  	_ =	shalt  }
0x65: {  	_ =	shalt  }
0x66: {  	_ =	shalt  }
0x67: {  	_ =	shalt  }
0x68: {  	_ =	shalt  }
0x69: {  	_ =	shalt  }
0x6a: {  	_ =	shalt  }
0x6b: {  	_ =	shalt  }
0x6c: {  	_ =	shalt  }
0x6d: {  	_ =	shalt  }
0x6e: {  	_ =	shalt  }
0x6f: {  	_ =	shalt  }
0x70: {  	_ =	shalt  }
0x71: {  	_ =	shalt  }
0x72: {  	_ =	shalt  }
0x73: {  	_ =	shalt  }
0x74: {  	_ =	shalt  }
0x75: {  	_ =	shalt  }
0x76: {  	_ =	shalt  }
0x77: {  	_ =	shalt  }
0x78: {  	_ =	shalt  }
0x79: {  	_ =	shalt  }
0x7a: {  	_ =	shalt  }
0x7b: {  	_ =	shalt  }
0x7c: {  	_ =	shalt  }
0x7d: {  	_ =	shalt  }
0x7e: {  	_ =	shalt  }
0x7f: {  	_ =	shalt  }
0x80: {  	_ =	shalt  }
0x81: {  	_ =	shalt  }
0x82: {  	_ =	shalt  }
0x83: {  	_ =	shalt  }
0x84: {  	_ =	shalt  }
0x85: {  	_ =	shalt  }
0x86: {  	_ =	shalt  }
0x87: {  	_ =	shalt  }
.Lfunc_end0:
.L_simem_size_0:
called_computation.1_lowered:
.L_overlay_start_0:
0x88: {  	s2 =	sld [smem:$0x3FD9]  }
0x89: {  	s3 =	sld [smem:$0x3FFE];
	_ =	sdelay $0x1  }
0x8a: {  	s1 =	srdreg.scid  }
0x8b: {  	s0 =	sand.u32 $0x1, s1  }
0x8c: {  	s17 =	sshll.u32 s0, $0xA;
	s2 =	sadd.s32 s3, s2  }
0x8d: {  	s2 =	sadd.s32 s2, s17  }
0x8e: {  	[smem:$0x3FC2] =	sst s2  }
0x8f: {  	_ = 	snop  }
0x90: {  	s2 =	sld [smem:$0x3FD0];
	(tm) =	ssettm $0x1  }
0x91: {  	s18 =	sld [smem:$0x3FFB];
	_ =	sdelay $0x3  }
0x92: {  	_ =	strace s18  }
0x93: {  	s3 =	sld [smem:$0x3FFC];
	_ =	sdelay $0x3  }
0x94: {  	_ =	strace s3  }
0x95: {  	s3 =	sld [smem:$0x3FFD];
	_ =	sdelay $0x3  }
0x96: {  	_ =	strace s3  }
0x97: {  	_ =	strace $0x8FFFFFFF  }
0x98: {  	s19 =	sld [smem:$0x3FDB];
	_ =	sdelay $0x1  }
0x99: {  	s4 =	simm.s32 $_scs_section_size  }
0x9a: {  	s5 =	simm.s32 $_size__tile_overlayer_lowered;
	s6 =	simm.s32 $_tile_overlayer_lowered  }
0x9b: {  	s22 =	simm.s32 $0x1BFF;
	s21 =	sshll.u32 s6, $0x1;
	s3 =	sadd.s32 s4, s19  }
0x9c: {  	s7 =	simm.s32 $0x0;
	s20 =	sshll.u32 s5, $0x1;
	s5 =	sadd.s32 s21, s3  }
0x9d: {  	[timem:s7], [sflag:s22] =	dma.local [hbm:s5], s20  }
0x9e: {  	_ =	swait.ge [sflag:s22], s20  }
0x9f: {  	s4 =	ssub.s32 $0x0, s20;
	[sflag:s22] =	ssyncset.done $0x0  }
0xa0: {  	[sflag:s22] =	ssyncadd.s32 s4;
	_ =	sdelay $0x1  }
0xa1: {  	s23 =	simm.s32 $0x1B8B  }
0xa2: {  	_ =	swait.ge [sflag:s23], $0x1  }
0xa3: {  	[sflag:s23] =	ssyncset.done $0x0  }
0xa4: {  	s25 =	simm.s32 $0x1B8E;
	s24 =	sld [smem:$0x3FFE];
	[sflag:s23] =	ssyncadd.s32 $0xFFFFFFFF  }
0xa5: {  	s26 =	simm.s32 $execute0_lowered;
	[smem:$0x3FD2] =	sst s25  }
0xa6: {  	s5 =	sshll.u32 s26, $0x1;
	_ =	strace $0x80000049;
	[dreg:$0x1] =	wrdreg $0xFFFFFFFF  }
0xa7: {  	s28 =	simm.s32 $_size_execute0_lowered;
	s3 =	sadd.s32 s3, s5;
	[dreg:$0x0] =	wrdreg $0x0  }
0xa8: {  	s5 =	sshll.u32 s28, $0x1;
	[dreg:$0x2] =	wrdreg s3  }
0xa9: {  	[dreg:$0x3] =	wrdreg s5  }
0xaa: {  	[dreg:$0x4] =	wrdreg $0xC0  }
0xab: {  	_ =	task [dreg:s7], $0x5FFFF  }
0xac: {  	[dreg:$0x1] =	wrdreg $0xFFFFFFFF  }
0xad: {  	[dreg:$0x0] =	wrdreg $0x60  }
0xae: {  	[dreg:$0x2] =	wrdreg s24  }
0xaf: {  	[dreg:$0x3] =	wrdreg s2  }
0xb0: {  	[dreg:$0x4] =	wrdreg $0x10F000  }
0xb1: {  	[dreg:$0x5] =	wrdreg $0x9  }
0xb2: {  	_ =	task.clear_ibuf [dreg:s7], $0x6FFFF;
	_ =	strace $0x90000049  }
0xb3: {  	s29 =	simm.s32 $0x9;
	_ =	strace $0x8000004B  }
0xb4: {  	_ =	swait.ge [sflag:s29], $0x1  }
0xb5: {  	[sflag:s29] =	ssyncadd.s32 $0xFFFFFFFF  }
0xb6: {  	_ =	strace $0x9000004B  }
0xb7: {  	_ =	sfence  }
0xb8: {  	s30 =	sld [smem:$0x0];
	_ =	sdelay $0x2  }
0xb9: {  	s31 =	sshll.u32 s1, $0xD;
	s1 =	sshrl.u32 s1, $0x2  }
0xba: {  	s3 =	sand.u32 $0x4000, s31;
	s1 =	sadd.s32 s1, s30  }
0xbb: {  	s0 =	sor.u32 s3, s0;
	s1 =	sshll.u32 s1, $0x11  }
0xbc: {  	s0 =	sor.u32 s1, s0  }
0xbd: {  	s0 =	sadd.s32 $0x8F2B, s0  }
0xbe: {  	[sflag:s0] =	ssyncadd.remote.s32 $0x1  }
0xbf: {  	_ =	sfence.sel $0xFFFF  }
0xc0: {  	[dreg:$0x0] =	wrdreg $0xFFFFFFFF;
	(pc) =	sbr.abs _section_cstart, $3  }
0xc1: {  	[dreg:$0x1] =	wrdreg $0xFFFFFFFF  }
0xc2: {  	_ =	task.clear_ibuf [dreg:s7], $0x2FFFF;
	_ =	strace $0x9FFFFFFF  }
0xc3: {  	(tm) =	ssettm $0x7FFFFFFF  }
tec
execute0_lowered:
.L_overlay_start_1:
0x0: {  	(tag) =	ssettag $0x1  }
0x1: {  	s0 =	rddreg [dreg:$0x0]  }
0x2: {  	s3 =	rddreg [dreg:$0x2];
	s1 =	srdreg.scid  }
0x3: {  	s10 =	stileid.u32;
	s4 =	simm.s32 $0x0;
	s12 =	simm.s32 $0xD  }
0x4: {  	s16 =	simm.s32 $0x80;
	s17 =	simm.s32 $0x4F00;
	s18 =	simm.s32 $0x6F00  }
0x5: {  	s20 =	simm.s32 $0x8F00;
	s28 =	simm.s32 $0x1;
	s29 =	simm.s32 $0x2  }
0x6: {  	s30 =	simm.s32 $0x3;
	s31 =	simm.s32 $0x4;
	s13 =	simm.s32 $0x8  }
0x7: {  	s19 =	simm.s32 $0x9;
	s1 =	sand.u32 $0x1, s1;
	s2 =	smul.u32 $0x13880, s10  }
0x8: {  	[smem:$0x7FF] =	sst s4;
	s8 =	sadd.s32 $0x2600, s0;
	s9 =	smul.u32 $0x27100, s10  }
0x9: {  	s22 =	sshll.u32 s10, $0x4;
	s26 =	sshll.u32 s10, $0x6;
	s5 =	sshll.u32 s1, $0x6  }
0xa: {  	s6 =	sshll.u32 s1, $0x4;
	_ =	strace $0x8000004A;
	s1 =	ssub.s32 $0x2, s1  }
0xb: {  	s14 =	sor.u32 $0x1C0D, s26;
	s26 =	simm.s32 $0xEF00;
	s2 =	sor.u32 s5, s2  }
0xc: {  	s7 =	sor.u32 s10, s6;
	s5 =	sadd.s32 $0x16000, s0;
	s21 =	sshrl.u32 s1, $0x1  }
0xd: {  	s9 =	sshrl.u32 s9, $0x2;
	s2 =	sshrl.u32 s2, $0x3;
	s6 =	smul.u32 $0x2700, s7  }
0xe: {  	s1 =	ssub.s32 s1, s21;
	s23 =	sadd.s32 s9, s3;
	p0 =	sgt.u32 s7, $0x3  }
0xf: {  	s21 =	simm.s32 $0xA;
	s7 =	simm.s32 $0x0;
	s0 =	sadd.s32 s2, s0  }
0x10: {  	s2 =	sadd.s32 s22, s8;
	s25 =	smax.u32 s1, $0x1;
	s15 =	sshrl.u32 s23, $0x3  }
0x11: {  	s22 =	simm.s32 $0xAF00;
	s1 =	simm.s32 $0x6;
	s23 =	simm.s32 $0xB  }
0x12: {  	s6 =	sshrl.u32 s6, $0x3;
	s24 =	sadd.s32 $0x9C00, s2;
	[dreg:$0x8] =	wrdreg s25  }
0x13: {  	s2 =	sadd.s32 $0x13840, s2;
	s0 =	sadd.s32 $0x29A00, s0;
	[dreg:$0x5] =	wrdreg s24  }
0x14: {  	s25 =	simm.s32 $0xC;
	s6 =	sadd.s32 s8, s6;
	[dreg:$0x6] =	wrdreg s2  }
0x15: {  	[dreg:$0x7] =	wrdreg s0;
	s24 =	simm.s32 $0xCF00;
	s11 =	sadd.s32 $0x9C40, s6  }
0x16: {  	s0 =	simm.s32 $0x5;
	s2 =	simm.s32 $0x7;
	[dreg:$0x4] =	wrdreg s11  }
.LBB2_1:
0x17: {  	[tilespmem:s4], [sflag:$0xD] =	stream.linear.gather [hbm4b:s6+s4], $0x2700, $0x38;
	[tilespmem:$0x1AB40] =	vst v63  }
0x18: {  	_ =	swait.ge [sflag:s12], $0x2700  }
0x19: {  	[sflag:s12] =	ssyncset.done $0x0  }
0x1a: {  	s9 =	simm.s32 $0x2780;
	s8 =	rddreg [dreg:$0x4];
	[sflag:s12] =	ssyncadd.s32 $0xFFFFD900  }
0x1b: {  	[tilespmem:s9], [sflag:$0xD] =	stream.linear.gather [hbm4b:s8+s4], $0x2700, $0x38;
	[tilespmem:$0x1AB40] =	vst v63  }
0x1c: {  	_ =	swait.ge [sflag:s12], $0x2700  }
0x1d: {  	[sflag:s12] =	ssyncset.done $0x0  }
0x1e: {  	[sflag:s12] =	ssyncadd.s32 $0xFFFFD900  }
0x1f: {  	s11 =	rddreg [dreg:$0x1]  }
0x20: {  	[spmem:s15], [sflag:s14] =	dma.local [hbm:s11], $0x1388  }
0x21: {  	_ =	swait.ge [sflag:s12], $0x1388  }
0x22: {  	s8 =	simm.s32 @!p0 $0x0;
	[sflag:s12] =	ssyncset.done $0x0  }
0x23: {  	s9 =	simm.s32 @!p0 $0x2700;
	s10 =	rddreg [dreg:$0x5];
	[sflag:s12] =	ssyncadd.s32 $0xFFFFEC78  }
0x24: {  	[tilespmem:s9], [sflag:$0xD] =	stream.linear.gather @!p0 [hbm4b:s10+s8], $0x80, $0x38;
	[tilespmem:$0x1AB40] =	vst v63  }
0x25: {  	s9 =	simm.s32 @!p0 $0xD  }
0x26: {  	_ =	swait.ge @!p0 [sflag:s9], $0x80  }
0x27: {  	[sflag:s9] =	ssyncset.done @!p0 $0x0  }
0x28: {  	s10 =	simm.s32 @!p0 $0x4E80;
	s11 =	rddreg [dreg:$0x6];
	[sflag:s9] =	ssyncadd.s32 @!p0 $0xFFFFFF80  }
0x29: {  	[tilespmem:s10], [sflag:$0xD] =	stream.linear.gather @!p0 [hbm4b:s11+s8], $0x80, $0x38;
	[tilespmem:$0x1AB40] =	vst v63  }
0x2a: {  	_ =	swait.ge @!p0 [sflag:s9], $0x80  }
0x2b: {  	[sflag:s9] =	ssyncset.done @!p0 $0x0  }
0x2c: {  	[sflag:s9] =	ssyncadd.s32 @!p0 $0xFFFFFF80  }
0x2d: {  	[bflag:$0x0] =	sbarrier.arrive $0xFFFF  }
0x2e: {  	[tilespmem:s17], [sflag:$0x1] =	stream.indirect.gather [hbm4b:s5+s16], $0x40, s4, s16, $0xb8;
	[tilespmem:$0x1AB40] =	vst v63  }
0x2f: {  	_ = 	snop  }
0x30: {  	[tilespmem:s18], [sflag:$0x2] =	stream.indirect.gather [hbm4b:s5+s16], $0x40, s16, s16, $0xb8;
	[tilespmem:$0x1AB40] =	vst v63  }
0x31: {  	s9 =	simm.s32 $0x100  }
0x32: {  	[tilespmem:s20], [sflag:$0x3] =	stream.indirect.gather [hbm4b:s5+s16], $0x40, s9, s16, $0xb8;
	[tilespmem:$0x1AB40] =	vst v63  }
0x33: {  	s10 =	simm.s32 $0x180  }
0x34: {  	[tilespmem:s22], [sflag:$0x4] =	stream.indirect.gather [hbm4b:s5+s16], $0x40, s10, s16, $0xb8;
	[tilespmem:$0x1AB40] =	vst v63  }
0x35: {  	s11 =	simm.s32 $0x200  }
0x36: {  	[tilespmem:s24], [sflag:$0x5] =	stream.indirect.gather [hbm4b:s5+s16], $0x40, s11, s16, $0xb8;
	[tilespmem:$0x1AB40] =	vst v63  }
0x37: {  	s9 =	simm.s32 $0x280  }
0x38: {  	[tilespmem:s26], [sflag:$0x6] =	stream.indirect.gather [hbm4b:s5+s16], $0x40, s9, s16, $0xb8;
	[tilespmem:$0x1AB40] =	vst v63  }
0x39: {  	_ =	swait.ge [sflag:s28], $0x2000  }
0x3a: {  	[sflag:s28] =	ssyncset.done $0x0  }
0x3b: {  	s10 =	simm.s32 $0x2780;
	[sflag:s28] =	ssyncadd.s32 $0xFFFFE000  }
0x3c: {  	[spmem:s3] =	stream.indirect.scatter.add.f32 [tilespmem:s17], [sflag:$0x7], $0x40, s10, s16, $0xb8;
	[tilespmem:$0x1AB40] =	vst v63  }
0x3d: {  	_ =	swait.ge [sflag:s29], $0x2000  }
0x3e: {  	[sflag:s29] =	ssyncset.done $0x0  }
0x3f: {  	s11 =	simm.s32 $0x2800;
	[sflag:s29] =	ssyncadd.s32 $0xFFFFE000  }
0x40: {  	[spmem:s3] =	stream.indirect.scatter.add.f32 [tilespmem:s18], [sflag:$0x8], $0x40, s11, s16, $0xb8;
	[tilespmem:$0x1AB40] =	vst v63  }
0x41: {  	_ =	swait.ge [sflag:s30], $0x2000  }
0x42: {  	[sflag:s30] =	ssyncset.done $0x0  }
0x43: {  	s9 =	simm.s32 $0x2880;
	[sflag:s30] =	ssyncadd.s32 $0xFFFFE000  }
0x44: {  	[spmem:s3] =	stream.indirect.scatter.add.f32 [tilespmem:s20], [sflag:$0x9], $0x40, s9, s16, $0xb8;
	[tilespmem:$0x1AB40] =	vst v63  }
0x45: {  	_ =	swait.ge [sflag:s31], $0x2000  }
0x46: {  	[sflag:s31] =	ssyncset.done $0x0  }
0x47: {  	s10 =	simm.s32 $0x2900;
	[sflag:s31] =	ssyncadd.s32 $0xFFFFE000  }
0x48: {  	[spmem:s3] =	stream.indirect.scatter.add.f32 [tilespmem:s22], [sflag:$0xA], $0x40, s10, s16, $0xb8;
	[tilespmem:$0x1AB40] =	vst v63  }
0x49: {  	_ =	swait.ge [sflag:s0], $0x2000  }
0x4a: {  	[sflag:s0] =	ssyncset.done $0x0  }
0x4b: {  	s11 =	simm.s32 $0x2980;
	[sflag:s0] =	ssyncadd.s32 $0xFFFFE000  }
0x4c: {  	[spmem:s3] =	stream.indirect.scatter.add.f32 [tilespmem:s24], [sflag:$0xB], $0x40, s11, s16, $0xb8;
	[tilespmem:$0x1AB40] =	vst v63  }
0x4d: {  	_ =	swait.ge [sflag:s1], $0x2000  }
0x4e: {  	[sflag:s1] =	ssyncset.done $0x0  }
0x4f: {  	s9 =	simm.s32 $0x2A00;
	[sflag:s1] =	ssyncadd.s32 $0xFFFFE000  }
0x50: {  	[spmem:s3] =	stream.indirect.scatter.add.f32 [tilespmem:s26], [sflag:$0xC], $0x40, s9, s16, $0xb8;
	[tilespmem:$0x1AB40] =	vst v63  }
0x51: {  	_ =	swait.ge [sflag:s2], $0x2000  }
0x52: {  	[sflag:s2] =	ssyncset.done $0x0  }
0x53: {  	s10 =	simm.s32 $0x300;
	[sflag:s2] =	ssyncadd.s32 $0xFFFFE000  }
0x54: {  	[tilespmem:s17], [sflag:$0x1] =	stream.indirect.gather [hbm4b:s5+s16], $0x40, s10, s16, $0xb8;
	[tilespmem:$0x1AB40] =	vst v63  }
0x55: {  	_ =	swait.ge [sflag:s13], $0x2000  }
0x56: {  	[sflag:s13] =	ssyncset.done $0x0  }
0x57: {  	s11 =	simm.s32 $0x380;
	[sflag:s13] =	ssyncadd.s32 $0xFFFFE000  }
0x58: {  	[tilespmem:s18], [sflag:$0x2] =	stream.indirect.gather [hbm4b:s5+s16], $0x40, s11, s16, $0xb8;
	[tilespmem:$0x1AB40] =	vst v63  }
0x59: {  	_ =	swait.ge [sflag:s19], $0x2000  }
0x5a: {  	[sflag:s19] =	ssyncset.done $0x0  }
0x5b: {  	s9 =	simm.s32 $0x400;
	[sflag:s19] =	ssyncadd.s32 $0xFFFFE000  }
0x5c: {  	[tilespmem:s20], [sflag:$0x3] =	stream.indirect.gather [hbm4b:s5+s16], $0x40, s9, s16, $0xb8;
	[tilespmem:$0x1AB40] =	vst v63  }
0x5d: {  	_ =	swait.ge [sflag:s21], $0x2000  }
0x5e: {  	[sflag:s21] =	ssyncset.done $0x0  }
0x5f: {  	s10 =	simm.s32 $0x480;
	[sflag:s21] =	ssyncadd.s32 $0xFFFFE000  }
0x60: {  	[tilespmem:s22], [sflag:$0x4] =	stream.indirect.gather [hbm4b:s5+s16], $0x40, s10, s16, $0xb8;
	[tilespmem:$0x1AB40] =	vst v63  }
0x61: {  	_ =	swait.ge [sflag:s23], $0x2000  }
0x62: {  	[sflag:s23] =	ssyncset.done $0x0  }
0x63: {  	s11 =	simm.s32 $0x500;
	[sflag:s23] =	ssyncadd.s32 $0xFFFFE000  }
0x64: {  	[tilespmem:s24], [sflag:$0x5] =	stream.indirect.gather [hbm4b:s5+s16], $0x40, s11, s16, $0xb8;
	[tilespmem:$0x1AB40] =	vst v63  }
0x65: {  	_ =	swait.ge [sflag:s25], $0x2000  }
0x66: {  	[sflag:s25] =	ssyncset.done $0x0  }
0x67: {  	s8 =	simm.s32 $0xC00;
	s9 =	simm.s32 $0x580;
	[sflag:s25] =	ssyncadd.s32 $0xFFFFE000  }
.LBB2_2:
0x68: {  	[tilespmem:s26], [sflag:$0x6] =	stream.indirect.gather [hbm4b:s5+s16], $0x40, s9, s16, $0xb8;
	[tilespmem:$0x1AB40] =	vst v63  }
0x69: {  	s9 =	smov.u32 s8  }
0x6a: {  	p1 =	sne.s32 s8, $0x8400;
	s8 =	sadd.s32 $0xC00, s8;
	_ =	swait.ge [sflag:s28], $0x2000  }
0x6b: {  	s9 =	sshra.s32 s9, $0x2;
	[sflag:s28] =	ssyncset.done $0x0  }
0x6c: {  	s10 =	sadd.s32 $0x2780, s9;
	[sflag:s28] =	ssyncadd.s32 $0xFFFFE000  }
0x6d: {  	[spmem:s3] =	stream.indirect.scatter.add.f32 [tilespmem:s17], [sflag:$0x7], $0x40, s10, s16, $0xb8;
	[tilespmem:$0x1AB40] =	vst v63  }
0x6e: {  	_ =	swait.ge [sflag:s29], $0x2000  }
0x6f: {  	[sflag:s29] =	ssyncset.done $0x0  }
0x70: {  	s10 =	sadd.s32 $0x2800, s9;
	[sflag:s29] =	ssyncadd.s32 $0xFFFFE000  }
0x71: {  	[spmem:s3] =	stream.indirect.scatter.add.f32 [tilespmem:s18], [sflag:$0x8], $0x40, s10, s16, $0xb8;
	[tilespmem:$0x1AB40] =	vst v63  }
0x72: {  	_ =	swait.ge [sflag:s30], $0x2000  }
0x73: {  	[sflag:s30] =	ssyncset.done $0x0  }
0x74: {  	s10 =	sadd.s32 $0x2880, s9;
	[sflag:s30] =	ssyncadd.s32 $0xFFFFE000  }
0x75: {  	[spmem:s3] =	stream.indirect.scatter.add.f32 [tilespmem:s20], [sflag:$0x9], $0x40, s10, s16, $0xb8;
	[tilespmem:$0x1AB40] =	vst v63  }
0x76: {  	_ =	swait.ge [sflag:s31], $0x2000  }
0x77: {  	[sflag:s31] =	ssyncset.done $0x0  }
0x78: {  	s10 =	sadd.s32 $0x2900, s9;
	[sflag:s31] =	ssyncadd.s32 $0xFFFFE000  }
0x79: {  	[spmem:s3] =	stream.indirect.scatter.add.f32 [tilespmem:s22], [sflag:$0xA], $0x40, s10, s16, $0xb8;
	[tilespmem:$0x1AB40] =	vst v63  }
0x7a: {  	_ =	swait.ge [sflag:s0], $0x2000  }
0x7b: {  	[sflag:s0] =	ssyncset.done $0x0  }
0x7c: {  	s10 =	sadd.s32 $0x2980, s9;
	[sflag:s0] =	ssyncadd.s32 $0xFFFFE000  }
0x7d: {  	[spmem:s3] =	stream.indirect.scatter.add.f32 [tilespmem:s24], [sflag:$0xB], $0x40, s10, s16, $0xb8;
	[tilespmem:$0x1AB40] =	vst v63  }
0x7e: {  	_ =	swait.ge [sflag:s1], $0x2000  }
0x7f: {  	[sflag:s1] =	ssyncset.done $0x0  }
0x80: {  	s10 =	sadd.s32 $0x2A00, s9;
	[sflag:s1] =	ssyncadd.s32 $0xFFFFE000  }
0x81: {  	[spmem:s3] =	stream.indirect.scatter.add.f32 [tilespmem:s26], [sflag:$0xC], $0x40, s10, s16, $0xb8;
	[tilespmem:$0x1AB40] =	vst v63  }
0x82: {  	_ =	swait.ge [sflag:s2], $0x2000  }
0x83: {  	[sflag:s2] =	ssyncset.done $0x0  }
0x84: {  	s10 =	sadd.s32 $0x300, s9;
	[sflag:s2] =	ssyncadd.s32 $0xFFFFE000  }
0x85: {  	[tilespmem:s17], [sflag:$0x1] =	stream.indirect.gather [hbm4b:s5+s16], $0x40, s10, s16, $0xb8;
	[tilespmem:$0x1AB40] =	vst v63  }
0x86: {  	_ =	swait.ge [sflag:s13], $0x2000  }
0x87: {  	[sflag:s13] =	ssyncset.done $0x0  }
0x88: {  	s10 =	sadd.s32 $0x380, s9;
	[sflag:s13] =	ssyncadd.s32 $0xFFFFE000  }
0x89: {  	[tilespmem:s18], [sflag:$0x2] =	stream.indirect.gather [hbm4b:s5+s16], $0x40, s10, s16, $0xb8;
	[tilespmem:$0x1AB40] =	vst v63  }
0x8a: {  	_ =	swait.ge [sflag:s19], $0x2000  }
0x8b: {  	[sflag:s19] =	ssyncset.done $0x0  }
0x8c: {  	s10 =	sadd.s32 $0x400, s9;
	[sflag:s19] =	ssyncadd.s32 $0xFFFFE000  }
0x8d: {  	[tilespmem:s20], [sflag:$0x3] =	stream.indirect.gather [hbm4b:s5+s16], $0x40, s10, s16, $0xb8;
	[tilespmem:$0x1AB40] =	vst v63  }
0x8e: {  	_ =	swait.ge [sflag:s21], $0x2000  }
0x8f: {  	[sflag:s21] =	ssyncset.done $0x0  }
0x90: {  	s10 =	sadd.s32 $0x480, s9;
	[sflag:s21] =	ssyncadd.s32 $0xFFFFE000  }
0x91: {  	[tilespmem:s22], [sflag:$0x4] =	stream.indirect.gather [hbm4b:s5+s16], $0x40, s10, s16, $0xb8;
	[tilespmem:$0x1AB40] =	vst v63  }
0x92: {  	_ =	swait.ge [sflag:s23], $0x2000  }
0x93: {  	[sflag:s23] =	ssyncset.done $0x0  }
.Ltmp0:
0x94: {  	s10 =	sadd.s32 $0x500, s9;
	[sflag:s23] =	ssyncadd.s32 $0xFFFFE000;
	(pc) =	sbr.rel @p1 .LBB2_2-.Ltmp0, $4  }
0x95: {  	[tilespmem:s24], [sflag:$0x5] =	stream.indirect.gather [hbm4b:s5+s16], $0x40, s10, s16, $0xb8;
	[tilespmem:$0x1AB40] =	vst v63  }
0x96: {  	_ =	swait.ge [sflag:s25], $0x2000  }
0x97: {  	[sflag:s25] =	ssyncset.done $0x0  }
0x98: {  	s9 =	sadd.s32 $0x580, s9;
	[sflag:s25] =	ssyncadd.s32 $0xFFFFE000  }
0x99: {  	[tilespmem:s26], [sflag:$0x6] =	stream.indirect.gather [hbm4b:s5+s16], $0x40, s9, s16, $0xb8;
	[tilespmem:$0x1AB40] =	vst v63  }
0x9a: {  	_ =	swait.ge [sflag:s28], $0x2000  }
0x9b: {  	[sflag:s28] =	ssyncset.done $0x0  }
0x9c: {  	s8 =	simm.s32 $0x4B80;
	[sflag:s28] =	ssyncadd.s32 $0xFFFFE000  }
0x9d: {  	[spmem:s3] =	stream.indirect.scatter.add.f32 [tilespmem:s17], [sflag:$0x7], $0x40, s8, s16, $0xb8;
	[tilespmem:$0x1AB40] =	vst v63  }
0x9e: {  	_ =	swait.ge [sflag:s29], $0x2000  }
0x9f: {  	[sflag:s29] =	ssyncset.done $0x0  }
0xa0: {  	s10 =	simm.s32 $0x4C00;
	[sflag:s29] =	ssyncadd.s32 $0xFFFFE000  }
0xa1: {  	[spmem:s3] =	stream.indirect.scatter.add.f32 [tilespmem:s18], [sflag:$0x8], $0x40, s10, s16, $0xb8;
	[tilespmem:$0x1AB40] =	vst v63  }
0xa2: {  	_ =	swait.ge [sflag:s30], $0x2000  }
0xa3: {  	[sflag:s30] =	ssyncset.done $0x0  }
0xa4: {  	s11 =	simm.s32 $0x4C80;
	[sflag:s30] =	ssyncadd.s32 $0xFFFFE000  }
0xa5: {  	[spmem:s3] =	stream.indirect.scatter.add.f32 [tilespmem:s20], [sflag:$0x9], $0x40, s11, s16, $0xb8;
	[tilespmem:$0x1AB40] =	vst v63  }
0xa6: {  	_ =	swait.ge [sflag:s31], $0x2000  }
0xa7: {  	[sflag:s31] =	ssyncset.done $0x0  }
0xa8: {  	s9 =	simm.s32 $0x4D00;
	[sflag:s31] =	ssyncadd.s32 $0xFFFFE000  }
0xa9: {  	[spmem:s3] =	stream.indirect.scatter.add.f32 [tilespmem:s22], [sflag:$0xA], $0x40, s9, s16, $0xb8;
	[tilespmem:$0x1AB40] =	vst v63  }
0xaa: {  	_ =	swait.ge [sflag:s0], $0x2000  }
0xab: {  	[sflag:s0] =	ssyncset.done $0x0  }
0xac: {  	s10 =	simm.s32 $0x4D80;
	[sflag:s0] =	ssyncadd.s32 $0xFFFFE000  }
0xad: {  	[spmem:s3] =	stream.indirect.scatter.add.f32 [tilespmem:s24], [sflag:$0xB], $0x40, s10, s16, $0xb8;
	[tilespmem:$0x1AB40] =	vst v63  }
0xae: {  	_ =	swait.ge [sflag:s1], $0x2000  }
0xaf: {  	[sflag:s1] =	ssyncset.done $0x0  }
0xb0: {  	s11 =	simm.s32 $0x4E00;
	[sflag:s1] =	ssyncadd.s32 $0xFFFFE000  }
0xb1: {  	[spmem:s3] =	stream.indirect.scatter.add.f32 [tilespmem:s26], [sflag:$0xC], $0x40, s11, s16, $0xb8;
	[tilespmem:$0x1AB40] =	vst v63  }
0xb2: {  	_ =	swait.ge [sflag:s2], $0x2000  }
0xb3: {  	[sflag:s2] =	ssyncset.done $0x0  }
0xb4: {  	[sflag:s2] =	ssyncadd.s32 $0xFFFFE000  }
0xb5: {  	_ =	swait.ge [sflag:s13], $0x2000  }
0xb6: {  	[sflag:s13] =	ssyncset.done $0x0  }
0xb7: {  	[sflag:s13] =	ssyncadd.s32 $0xFFFFE000  }
0xb8: {  	_ =	swait.ge [sflag:s19], $0x2000  }
0xb9: {  	[sflag:s19] =	ssyncset.done $0x0  }
0xba: {  	[sflag:s19] =	ssyncadd.s32 $0xFFFFE000  }
0xbb: {  	_ =	swait.ge [sflag:s21], $0x2000  }
0xbc: {  	[sflag:s21] =	ssyncset.done $0x0  }
0xbd: {  	[sflag:s21] =	ssyncadd.s32 $0xFFFFE000  }
0xbe: {  	_ =	swait.ge [sflag:s23], $0x2000  }
0xbf: {  	[sflag:s23] =	ssyncset.done $0x0  }
0xc0: {  	[sflag:s23] =	ssyncadd.s32 $0xFFFFE000  }
0xc1: {  	_ =	swait.ge [sflag:s25], $0x2000  }
0xc2: {  	s8 =	simm.s32 @!p0 $0x80;
	[sflag:s25] =	ssyncset.done $0x0  }
0xc3: {  	s9 =	simm.s32 @!p0 $0x2700;
	s10 =	simm.s32 @!p0 $0x4F00;
	[sflag:s25] =	ssyncadd.s32 $0xFFFFE000  }
0xc4: {  	[tilespmem:s10], [sflag:$0x1] =	stream.indirect.gather @!p0 [hbm4b:s5+s8], $0x40, s9, s8, $0xb8;
	[tilespmem:$0x1AB40] =	vst v63  }
0xc5: {  	s9 =	simm.s32 @!p0 $0x1  }
0xc6: {  	_ =	swait.ge @!p0 [sflag:s9], $0x2000  }
0xc7: {  	[sflag:s9] =	ssyncset.done @!p0 $0x0  }
0xc8: {  	[sflag:s9] =	ssyncadd.s32 @!p0 $0xFFFFE000;
	s9 =	simm.s32 @!p0 $0x4E80  }
0xc9: {  	[spmem:s3] =	stream.indirect.scatter.add.f32 @!p0 [tilespmem:s10], [sflag:$0x7], $0x40, s9, s8, $0xb8;
	[tilespmem:$0x1AB40] =	vst v63  }
0xca: {  	s8 =	simm.s32 @!p0 $0x7  }
0xcb: {  	_ =	swait.ge @!p0 [sflag:s8], $0x2000  }
0xcc: {  	[sflag:s8] =	ssyncset.done @!p0 $0x0  }
0xcd: {  	[sflag:s8] =	ssyncadd.s32 @!p0 $0xFFFFE000  }
0xce: {  	[bflag:$0x0] =	sbarrier.arrive $0xFFFF  }
0xcf: {  	s10 =	simm.s32 $0x10;
	s9 =	rddreg [dreg:$0x7]  }
0xd0: {  	[hbm:s9@s10], [sflag:s14] =	dma.strided [spmem:s15@s13], $0x1388, s28, $0x8   }
0xd1: {  	_ =	swait.ge [sflag:s12], $0x1388  }
0xd2: {  	s7 =	sadd.s32 $0x1, s7;
	s11 =	rddreg [dreg:$0x8]  }
0xd3: {  	p1 =	sne.s32 s7, s11  }
.Ltmp1:
0xd4: {  	_ = 	snop;
	(pc) =	sbr.rel @p1 .LBB2_1-.Ltmp1, $3  }
0xd5: {  	_ =	sdelay $0x1  }
0xd6: {  	[sflag:s12] =	ssyncset.done $0x0  }
0xd7: {  	[sflag:s12] =	ssyncadd.s32 $0xFFFFEC78  }
0xd8: {  	_ =	sfence.sel $0x180000  }
0xd9: {  	[bflag:$0x0] =	sbarrier.arrive $0xFFFF  }
0xda: {  	_ =	strace $0x9000004A  }
0xdb: {  	s0 =	stileid.u32;
	[bflag:$0x2] =	sbarrier.arrive $0xFFFF  }
0xdc: {  	p0 =	sne.s32 s0, $0x0;
	s0 =	rddreg [dreg:$0x3]  }
0xdd: {  	s0 =	sadd.s32 @!p0 $0x100000, s0  }
0xde: {  	[sflag:s0] =	ssyncadd.tile.s32 @!p0 $0x1;
	_ =	shalt  }
.Lfunc_end2:
_tile_overlayer_lowered:
.L_overlay_start_2:
0xdf: {  	(tag) =	ssettag $0x2  }
0xe0: {  	s0 =	rddreg [dreg:$0x0];
	s2 =	stileid.u32  }
0xe1: {  	s1 =	rddreg [dreg:$0x1];
	p0 =	sne.s32 s2, $0x0  }
0xe2: {  	s3 =	rddreg [dreg:$0x2];
	[bflag:$0x3] =	sbarrier.arrive $0xFFFF;
	s2 =	simm.s32 @!p0 $0x1C0D  }
0xe3: {  	[timem:s3], [sflag:s2] =	dma.local @!p0 [hbm:s0], s1  }
0xe4: {  	s0 =	simm.s32 @!p0 $0xD  }
0xe5: {  	_ =	swait.ge @!p0 [sflag:s0], s1  }
0xe6: {  	s1 =	ssub.s32 @!p0 $0x0, s1;
	[sflag:s0] =	ssyncset.done @!p0 $0x0  }
0xe7: {  	[sflag:s0] =	ssyncadd.s32 @!p0 s1  }
0xe8: {  	[bflag:$0x3] =	sbarrier.arrive $0xFFFF  }
0xe9: {  	_ =	shalt  }

// kernel: kernel.14.cloned.1.call-start
scs
__scs_entry_jumppad:
0x0: {  	(pc) =	sbr.rel $0x88, $3  }
0x1: {  	(tag) =	ssettag $0x0;
	lr =	simm.s32 $0x1  }
0x2: {  	[smem:$0x3F9B] =	sst lr;
	_ =	strace $0xD0000000  }
0x3: {  	_ = 	snop  }
0x4: {  	_ = 	snop  }
0x5: {  	_ = 	snop  }
0x6: {  	_ = 	snop  }
0x7: {  	_ = 	snop  }
__scs_overlays_trampoline_lowered:
0x8: {  	[smem:$0x3FAA] =	sst s0  }
0x9: {  	[smem:$0x3FAB] =	sst s1  }
0xa: {  	[smem:$0x3FAC] =	sst s2  }
0xb: {  	[smem:$0x3FAD] =	sst s3  }
0xc: {  	[smem:$0x3FAE] =	sst s4  }
0xd: {  	[smem:$0x3FAF] =	sst s5  }
0xe: {  	[smem:$0x3FB0] =	sst s6  }
0xf: {  	[smem:$0x3FB1] =	sst s7  }
0x10: {  	[smem:$0x3FB2] =	sst s8  }
0x11: {  	[smem:$0x3FB3] =	sst s9;
	s0 =	simm.s32 @!p0 $0x0  }
0x12: {  	s1 =	sld [smem:$0x3F99];
	s0 =	simm.s32 @p0 $0x1  }
0x13: {  	[smem:$0x3FB4] =	sst s0;
	s0 =	simm.s32 @!p1 $0x0  }
0x14: {  	s2 =	sld [smem:$0x3F98];
	s0 =	simm.s32 @p1 $0x1  }
0x15: {  	[smem:$0x3FB5] =	sst s0;
	s0 =	simm.s32 @!p2 $0x0  }
0x16: {  	s3 =	sld [smem:$0x3FDB];
	s0 =	simm.s32 @p2 $0x1  }
0x17: {  	s4 =	simm.s32 $0x1BF5;
	[smem:$0x3FB7] =	sst s0  }
0x18: {  	s0 =	sld [smem:$0x3F9A];
	_ =	swait.ge [sflag:s4], $0x0  }
0x19: {  	s7 =	sld [smem:$0x3F9B]  }
0x1a: {  	s8 =	sadd.s32 $0xFFFFE003, lr  }
0x1b: {  	s9 =	sadd.s32 $0xFFFFFEF7, lr;
	s5 =	simm.s32 $0xFFFFFFFF;
	p2 =	slt.u32 s8, $0xFFFFF086  }
0x1c: {  	p1 =	slt.u32 s9, $0xF7A;
	s5 =	simm.s32 @!p2 $0x0  }
0x1d: {  	s5 =	simm.s32 @p1 $0x1;
	p0 =	seq.s32 s7, s2  }
0x1e: {  	s7 =	smul.u32 @!p0 $0xF7A, s2;
	p2 =	seq.s32 @!p0 s5, $0x0  }
0x1f: {  	s9 =	smul.u32 $0xF7A, s1;
	s8 =	simm.s32 @!p0 $0x1BF5;
	p2 =	por !p2, p0  }
0x20: {  	[sflag:s8] =	ssyncset.s32 @!p0 $0xFFFFF086;
	s6 =	sadd.s32 @!p0 s3, s7;
	s7 =	simm.s32 @!p0 $0x108  }
0x21: {  	s3 =	sadd.s32 s3, s9;
	s6 =	sadd.s32 @!p0 $0x88, s6;
	s7 =	simm.s32 @p2 $0x1082  }
0x22: {  	[simem:s7], [sflag:s8] =	dma.local @!p0 [hbm:s6], $0xF7A  }
0x23: {  	s9 =	sor.u32 $0xD0000000, s2;
	s6 =	simm.s32 $0x108;
	_ =	swait.ge @!p0 [sflag:s8], $0x0  }
0x24: {  	s3 =	sadd.s32 $0x88, s3;
	s6 =	simm.s32 @!p1 $0x1082;
	[sflag:s4] =	ssyncset.s32 $0xFFFFF086  }
0x25: {  	[simem:s6], [sflag:s4] =	dma.local [hbm:s3], $0xF7A  }
0x26: {  	[smem:$0x3F9B] =	sst s1;
	(tag) =	ssettag s2;
	_ =	strace s9  }
0x27: {  	s1 =	sld [smem:$0x3FAB]  }
0x28: {  	s2 =	sld [smem:$0x3FAC]  }
0x29: {  	s4 =	sld [smem:$0x3FAE]  }
0x2a: {  	p0 =	seq.s32 s5, $0x0;
	s5 =	sld [smem:$0x3FAF]  }
0x2b: {  	s6 =	sld [smem:$0x3FB0]  }
0x2c: {  	s7 =	sld [smem:$0x3FB1]  }
0x2d: {  	s3 =	simm.s32 $0x108;
	s8 =	sld [smem:$0x3FB2]  }
0x2e: {  	s3 =	simm.s32 @!p0 $0x1082;
	s9 =	sld [smem:$0x3FB3]  }
0x2f: {  	lr =	sadd.s32 s0, s3;
	s0 =	sld [smem:$0x3FAA]  }
0x30: {  	s3 =	sld [smem:$0x3FAD]  }
0x31: {  	[smem:$0x3FB6] =	sst s10  }
0x32: {  	s10 =	sld [smem:$0x3FB4];
	_ =	sdelay $0x3  }
0x33: {  	p0 =	seq.s32 s10, $0x1;
	s10 =	sld [smem:$0x3FB6];
	_ =	sdelay $0x3  }
0x34: {  	[smem:$0x3FB6] =	sst s10  }
0x35: {  	s10 =	sld [smem:$0x3FB5];
	_ =	sdelay $0x3  }
0x36: {  	p1 =	seq.s32 s10, $0x1;
	s10 =	sld [smem:$0x3FB6];
	_ =	sdelay $0x3  }
0x37: {  	[smem:$0x3FB6] =	sst s10  }
0x38: {  	s10 =	sld [smem:$0x3FB7]  }
0x39: {  	_ = 	snop;
	(pc) =	sbr.ind lr, $3  }
0x3a: {  	_ = 	snop  }
0x3b: {  	_ = 	snop  }
0x3c: {  	p2 =	seq.s32 s10, $0x1;
	s10 =	sld [smem:$0x3FB6]  }
0x3d: {  	_ =	shalt  }
0x3e: {  	_ =	shalt  }
0x3f: {  	_ =	shalt  }
0x40: {  	_ =	shalt  }
0x41: {  	_ =	shalt  }
0x42: {  	_ =	shalt  }
0x43: {  	_ =	shalt  }
0x44: {  	_ =	shalt  }
0x45: {  	_ =	shalt  }
0x46: {  	_ =	shalt  }
0x47: {  	_ =	shalt  }
0x48: {  	_ =	shalt  }
0x49: {  	_ =	shalt  }
0x4a: {  	_ =	shalt  }
0x4b: {  	_ =	shalt  }
0x4c: {  	_ =	shalt  }
0x4d: {  	_ =	shalt  }
0x4e: {  	_ =	shalt  }
0x4f: {  	_ =	shalt  }
0x50: {  	_ =	shalt  }
0x51: {  	_ =	shalt  }
0x52: {  	_ =	shalt  }
0x53: {  	_ =	shalt  }
0x54: {  	_ =	shalt  }
0x55: {  	_ =	shalt  }
0x56: {  	_ =	shalt  }
0x57: {  	_ =	shalt  }
0x58: {  	_ =	shalt  }
0x59: {  	_ =	shalt  }
0x5a: {  	_ =	shalt  }
0x5b: {  	_ =	shalt  }
0x5c: {  	_ =	shalt  }
0x5d: {  	_ =	shalt  }
0x5e: {  	_ =	shalt  }
0x5f: {  	_ =	shalt  }
0x60: {  	_ =	shalt  }
0x61: {  	_ =	shalt  }
0x62: {  	_ =	shalt  }
0x63: {  	_ =	shalt  }
0x64: {  	_ =	shalt  }
0x65: {  	_ =	shalt  }
0x66: {  	_ =	shalt  }
0x67: {  	_ =	shalt  }
0x68: {  	_ =	shalt  }
0x69: {  	_ =	shalt  }
0x6a: {  	_ =	shalt  }
0x6b: {  	_ =	shalt  }
0x6c: {  	_ =	shalt  }
0x6d: {  	_ =	shalt  }
0x6e: {  	_ =	shalt  }
0x6f: {  	_ =	shalt  }
0x70: {  	_ =	shalt  }
0x71: {  	_ =	shalt  }
0x72: {  	_ =	shalt  }
0x73: {  	_ =	shalt  }
0x74: {  	_ =	shalt  }
0x75: {  	_ =	shalt  }
0x76: {  	_ =	shalt  }
0x77: {  	_ =	shalt  }
0x78: {  	_ =	shalt  }
0x79: {  	_ =	shalt  }
0x7a: {  	_ =	shalt  }
0x7b: {  	_ =	shalt  }
0x7c: {  	_ =	shalt  }
0x7d: {  	_ =	shalt  }
0x7e: {  	_ =	shalt  }
0x7f: {  	_ =	shalt  }
0x80: {  	_ =	shalt  }
0x81: {  	_ =	shalt  }
0x82: {  	_ =	shalt  }
0x83: {  	_ =	shalt  }
0x84: {  	_ =	shalt  }
0x85: {  	_ =	shalt  }
0x86: {  	_ =	shalt  }
0x87: {  	_ =	shalt  }
.Lfunc_end0:
.L_simem_size_0:
called_computation.2_lowered:
.L_overlay_start_0:
0x88: {  	s2 =	sld [smem:$0x3FD9]  }
0x89: {  	s3 =	sld [smem:$0x3FFE];
	_ =	sdelay $0x1  }
0x8a: {  	s1 =	srdreg.scid  }
0x8b: {  	s0 =	sand.u32 $0x1, s1  }
0x8c: {  	s17 =	sshll.u32 s0, $0xA;
	s2 =	sadd.s32 s3, s2  }
0x8d: {  	s2 =	sadd.s32 s2, s17  }
0x8e: {  	[smem:$0x3FC2] =	sst s2  }
0x8f: {  	_ = 	snop  }
0x90: {  	s2 =	sld [smem:$0x3FD0];
	(tm) =	ssettm $0x1  }
0x91: {  	s18 =	sld [smem:$0x3FFB];
	_ =	sdelay $0x3  }
0x92: {  	_ =	strace s18  }
0x93: {  	s3 =	sld [smem:$0x3FFC];
	_ =	sdelay $0x3  }
0x94: {  	_ =	strace s3  }
0x95: {  	s3 =	sld [smem:$0x3FFD];
	_ =	sdelay $0x3  }
0x96: {  	_ =	strace s3  }
0x97: {  	_ =	strace $0x8FFFFFFF  }
0x98: {  	s19 =	sld [smem:$0x3FDB];
	_ =	sdelay $0x1  }
0x99: {  	s4 =	simm.s32 $_scs_section_size  }
0x9a: {  	s5 =	simm.s32 $_size__tile_overlayer_lowered;
	s6 =	simm.s32 $_tile_overlayer_lowered  }
0x9b: {  	s22 =	simm.s32 $0x1BFF;
	s21 =	sshll.u32 s6, $0x1;
	s3 =	sadd.s32 s4, s19  }
0x9c: {  	s7 =	simm.s32 $0x0;
	s20 =	sshll.u32 s5, $0x1;
	s5 =	sadd.s32 s21, s3  }
0x9d: {  	[timem:s7], [sflag:s22] =	dma.local [hbm:s5], s20  }
0x9e: {  	_ =	swait.ge [sflag:s22], s20  }
0x9f: {  	s4 =	ssub.s32 $0x0, s20;
	[sflag:s22] =	ssyncset.done $0x0  }
0xa0: {  	[sflag:s22] =	ssyncadd.s32 s4;
	_ =	sdelay $0x1  }
0xa1: {  	s23 =	simm.s32 $0x1B8B  }
0xa2: {  	_ =	swait.ge [sflag:s23], $0x1  }
0xa3: {  	[sflag:s23] =	ssyncset.done $0x0  }
0xa4: {  	s25 =	simm.s32 $0x1B8E;
	s24 =	sld [smem:$0x3FFE];
	[sflag:s23] =	ssyncadd.s32 $0xFFFFFFFF  }
0xa5: {  	s26 =	simm.s32 $execute0_lowered;
	[smem:$0x3FD2] =	sst s25  }
0xa6: {  	s5 =	sshll.u32 s26, $0x1;
	_ =	strace $0x8000004C;
	[dreg:$0x1] =	wrdreg $0xFFFFFFFF  }
0xa7: {  	s28 =	simm.s32 $_size_execute0_lowered;
	s3 =	sadd.s32 s3, s5;
	[dreg:$0x0] =	wrdreg $0x0  }
0xa8: {  	s5 =	sshll.u32 s28, $0x1;
	[dreg:$0x2] =	wrdreg s3  }
0xa9: {  	[dreg:$0x3] =	wrdreg s5  }
0xaa: {  	[dreg:$0x4] =	wrdreg $0xC0  }
0xab: {  	_ =	task [dreg:s7], $0x5FFFF  }
0xac: {  	[dreg:$0x1] =	wrdreg $0xFFFFFFFF  }
0xad: {  	[dreg:$0x0] =	wrdreg $0x60  }
0xae: {  	[dreg:$0x2] =	wrdreg s2  }
0xaf: {  	[dreg:$0x3] =	wrdreg s24  }
0xb0: {  	[dreg:$0x4] =	wrdreg $0xAF000  }
0xb1: {  	[dreg:$0x5] =	wrdreg $0x9  }
0xb2: {  	_ =	task.clear_ibuf [dreg:s7], $0x6FFFF;
	_ =	strace $0x9000004C  }
0xb3: {  	s29 =	simm.s32 $0x9;
	_ =	strace $0x8000004E  }
0xb4: {  	_ =	swait.ge [sflag:s29], $0x1  }
0xb5: {  	[sflag:s29] =	ssyncadd.s32 $0xFFFFFFFF  }
0xb6: {  	_ =	strace $0x9000004E  }
0xb7: {  	_ =	sfence  }
0xb8: {  	s30 =	sld [smem:$0x0];
	_ =	sdelay $0x2  }
0xb9: {  	s31 =	sshll.u32 s1, $0xD;
	s1 =	sshrl.u32 s1, $0x2  }
0xba: {  	s3 =	sand.u32 $0x4000, s31;
	s1 =	sadd.s32 s1, s30  }
0xbb: {  	s0 =	sor.u32 s3, s0;
	s1 =	sshll.u32 s1, $0x11  }
0xbc: {  	s0 =	sor.u32 s1, s0  }
0xbd: {  	s0 =	sadd.s32 $0x8F2B, s0  }
0xbe: {  	[sflag:s0] =	ssyncadd.remote.s32 $0x1  }
0xbf: {  	_ =	sfence.sel $0xFFFF  }
0xc0: {  	[dreg:$0x0] =	wrdreg $0xFFFFFFFF;
	(pc) =	sbr.abs _section_cstart, $3  }
0xc1: {  	[dreg:$0x1] =	wrdreg $0xFFFFFFFF  }
0xc2: {  	_ =	task.clear_ibuf [dreg:s7], $0x2FFFF;
	_ =	strace $0x9FFFFFFF  }
0xc3: {  	(tm) =	ssettm $0x7FFFFFFF  }
tec
execute0_lowered:
.L_overlay_start_1:
0x0: {  	(tag) =	ssettag $0x1  }
0x1: {  	s1 =	rddreg [dreg:$0x0]  }
0x2: {  	s0 =	rddreg [dreg:$0x1]  }
0x3: {  	s3 =	rddreg [dreg:$0x2];
	s2 =	srdreg.scid  }
0x4: {  	s4 =	simm.s32 $0x0;
	s10 =	stileid.u32;
	s12 =	simm.s32 $0xD  }
0x5: {  	s16 =	simm.s32 $0x80;
	s17 =	simm.s32 $0x4F00;
	s18 =	simm.s32 $0x5F00  }
0x6: {  	s28 =	simm.s32 $0x1;
	s29 =	simm.s32 $0x2;
	s30 =	simm.s32 $0x3  }
0x7: {  	s31 =	simm.s32 $0x4;
	s13 =	simm.s32 $0x7;
	s19 =	simm.s32 $0x8  }
0x8: {  	s2 =	sand.u32 $0x1, s2;
	[smem:$0x7FF] =	sst s4;
	s5 =	smul.u32 $0x13880, s10  }
0x9: {  	s9 =	sadd.s32 $0x2600, s0;
	s11 =	sadd.s32 $0x16000, s0;
	s23 =	sshll.u32 s10, $0x4  }
0xa: {  	s26 =	sshll.u32 s10, $0x6;
	s6 =	sshll.u32 s2, $0x4;
	_ =	strace $0x8000004D  }
0xb: {  	s7 =	sshll.u32 s2, $0x5;
	[dreg:$0x4] =	wrdreg s11;
	s2 =	ssub.s32 $0x2, s2  }
0xc: {  	s14 =	sor.u32 $0x1C0D, s26;
	s26 =	simm.s32 $0x9F00;
	s8 =	sor.u32 s10, s6  }
0xd: {  	s20 =	sor.u32 s7, s5;
	s22 =	sshrl.u32 s2, $0x1;
	s5 =	sshrl.u32 s5, $0x2  }
0xe: {  	s21 =	smul.u32 $0x2700, s8;
	s6 =	sshrl.u32 s20, $0x3;
	s2 =	ssub.s32 s2, s22  }
0xf: {  	s5 =	sadd.s32 s5, s3;
	p0 =	sgt.u32 s8, $0x3;
	s20 =	simm.s32 $0x6F00  }
0x10: {  	s22 =	simm.s32 $0x7F00;
	s0 =	sadd.s32 s6, s0;
	s25 =	smax.u32 s2, $0x1  }
0x11: {  	s15 =	sshrl.u32 s5, $0x3;
	s2 =	simm.s32 $0x6;
	s5 =	simm.s32 $0xC  }
0x12: {  	s7 =	sshrl.u32 s21, $0x3;
	s0 =	sadd.s32 $0x16A00, s0;
	[dreg:$0x9] =	wrdreg s25  }
0x13: {  	s21 =	simm.s32 $0x9;
	s25 =	simm.s32 $0xB;
	s6 =	sadd.s32 s9, s7  }
0x14: {  	s7 =	sadd.s32 s23, s9;
	[dreg:$0x8] =	wrdreg s0;
	s24 =	sadd.s32 $0x9C40, s6  }
0x15: {  	s0 =	simm.s32 $0x5;
	s9 =	sadd.s32 $0x9C00, s7;
	[dreg:$0x5] =	wrdreg s24  }
0x16: {  	s23 =	simm.s32 $0xA;
	s7 =	sadd.s32 $0x13840, s7;
	[dreg:$0x6] =	wrdreg s9  }
0x17: {  	[dreg:$0x7] =	wrdreg s7;
	s24 =	simm.s32 $0x8F00;
	s7 =	simm.s32 $0x0  }
.LBB2_1:
0x18: {  	[tilespmem:s4], [sflag:$0xD] =	stream.linear.gather [hbm4b:s6+s4], $0x2700, $0x38;
	[tilespmem:$0xFD20] =	vst v63  }
0x19: {  	_ =	swait.ge [sflag:s12], $0x2700  }
0x1a: {  	[sflag:s12] =	ssyncset.done $0x0  }
0x1b: {  	s9 =	simm.s32 $0x2780;
	s8 =	rddreg [dreg:$0x5];
	[sflag:s12] =	ssyncadd.s32 $0xFFFFD900  }
0x1c: {  	[tilespmem:s9], [sflag:$0xD] =	stream.linear.gather [hbm4b:s8+s4], $0x2700, $0x38;
	[tilespmem:$0xFD20] =	vst v63  }
0x1d: {  	_ =	swait.ge [sflag:s12], $0x2700  }
0x1e: {  	[sflag:s12] =	ssyncset.done $0x0  }
0x1f: {  	s11 =	rddreg [dreg:$0x4];
	[sflag:s12] =	ssyncadd.s32 $0xFFFFD900  }
0x20: {  	[spmem:s15], [sflag:s14] =	dma.local [hbm:s11], $0x9C4  }
0x21: {  	_ =	swait.ge [sflag:s12], $0x9C4  }
0x22: {  	s8 =	simm.s32 @!p0 $0x0;
	[sflag:s12] =	ssyncset.done $0x0  }
0x23: {  	s9 =	simm.s32 @!p0 $0x2700;
	s10 =	rddreg [dreg:$0x6];
	[sflag:s12] =	ssyncadd.s32 $0xFFFFF63C  }
0x24: {  	[tilespmem:s9], [sflag:$0xD] =	stream.linear.gather @!p0 [hbm4b:s10+s8], $0x80, $0x38;
	[tilespmem:$0xFD20] =	vst v63  }
0x25: {  	s9 =	simm.s32 @!p0 $0xD  }
0x26: {  	_ =	swait.ge @!p0 [sflag:s9], $0x80  }
0x27: {  	[sflag:s9] =	ssyncset.done @!p0 $0x0  }
0x28: {  	s10 =	simm.s32 @!p0 $0x4E80;
	s11 =	rddreg [dreg:$0x7];
	[sflag:s9] =	ssyncadd.s32 @!p0 $0xFFFFFF80  }
0x29: {  	[tilespmem:s10], [sflag:$0xD] =	stream.linear.gather @!p0 [hbm4b:s11+s8], $0x80, $0x38;
	[tilespmem:$0xFD20] =	vst v63  }
0x2a: {  	_ =	swait.ge @!p0 [sflag:s9], $0x80  }
0x2b: {  	[sflag:s9] =	ssyncset.done @!p0 $0x0  }
0x2c: {  	[sflag:s9] =	ssyncadd.s32 @!p0 $0xFFFFFF80  }
0x2d: {  	[bflag:$0x0] =	sbarrier.arrive $0xFFFF  }
0x2e: {  	[tilespmem:s17], [sflag:$0x1] =	stream.indirect.gather [hbm4b:s1+s16], $0x20, s4, s16, $0xb8;
	[tilespmem:$0xFD20] =	vst v63  }
0x2f: {  	_ = 	snop  }
0x30: {  	[tilespmem:s18], [sflag:$0x2] =	stream.indirect.gather [hbm4b:s1+s16], $0x20, s16, s16, $0xb8;
	[tilespmem:$0xFD20] =	vst v63  }
0x31: {  	s9 =	simm.s32 $0x100  }
0x32: {  	[tilespmem:s20], [sflag:$0x3] =	stream.indirect.gather [hbm4b:s1+s16], $0x20, s9, s16, $0xb8;
	[tilespmem:$0xFD20] =	vst v63  }
0x33: {  	s10 =	simm.s32 $0x180  }
0x34: {  	[tilespmem:s22], [sflag:$0x4] =	stream.indirect.gather [hbm4b:s1+s16], $0x20, s10, s16, $0xb8;
	[tilespmem:$0xFD20] =	vst v63  }
0x35: {  	s11 =	simm.s32 $0x200  }
0x36: {  	[tilespmem:s24], [sflag:$0x5] =	stream.indirect.gather [hbm4b:s1+s16], $0x20, s11, s16, $0xb8;
	[tilespmem:$0xFD20] =	vst v63  }
0x37: {  	s9 =	simm.s32 $0x280  }
0x38: {  	[tilespmem:s26], [sflag:$0x6] =	stream.indirect.gather [hbm4b:s1+s16], $0x20, s9, s16, $0xb8;
	[tilespmem:$0xFD20] =	vst v63  }
0x39: {  	_ =	swait.ge [sflag:s28], $0x1000  }
0x3a: {  	[sflag:s28] =	ssyncset.done $0x0  }
0x3b: {  	s10 =	simm.s32 $0x2780;
	[sflag:s28] =	ssyncadd.s32 $0xFFFFF000  }
0x3c: {  	[spmem:s3] =	stream.indirect.scatter.add.f32 [tilespmem:s17], [sflag:$0x7], $0x20, s10, s16, $0xb8;
	[tilespmem:$0xFD20] =	vst v63  }
0x3d: {  	_ =	swait.ge [sflag:s29], $0x1000  }
0x3e: {  	[sflag:s29] =	ssyncset.done $0x0  }
0x3f: {  	s11 =	simm.s32 $0x2800;
	[sflag:s29] =	ssyncadd.s32 $0xFFFFF000  }
0x40: {  	[spmem:s3] =	stream.indirect.scatter.add.f32 [tilespmem:s18], [sflag:$0x8], $0x20, s11, s16, $0xb8;
	[tilespmem:$0xFD20] =	vst v63  }
0x41: {  	_ =	swait.ge [sflag:s30], $0x1000  }
0x42: {  	[sflag:s30] =	ssyncset.done $0x0  }
0x43: {  	s9 =	simm.s32 $0x2880;
	[sflag:s30] =	ssyncadd.s32 $0xFFFFF000  }
0x44: {  	[spmem:s3] =	stream.indirect.scatter.add.f32 [tilespmem:s20], [sflag:$0x9], $0x20, s9, s16, $0xb8;
	[tilespmem:$0xFD20] =	vst v63  }
0x45: {  	_ =	swait.ge [sflag:s31], $0x1000  }
0x46: {  	[sflag:s31] =	ssyncset.done $0x0  }
0x47: {  	s10 =	simm.s32 $0x2900;
	[sflag:s31] =	ssyncadd.s32 $0xFFFFF000  }
0x48: {  	[spmem:s3] =	stream.indirect.scatter.add.f32 [tilespmem:s22], [sflag:$0xA], $0x20, s10, s16, $0xb8;
	[tilespmem:$0xFD20] =	vst v63  }
0x49: {  	_ =	swait.ge [sflag:s0], $0x1000  }
0x4a: {  	[sflag:s0] =	ssyncset.done $0x0  }
0x4b: {  	s11 =	simm.s32 $0x2980;
	[sflag:s0] =	ssyncadd.s32 $0xFFFFF000  }
0x4c: {  	[spmem:s3] =	stream.indirect.scatter.add.f32 [tilespmem:s24], [sflag:$0xB], $0x20, s11, s16, $0xb8;
	[tilespmem:$0xFD20] =	vst v63  }
0x4d: {  	_ =	swait.ge [sflag:s2], $0x1000  }
0x4e: {  	[sflag:s2] =	ssyncset.done $0x0  }
0x4f: {  	s9 =	simm.s32 $0x2A00;
	[sflag:s2] =	ssyncadd.s32 $0xFFFFF000  }
0x50: {  	[spmem:s3] =	stream.indirect.scatter.add.f32 [tilespmem:s26], [sflag:$0xC], $0x20, s9, s16, $0xb8;
	[tilespmem:$0xFD20] =	vst v63  }
0x51: {  	_ =	swait.ge [sflag:s13], $0x1000  }
0x52: {  	[sflag:s13] =	ssyncset.done $0x0  }
0x53: {  	s10 =	simm.s32 $0x300;
	[sflag:s13] =	ssyncadd.s32 $0xFFFFF000  }
0x54: {  	[tilespmem:s17], [sflag:$0x1] =	stream.indirect.gather [hbm4b:s1+s16], $0x20, s10, s16, $0xb8;
	[tilespmem:$0xFD20] =	vst v63  }
0x55: {  	_ =	swait.ge [sflag:s19], $0x1000  }
0x56: {  	[sflag:s19] =	ssyncset.done $0x0  }
0x57: {  	s11 =	simm.s32 $0x380;
	[sflag:s19] =	ssyncadd.s32 $0xFFFFF000  }
0x58: {  	[tilespmem:s18], [sflag:$0x2] =	stream.indirect.gather [hbm4b:s1+s16], $0x20, s11, s16, $0xb8;
	[tilespmem:$0xFD20] =	vst v63  }
0x59: {  	_ =	swait.ge [sflag:s21], $0x1000  }
0x5a: {  	[sflag:s21] =	ssyncset.done $0x0  }
0x5b: {  	s9 =	simm.s32 $0x400;
	[sflag:s21] =	ssyncadd.s32 $0xFFFFF000  }
0x5c: {  	[tilespmem:s20], [sflag:$0x3] =	stream.indirect.gather [hbm4b:s1+s16], $0x20, s9, s16, $0xb8;
	[tilespmem:$0xFD20] =	vst v63  }
0x5d: {  	_ =	swait.ge [sflag:s23], $0x1000  }
0x5e: {  	[sflag:s23] =	ssyncset.done $0x0  }
0x5f: {  	s10 =	simm.s32 $0x480;
	[sflag:s23] =	ssyncadd.s32 $0xFFFFF000  }
0x60: {  	[tilespmem:s22], [sflag:$0x4] =	stream.indirect.gather [hbm4b:s1+s16], $0x20, s10, s16, $0xb8;
	[tilespmem:$0xFD20] =	vst v63  }
0x61: {  	_ =	swait.ge [sflag:s25], $0x1000  }
0x62: {  	[sflag:s25] =	ssyncset.done $0x0  }
0x63: {  	s11 =	simm.s32 $0x500;
	[sflag:s25] =	ssyncadd.s32 $0xFFFFF000  }
0x64: {  	[tilespmem:s24], [sflag:$0x5] =	stream.indirect.gather [hbm4b:s1+s16], $0x20, s11, s16, $0xb8;
	[tilespmem:$0xFD20] =	vst v63  }
0x65: {  	_ =	swait.ge [sflag:s5], $0x1000  }
0x66: {  	[sflag:s5] =	ssyncset.done $0x0  }
0x67: {  	s8 =	simm.s32 $0xC00;
	s9 =	simm.s32 $0x580;
	[sflag:s5] =	ssyncadd.s32 $0xFFFFF000  }
.LBB2_2:
0x68: {  	[tilespmem:s26], [sflag:$0x6] =	stream.indirect.gather [hbm4b:s1+s16], $0x20, s9, s16, $0xb8;
	[tilespmem:$0xFD20] =	vst v63  }
0x69: {  	s9 =	smov.u32 s8  }
0x6a: {  	p1 =	sne.s32 s8, $0x8400;
	s8 =	sadd.s32 $0xC00, s8;
	_ =	swait.ge [sflag:s28], $0x1000  }
0x6b: {  	s9 =	sshra.s32 s9, $0x2;
	[sflag:s28] =	ssyncset.done $0x0  }
0x6c: {  	s10 =	sadd.s32 $0x2780, s9;
	[sflag:s28] =	ssyncadd.s32 $0xFFFFF000  }
0x6d: {  	[spmem:s3] =	stream.indirect.scatter.add.f32 [tilespmem:s17], [sflag:$0x7], $0x20, s10, s16, $0xb8;
	[tilespmem:$0xFD20] =	vst v63  }
0x6e: {  	_ =	swait.ge [sflag:s29], $0x1000  }
0x6f: {  	[sflag:s29] =	ssyncset.done $0x0  }
0x70: {  	s10 =	sadd.s32 $0x2800, s9;
	[sflag:s29] =	ssyncadd.s32 $0xFFFFF000  }
0x71: {  	[spmem:s3] =	stream.indirect.scatter.add.f32 [tilespmem:s18], [sflag:$0x8], $0x20, s10, s16, $0xb8;
	[tilespmem:$0xFD20] =	vst v63  }
0x72: {  	_ =	swait.ge [sflag:s30], $0x1000  }
0x73: {  	[sflag:s30] =	ssyncset.done $0x0  }
0x74: {  	s10 =	sadd.s32 $0x2880, s9;
	[sflag:s30] =	ssyncadd.s32 $0xFFFFF000  }
0x75: {  	[spmem:s3] =	stream.indirect.scatter.add.f32 [tilespmem:s20], [sflag:$0x9], $0x20, s10, s16, $0xb8;
	[tilespmem:$0xFD20] =	vst v63  }
0x76: {  	_ =	swait.ge [sflag:s31], $0x1000  }
0x77: {  	[sflag:s31] =	ssyncset.done $0x0  }
0x78: {  	s10 =	sadd.s32 $0x2900, s9;
	[sflag:s31] =	ssyncadd.s32 $0xFFFFF000  }
0x79: {  	[spmem:s3] =	stream.indirect.scatter.add.f32 [tilespmem:s22], [sflag:$0xA], $0x20, s10, s16, $0xb8;
	[tilespmem:$0xFD20] =	vst v63  }
0x7a: {  	_ =	swait.ge [sflag:s0], $0x1000  }
0x7b: {  	[sflag:s0] =	ssyncset.done $0x0  }
0x7c: {  	s10 =	sadd.s32 $0x2980, s9;
	[sflag:s0] =	ssyncadd.s32 $0xFFFFF000  }
0x7d: {  	[spmem:s3] =	stream.indirect.scatter.add.f32 [tilespmem:s24], [sflag:$0xB], $0x20, s10, s16, $0xb8;
	[tilespmem:$0xFD20] =	vst v63  }
0x7e: {  	_ =	swait.ge [sflag:s2], $0x1000  }
0x7f: {  	[sflag:s2] =	ssyncset.done $0x0  }
0x80: {  	s10 =	sadd.s32 $0x2A00, s9;
	[sflag:s2] =	ssyncadd.s32 $0xFFFFF000  }
0x81: {  	[spmem:s3] =	stream.indirect.scatter.add.f32 [tilespmem:s26], [sflag:$0xC], $0x20, s10, s16, $0xb8;
	[tilespmem:$0xFD20] =	vst v63  }
0x82: {  	_ =	swait.ge [sflag:s13], $0x1000  }
0x83: {  	[sflag:s13] =	ssyncset.done $0x0  }
0x84: {  	s10 =	sadd.s32 $0x300, s9;
	[sflag:s13] =	ssyncadd.s32 $0xFFFFF000  }
0x85: {  	[tilespmem:s17], [sflag:$0x1] =	stream.indirect.gather [hbm4b:s1+s16], $0x20, s10, s16, $0xb8;
	[tilespmem:$0xFD20] =	vst v63  }
0x86: {  	_ =	swait.ge [sflag:s19], $0x1000  }
0x87: {  	[sflag:s19] =	ssyncset.done $0x0  }
0x88: {  	s10 =	sadd.s32 $0x380, s9;
	[sflag:s19] =	ssyncadd.s32 $0xFFFFF000  }
0x89: {  	[tilespmem:s18], [sflag:$0x2] =	stream.indirect.gather [hbm4b:s1+s16], $0x20, s10, s16, $0xb8;
	[tilespmem:$0xFD20] =	vst v63  }
0x8a: {  	_ =	swait.ge [sflag:s21], $0x1000  }
0x8b: {  	[sflag:s21] =	ssyncset.done $0x0  }
0x8c: {  	s10 =	sadd.s32 $0x400, s9;
	[sflag:s21] =	ssyncadd.s32 $0xFFFFF000  }
0x8d: {  	[tilespmem:s20], [sflag:$0x3] =	stream.indirect.gather [hbm4b:s1+s16], $0x20, s10, s16, $0xb8;
	[tilespmem:$0xFD20] =	vst v63  }
0x8e: {  	_ =	swait.ge [sflag:s23], $0x1000  }
0x8f: {  	[sflag:s23] =	ssyncset.done $0x0  }
0x90: {  	s10 =	sadd.s32 $0x480, s9;
	[sflag:s23] =	ssyncadd.s32 $0xFFFFF000  }
0x91: {  	[tilespmem:s22], [sflag:$0x4] =	stream.indirect.gather [hbm4b:s1+s16], $0x20, s10, s16, $0xb8;
	[tilespmem:$0xFD20] =	vst v63  }
0x92: {  	_ =	swait.ge [sflag:s25], $0x1000  }
0x93: {  	[sflag:s25] =	ssyncset.done $0x0  }
.Ltmp0:
0x94: {  	s10 =	sadd.s32 $0x500, s9;
	[sflag:s25] =	ssyncadd.s32 $0xFFFFF000;
	(pc) =	sbr.rel @p1 .LBB2_2-.Ltmp0, $4  }
0x95: {  	[tilespmem:s24], [sflag:$0x5] =	stream.indirect.gather [hbm4b:s1+s16], $0x20, s10, s16, $0xb8;
	[tilespmem:$0xFD20] =	vst v63  }
0x96: {  	_ =	swait.ge [sflag:s5], $0x1000  }
0x97: {  	[sflag:s5] =	ssyncset.done $0x0  }
0x98: {  	s9 =	sadd.s32 $0x580, s9;
	[sflag:s5] =	ssyncadd.s32 $0xFFFFF000  }
0x99: {  	[tilespmem:s26], [sflag:$0x6] =	stream.indirect.gather [hbm4b:s1+s16], $0x20, s9, s16, $0xb8;
	[tilespmem:$0xFD20] =	vst v63  }
0x9a: {  	_ =	swait.ge [sflag:s28], $0x1000  }
0x9b: {  	[sflag:s28] =	ssyncset.done $0x0  }
0x9c: {  	s8 =	simm.s32 $0x4B80;
	[sflag:s28] =	ssyncadd.s32 $0xFFFFF000  }
0x9d: {  	[spmem:s3] =	stream.indirect.scatter.add.f32 [tilespmem:s17], [sflag:$0x7], $0x20, s8, s16, $0xb8;
	[tilespmem:$0xFD20] =	vst v63  }
0x9e: {  	_ =	swait.ge [sflag:s29], $0x1000  }
0x9f: {  	[sflag:s29] =	ssyncset.done $0x0  }
0xa0: {  	s10 =	simm.s32 $0x4C00;
	[sflag:s29] =	ssyncadd.s32 $0xFFFFF000  }
0xa1: {  	[spmem:s3] =	stream.indirect.scatter.add.f32 [tilespmem:s18], [sflag:$0x8], $0x20, s10, s16, $0xb8;
	[tilespmem:$0xFD20] =	vst v63  }
0xa2: {  	_ =	swait.ge [sflag:s30], $0x1000  }
0xa3: {  	[sflag:s30] =	ssyncset.done $0x0  }
0xa4: {  	s11 =	simm.s32 $0x4C80;
	[sflag:s30] =	ssyncadd.s32 $0xFFFFF000  }
0xa5: {  	[spmem:s3] =	stream.indirect.scatter.add.f32 [tilespmem:s20], [sflag:$0x9], $0x20, s11, s16, $0xb8;
	[tilespmem:$0xFD20] =	vst v63  }
0xa6: {  	_ =	swait.ge [sflag:s31], $0x1000  }
0xa7: {  	[sflag:s31] =	ssyncset.done $0x0  }
0xa8: {  	s9 =	simm.s32 $0x4D00;
	[sflag:s31] =	ssyncadd.s32 $0xFFFFF000  }
0xa9: {  	[spmem:s3] =	stream.indirect.scatter.add.f32 [tilespmem:s22], [sflag:$0xA], $0x20, s9, s16, $0xb8;
	[tilespmem:$0xFD20] =	vst v63  }
0xaa: {  	_ =	swait.ge [sflag:s0], $0x1000  }
0xab: {  	[sflag:s0] =	ssyncset.done $0x0  }
0xac: {  	s10 =	simm.s32 $0x4D80;
	[sflag:s0] =	ssyncadd.s32 $0xFFFFF000  }
0xad: {  	[spmem:s3] =	stream.indirect.scatter.add.f32 [tilespmem:s24], [sflag:$0xB], $0x20, s10, s16, $0xb8;
	[tilespmem:$0xFD20] =	vst v63  }
0xae: {  	_ =	swait.ge [sflag:s2], $0x1000  }
0xaf: {  	[sflag:s2] =	ssyncset.done $0x0  }
0xb0: {  	s11 =	simm.s32 $0x4E00;
	[sflag:s2] =	ssyncadd.s32 $0xFFFFF000  }
0xb1: {  	[spmem:s3] =	stream.indirect.scatter.add.f32 [tilespmem:s26], [sflag:$0xC], $0x20, s11, s16, $0xb8;
	[tilespmem:$0xFD20] =	vst v63  }
0xb2: {  	_ =	swait.ge [sflag:s13], $0x1000  }
0xb3: {  	[sflag:s13] =	ssyncset.done $0x0  }
0xb4: {  	[sflag:s13] =	ssyncadd.s32 $0xFFFFF000  }
0xb5: {  	_ =	swait.ge [sflag:s19], $0x1000  }
0xb6: {  	[sflag:s19] =	ssyncset.done $0x0  }
0xb7: {  	[sflag:s19] =	ssyncadd.s32 $0xFFFFF000  }
0xb8: {  	_ =	swait.ge [sflag:s21], $0x1000  }
0xb9: {  	[sflag:s21] =	ssyncset.done $0x0  }
0xba: {  	[sflag:s21] =	ssyncadd.s32 $0xFFFFF000  }
0xbb: {  	_ =	swait.ge [sflag:s23], $0x1000  }
0xbc: {  	[sflag:s23] =	ssyncset.done $0x0  }
0xbd: {  	[sflag:s23] =	ssyncadd.s32 $0xFFFFF000  }
0xbe: {  	_ =	swait.ge [sflag:s25], $0x1000  }
0xbf: {  	[sflag:s25] =	ssyncset.done $0x0  }
0xc0: {  	[sflag:s25] =	ssyncadd.s32 $0xFFFFF000  }
0xc1: {  	_ =	swait.ge [sflag:s5], $0x1000  }
0xc2: {  	s8 =	simm.s32 @!p0 $0x80;
	[sflag:s5] =	ssyncset.done $0x0  }
0xc3: {  	s9 =	simm.s32 @!p0 $0x2700;
	s10 =	simm.s32 @!p0 $0x4F00;
	[sflag:s5] =	ssyncadd.s32 $0xFFFFF000  }
0xc4: {  	[tilespmem:s10], [sflag:$0x1] =	stream.indirect.gather @!p0 [hbm4b:s1+s8], $0x20, s9, s8, $0xb8;
	[tilespmem:$0xFD20] =	vst v63  }
0xc5: {  	s9 =	simm.s32 @!p0 $0x1  }
0xc6: {  	_ =	swait.ge @!p0 [sflag:s9], $0x1000  }
0xc7: {  	[sflag:s9] =	ssyncset.done @!p0 $0x0  }
0xc8: {  	[sflag:s9] =	ssyncadd.s32 @!p0 $0xFFFFF000;
	s9 =	simm.s32 @!p0 $0x4E80  }
0xc9: {  	[spmem:s3] =	stream.indirect.scatter.add.f32 @!p0 [tilespmem:s10], [sflag:$0x7], $0x20, s9, s8, $0xb8;
	[tilespmem:$0xFD20] =	vst v63  }
0xca: {  	s8 =	simm.s32 @!p0 $0x7  }
0xcb: {  	_ =	swait.ge @!p0 [sflag:s8], $0x1000  }
0xcc: {  	[sflag:s8] =	ssyncset.done @!p0 $0x0  }
0xcd: {  	[sflag:s8] =	ssyncadd.s32 @!p0 $0xFFFFF000  }
0xce: {  	[bflag:$0x0] =	sbarrier.arrive $0xFFFF  }
0xcf: {  	s10 =	simm.s32 $0x10;
	s9 =	rddreg [dreg:$0x8]  }
0xd0: {  	[hbm:s9@s10], [sflag:s14] =	dma.strided [spmem:s15@s31], $0x9C4, s28, $0x4   }
0xd1: {  	_ =	swait.ge [sflag:s12], $0x9C4  }
0xd2: {  	s7 =	sadd.s32 $0x1, s7;
	s11 =	rddreg [dreg:$0x9]  }
0xd3: {  	p1 =	sne.s32 s7, s11  }
.Ltmp1:
0xd4: {  	_ = 	snop;
	(pc) =	sbr.rel @p1 .LBB2_1-.Ltmp1, $3  }
0xd5: {  	_ =	sdelay $0x1  }
0xd6: {  	[sflag:s12] =	ssyncset.done $0x0  }
0xd7: {  	[sflag:s12] =	ssyncadd.s32 $0xFFFFF63C  }
0xd8: {  	_ =	sfence.sel $0x180000  }
0xd9: {  	[bflag:$0x0] =	sbarrier.arrive $0xFFFF  }
0xda: {  	_ =	strace $0x9000004D  }
0xdb: {  	s0 =	stileid.u32;
	[bflag:$0x2] =	sbarrier.arrive $0xFFFF  }
0xdc: {  	p0 =	sne.s32 s0, $0x0;
	s0 =	rddreg [dreg:$0x3]  }
0xdd: {  	s0 =	sadd.s32 @!p0 $0x100000, s0  }
0xde: {  	[sflag:s0] =	ssyncadd.tile.s32 @!p0 $0x1;
	_ =	shalt  }
.Lfunc_end2:
_tile_overlayer_lowered:
.L_overlay_start_2:
0xdf: {  	(tag) =	ssettag $0x2  }
0xe0: {  	s0 =	rddreg [dreg:$0x0];
	s2 =	stileid.u32  }
0xe1: {  	s1 =	rddreg [dreg:$0x1];
	p0 =	sne.s32 s2, $0x0  }
0xe2: {  	s3 =	rddreg [dreg:$0x2];
	[bflag:$0x3] =	sbarrier.arrive $0xFFFF;
	s2 =	simm.s32 @!p0 $0x1C0D  }
0xe3: {  	[timem:s3], [sflag:s2] =	dma.local @!p0 [hbm:s0], s1  }
0xe4: {  	s0 =	simm.s32 @!p0 $0xD  }
0xe5: {  	_ =	swait.ge @!p0 [sflag:s0], s1  }
0xe6: {  	s1 =	ssub.s32 @!p0 $0x0, s1;
	[sflag:s0] =	ssyncset.done @!p0 $0x0  }
0xe7: {  	[sflag:s0] =	ssyncadd.s32 @!p0 s1  }
0xe8: {  	[bflag:$0x3] =	sbarrier.arrive $0xFFFF  }
0xe9: {  	_ =	shalt  }

// kernel: kernel.8.cloned.1.call-start
scs
__scs_entry_jumppad:
0x0: {  	(pc) =	sbr.rel $0x88, $3  }
0x1: {  	(tag) =	ssettag $0x0;
	lr =	simm.s32 $0x1  }
0x2: {  	[smem:$0x3F9B] =	sst lr;
	_ =	strace $0xD0000000  }
0x3: {  	_ = 	snop  }
0x4: {  	_ = 	snop  }
0x5: {  	_ = 	snop  }
0x6: {  	_ = 	snop  }
0x7: {  	_ = 	snop  }
__scs_overlays_trampoline_lowered:
0x8: {  	[smem:$0x3FAA] =	sst s0  }
0x9: {  	[smem:$0x3FAB] =	sst s1  }
0xa: {  	[smem:$0x3FAC] =	sst s2  }
0xb: {  	[smem:$0x3FAD] =	sst s3  }
0xc: {  	[smem:$0x3FAE] =	sst s4  }
0xd: {  	[smem:$0x3FAF] =	sst s5  }
0xe: {  	[smem:$0x3FB0] =	sst s6  }
0xf: {  	[smem:$0x3FB1] =	sst s7  }
0x10: {  	[smem:$0x3FB2] =	sst s8  }
0x11: {  	[smem:$0x3FB3] =	sst s9;
	s0 =	simm.s32 @!p0 $0x0  }
0x12: {  	s1 =	sld [smem:$0x3F99];
	s0 =	simm.s32 @p0 $0x1  }
0x13: {  	[smem:$0x3FB4] =	sst s0;
	s0 =	simm.s32 @!p1 $0x0  }
0x14: {  	s2 =	sld [smem:$0x3F98];
	s0 =	simm.s32 @p1 $0x1  }
0x15: {  	[smem:$0x3FB5] =	sst s0;
	s0 =	simm.s32 @!p2 $0x0  }
0x16: {  	s3 =	sld [smem:$0x3FDB];
	s0 =	simm.s32 @p2 $0x1  }
0x17: {  	s4 =	simm.s32 $0x1BF5;
	[smem:$0x3FB7] =	sst s0  }
0x18: {  	s0 =	sld [smem:$0x3F9A];
	_ =	swait.ge [sflag:s4], $0x0  }
0x19: {  	s7 =	sld [smem:$0x3F9B]  }
0x1a: {  	s8 =	sadd.s32 $0xFFFFE003, lr  }
0x1b: {  	s9 =	sadd.s32 $0xFFFFFEF7, lr;
	s5 =	simm.s32 $0xFFFFFFFF;
	p2 =	slt.u32 s8, $0xFFFFF086  }
0x1c: {  	p1 =	slt.u32 s9, $0xF7A;
	s5 =	simm.s32 @!p2 $0x0  }
0x1d: {  	s5 =	simm.s32 @p1 $0x1;
	p0 =	seq.s32 s7, s2  }
0x1e: {  	s7 =	smul.u32 @!p0 $0xF7A, s2;
	p2 =	seq.s32 @!p0 s5, $0x0  }
0x1f: {  	s9 =	smul.u32 $0xF7A, s1;
	s8 =	simm.s32 @!p0 $0x1BF5;
	p2 =	por !p2, p0  }
0x20: {  	[sflag:s8] =	ssyncset.s32 @!p0 $0xFFFFF086;
	s6 =	sadd.s32 @!p0 s3, s7;
	s7 =	simm.s32 @!p0 $0x108  }
0x21: {  	s3 =	sadd.s32 s3, s9;
	s6 =	sadd.s32 @!p0 $0x88, s6;
	s7 =	simm.s32 @p2 $0x1082  }
0x22: {  	[simem:s7], [sflag:s8] =	dma.local @!p0 [hbm:s6], $0xF7A  }
0x23: {  	s9 =	sor.u32 $0xD0000000, s2;
	s6 =	simm.s32 $0x108;
	_ =	swait.ge @!p0 [sflag:s8], $0x0  }
0x24: {  	s3 =	sadd.s32 $0x88, s3;
	s6 =	simm.s32 @!p1 $0x1082;
	[sflag:s4] =	ssyncset.s32 $0xFFFFF086  }
0x25: {  	[simem:s6], [sflag:s4] =	dma.local [hbm:s3], $0xF7A  }
0x26: {  	[smem:$0x3F9B] =	sst s1;
	(tag) =	ssettag s2;
	_ =	strace s9  }
0x27: {  	s1 =	sld [smem:$0x3FAB]  }
0x28: {  	s2 =	sld [smem:$0x3FAC]  }
0x29: {  	s4 =	sld [smem:$0x3FAE]  }
0x2a: {  	p0 =	seq.s32 s5, $0x0;
	s5 =	sld [smem:$0x3FAF]  }
0x2b: {  	s6 =	sld [smem:$0x3FB0]  }
0x2c: {  	s7 =	sld [smem:$0x3FB1]  }
0x2d: {  	s3 =	simm.s32 $0x108;
	s8 =	sld [smem:$0x3FB2]  }
0x2e: {  	s3 =	simm.s32 @!p0 $0x1082;
	s9 =	sld [smem:$0x3FB3]  }
0x2f: {  	lr =	sadd.s32 s0, s3;
	s0 =	sld [smem:$0x3FAA]  }
0x30: {  	s3 =	sld [smem:$0x3FAD]  }
0x31: {  	[smem:$0x3FB6] =	sst s10  }
0x32: {  	s10 =	sld [smem:$0x3FB4];
	_ =	sdelay $0x3  }
0x33: {  	p0 =	seq.s32 s10, $0x1;
	s10 =	sld [smem:$0x3FB6];
	_ =	sdelay $0x3  }
0x34: {  	[smem:$0x3FB6] =	sst s10  }
0x35: {  	s10 =	sld [smem:$0x3FB5];
	_ =	sdelay $0x3  }
0x36: {  	p1 =	seq.s32 s10, $0x1;
	s10 =	sld [smem:$0x3FB6];
	_ =	sdelay $0x3  }
0x37: {  	[smem:$0x3FB6] =	sst s10  }
0x38: {  	s10 =	sld [smem:$0x3FB7]  }
0x39: {  	_ = 	snop;
	(pc) =	sbr.ind lr, $3  }
0x3a: {  	_ = 	snop  }
0x3b: {  	_ = 	snop  }
0x3c: {  	p2 =	seq.s32 s10, $0x1;
	s10 =	sld [smem:$0x3FB6]  }
0x3d: {  	_ =	shalt  }
0x3e: {  	_ =	shalt  }
0x3f: {  	_ =	shalt  }
0x40: {  	_ =	shalt  }
0x41: {  	_ =	shalt  }
0x42: {  	_ =	shalt  }
0x43: {  	_ =	shalt  }
0x44: {  	_ =	shalt  }
0x45: {  	_ =	shalt  }
0x46: {  	_ =	shalt  }
0x47: {  	_ =	shalt  }
0x48: {  	_ =	shalt  }
0x49: {  	_ =	shalt  }
0x4a: {  	_ =	shalt  }
0x4b: {  	_ =	shalt  }
0x4c: {  	_ =	shalt  }
0x4d: {  	_ =	shalt  }
0x4e: {  	_ =	shalt  }
0x4f: {  	_ =	shalt  }
0x50: {  	_ =	shalt  }
0x51: {  	_ =	shalt  }
0x52: {  	_ =	shalt  }
0x53: {  	_ =	shalt  }
0x54: {  	_ =	shalt  }
0x55: {  	_ =	shalt  }
0x56: {  	_ =	shalt  }
0x57: {  	_ =	shalt  }
0x58: {  	_ =	shalt  }
0x59: {  	_ =	shalt  }
0x5a: {  	_ =	shalt  }
0x5b: {  	_ =	shalt  }
0x5c: {  	_ =	shalt  }
0x5d: {  	_ =	shalt  }
0x5e: {  	_ =	shalt  }
0x5f: {  	_ =	shalt  }
0x60: {  	_ =	shalt  }
0x61: {  	_ =	shalt  }
0x62: {  	_ =	shalt  }
0x63: {  	_ =	shalt  }
0x64: {  	_ =	shalt  }
0x65: {  	_ =	shalt  }
0x66: {  	_ =	shalt  }
0x67: {  	_ =	shalt  }
0x68: {  	_ =	shalt  }
0x69: {  	_ =	shalt  }
0x6a: {  	_ =	shalt  }
0x6b: {  	_ =	shalt  }
0x6c: {  	_ =	shalt  }
0x6d: {  	_ =	shalt  }
0x6e: {  	_ =	shalt  }
0x6f: {  	_ =	shalt  }
0x70: {  	_ =	shalt  }
0x71: {  	_ =	shalt  }
0x72: {  	_ =	shalt  }
0x73: {  	_ =	shalt  }
0x74: {  	_ =	shalt  }
0x75: {  	_ =	shalt  }
0x76: {  	_ =	shalt  }
0x77: {  	_ =	shalt  }
0x78: {  	_ =	shalt  }
0x79: {  	_ =	shalt  }
0x7a: {  	_ =	shalt  }
0x7b: {  	_ =	shalt  }
0x7c: {  	_ =	shalt  }
0x7d: {  	_ =	shalt  }
0x7e: {  	_ =	shalt  }
0x7f: {  	_ =	shalt  }
0x80: {  	_ =	shalt  }
0x81: {  	_ =	shalt  }
0x82: {  	_ =	shalt  }
0x83: {  	_ =	shalt  }
0x84: {  	_ =	shalt  }
0x85: {  	_ =	shalt  }
0x86: {  	_ =	shalt  }
0x87: {  	_ =	shalt  }
.Lfunc_end0:
.L_simem_size_0:
called_computation_lowered:
.L_overlay_start_0:
0x88: {  	s2 =	sld [smem:$0x3FD9]  }
0x89: {  	s3 =	sld [smem:$0x3FFE];
	_ =	sdelay $0x1  }
0x8a: {  	s1 =	srdreg.scid  }
0x8b: {  	s0 =	sand.u32 $0x1, s1  }
0x8c: {  	s17 =	sshll.u32 s0, $0xA;
	s2 =	sadd.s32 s3, s2  }
0x8d: {  	s2 =	sadd.s32 s2, s17  }
0x8e: {  	[smem:$0x3FC2] =	sst s2  }
0x8f: {  	_ = 	snop  }
0x90: {  	s2 =	sld [smem:$0x3FD0];
	(tm) =	ssettm $0x1  }
0x91: {  	s18 =	sld [smem:$0x3FFB];
	_ =	sdelay $0x3  }
0x92: {  	_ =	strace s18  }
0x93: {  	s3 =	sld [smem:$0x3FFC];
	_ =	sdelay $0x3  }
0x94: {  	_ =	strace s3  }
0x95: {  	s3 =	sld [smem:$0x3FFD];
	_ =	sdelay $0x3  }
0x96: {  	_ =	strace s3  }
0x97: {  	_ =	strace $0x8FFFFFFF  }
0x98: {  	s19 =	sld [smem:$0x3FDB];
	_ =	sdelay $0x1  }
0x99: {  	s4 =	simm.s32 $_scs_section_size  }
0x9a: {  	s5 =	simm.s32 $_size__tile_overlayer_lowered;
	s6 =	simm.s32 $_tile_overlayer_lowered  }
0x9b: {  	s22 =	simm.s32 $0x1BFF;
	s21 =	sshll.u32 s6, $0x1;
	s3 =	sadd.s32 s4, s19  }
0x9c: {  	s7 =	simm.s32 $0x0;
	s20 =	sshll.u32 s5, $0x1;
	s5 =	sadd.s32 s21, s3  }
0x9d: {  	[timem:s7], [sflag:s22] =	dma.local [hbm:s5], s20  }
0x9e: {  	_ =	swait.ge [sflag:s22], s20  }
0x9f: {  	s4 =	ssub.s32 $0x0, s20;
	[sflag:s22] =	ssyncset.done $0x0  }
0xa0: {  	[sflag:s22] =	ssyncadd.s32 s4;
	_ =	sdelay $0x1  }
0xa1: {  	s23 =	simm.s32 $0x1B8B  }
0xa2: {  	_ =	swait.ge [sflag:s23], $0x1  }
0xa3: {  	[sflag:s23] =	ssyncset.done $0x0  }
0xa4: {  	s25 =	simm.s32 $0x1B8E;
	s24 =	sld [smem:$0x3FFE];
	[sflag:s23] =	ssyncadd.s32 $0xFFFFFFFF  }
0xa5: {  	s26 =	simm.s32 $execute0_lowered;
	[smem:$0x3FD2] =	sst s25  }
0xa6: {  	s5 =	sshll.u32 s26, $0x1;
	_ =	strace $0x80000046;
	[dreg:$0x1] =	wrdreg $0xFFFFFFFF  }
0xa7: {  	s28 =	simm.s32 $_size_execute0_lowered;
	s3 =	sadd.s32 s3, s5;
	[dreg:$0x0] =	wrdreg $0x0  }
0xa8: {  	s5 =	sshll.u32 s28, $0x1;
	[dreg:$0x2] =	wrdreg s3  }
0xa9: {  	[dreg:$0x3] =	wrdreg s5  }
0xaa: {  	[dreg:$0x4] =	wrdreg $0xC0  }
0xab: {  	_ =	task [dreg:s7], $0x5FFFF  }
0xac: {  	[dreg:$0x1] =	wrdreg $0xFFFFFFFF  }
0xad: {  	[dreg:$0x0] =	wrdreg $0x60  }
0xae: {  	[dreg:$0x2] =	wrdreg s24  }
0xaf: {  	[dreg:$0x3] =	wrdreg s2  }
0xb0: {  	[dreg:$0x4] =	wrdreg $0x2F800  }
0xb1: {  	[dreg:$0x5] =	wrdreg $0x9  }
0xb2: {  	_ =	task.clear_ibuf [dreg:s7], $0x6FFFF;
	_ =	strace $0x90000046  }
0xb3: {  	s29 =	simm.s32 $0x9;
	_ =	strace $0x80000048  }
0xb4: {  	_ =	swait.ge [sflag:s29], $0x1  }
0xb5: {  	[sflag:s29] =	ssyncadd.s32 $0xFFFFFFFF  }
0xb6: {  	_ =	strace $0x90000048  }
0xb7: {  	_ =	sfence  }
0xb8: {  	s30 =	sld [smem:$0x0];
	_ =	sdelay $0x2  }
0xb9: {  	s31 =	sshll.u32 s1, $0xD;
	s1 =	sshrl.u32 s1, $0x2  }
0xba: {  	s3 =	sand.u32 $0x4000, s31;
	s1 =	sadd.s32 s1, s30  }
0xbb: {  	s0 =	sor.u32 s3, s0;
	s1 =	sshll.u32 s1, $0x11  }
0xbc: {  	s0 =	sor.u32 s1, s0  }
0xbd: {  	s0 =	sadd.s32 $0x8F2B, s0  }
0xbe: {  	[sflag:s0] =	ssyncadd.remote.s32 $0x1  }
0xbf: {  	_ =	sfence.sel $0xFFFF  }
0xc0: {  	[dreg:$0x0] =	wrdreg $0xFFFFFFFF;
	(pc) =	sbr.abs _section_cstart, $3  }
0xc1: {  	[dreg:$0x1] =	wrdreg $0xFFFFFFFF  }
0xc2: {  	_ =	task.clear_ibuf [dreg:s7], $0x2FFFF;
	_ =	strace $0x9FFFFFFF  }
0xc3: {  	(tm) =	ssettm $0x7FFFFFFF  }
tec
execute0_lowered:
.L_overlay_start_1:
0x0: {  	(tag) =	ssettag $0x1  }
0x1: {  	s6 =	rddreg [dreg:$0x0]  }
0x2: {  	s1 =	rddreg [dreg:$0x1]  }
0x3: {  	s3 =	rddreg [dreg:$0x2]  }
0x4: {  	s0 =	rddreg [dreg:$0x3]  }
0x5: {  	s4 =	simm.s32 $0x0;
	s5 =	srdreg.scid;
	s2 =	stileid.u32  }
0x6: {  	s15 =	simm.s32 $0x100;
	s16 =	simm.s32 $0x180;
	s17 =	simm.s32 $0x200  }
0x7: {  	s18 =	simm.s32 $0x280;
	s19 =	simm.s32 $0x1;
	s20 =	simm.s32 $0x2  }
0x8: {  	s21 =	simm.s32 $0x3;
	s22 =	simm.s32 $0x4;
	s23 =	simm.s32 $0x5  }
0x9: {  	s24 =	simm.s32 $0x6;
	s25 =	simm.s32 $0x10;
	[smem:$0x7FF] =	sst s4  }
0xa: {  	s7 =	sand.u32 $0x1, s5;
	s8 =	smul.u32 $0x13880, s2;
	s9 =	sadd.s32 $0x2600, s6  }
0xb: {  	s5 =	sadd.s32 $0x16000, s6;
	s12 =	smul.u32 $0x9C40, s2;
	s29 =	sshll.u32 s2, $0x4  }
0xc: {  	s31 =	sshll.u32 s2, $0x6;
	_ =	strace $0x80000047;
	s10 =	sshll.u32 s7, $0x4  }
0xd: {  	s7 =	ssub.s32 $0x2, s7;
	s8 =	sor.u32 s10, s8;
	s10 =	sor.u32 s2, s10  }
0xe: {  	s26 =	sshrl.u32 s7, $0x1;
	s30 =	sshrl.u32 s12, $0x2;
	s12 =	sor.u32 $0x1C07, s31  }
0xf: {  	s8 =	sshrl.u32 s8, $0x3;
	s11 =	smul.u32 $0x2700, s10;
	s13 =	ssub.s32 s7, s26  }
0x10: {  	s7 =	sadd.s32 s29, s9;
	s14 =	sadd.s32 s30, s3;
	p0 =	sgt.u32 s10, $0x3  }
0x11: {  	s10 =	simm.s32 $0x7;
	s26 =	simm.s32 $0x0;
	s8 =	sadd.s32 s8, s6  }
0x12: {  	s7 =	sadd.s32 $0x13840, s7;
	s28 =	sshrl.u32 s11, $0x3;
	s8 =	sadd.s32 $0x16200, s8  }
0x13: {  	s11 =	simm.s32 $0x2780;
	s6 =	sadd.s32 s9, s28;
	s9 =	smax.u32 s13, $0x1  }
0x14: {  	s13 =	sshrl.u32 s14, $0x3;
	s14 =	simm.s32 $0x80;
	s6 =	sadd.s32 $0x9C40, s6  }
.LBB2_1:
0x15: {  	[tilespmem:s4], [sflag:$0x7] =	stream.linear.gather [hbm4b:s6+s4], $0x2700, $0x38;
	[tilespmem:$0x5690] =	vst v63  }
0x16: {  	_ =	swait.ge [sflag:s10], $0x2700  }
0x17: {  	[sflag:s10] =	ssyncset.done $0x0  }
0x18: {  	[sflag:s10] =	ssyncadd.s32 $0xFFFFD900  }
0x19: {  	[tilespmem:s11], [sflag:$0x7] =	stream.linear.gather [hbm4b:s5+s4], $0x800, $0x38;
	[tilespmem:$0x5690] =	vst v63  }
0x1a: {  	_ =	swait.ge [sflag:s10], $0x800  }
0x1b: {  	[sflag:s10] =	ssyncset.done $0x0  }
0x1c: {  	[sflag:s10] =	ssyncadd.s32 $0xFFFFF800  }
0x1d: {  	[spmem:s13], [sflag:s12] =	dma.local [hbm:s1], $0x4E2  }
0x1e: {  	_ =	swait.ge [sflag:s10], $0x4E2  }
0x1f: {  	[sflag:s10] =	ssyncset.done $0x0  }
0x20: {  	s28 =	simm.s32 @!p0 $0x0;
	s29 =	simm.s32 @!p0 $0x2700;
	[sflag:s10] =	ssyncadd.s32 $0xFFFFFB1E  }
0x21: {  	[tilespmem:s29], [sflag:$0x7] =	stream.linear.gather @!p0 [hbm4b:s7+s28], $0x80, $0x38;
	[tilespmem:$0x5690] =	vst v63  }
0x22: {  	s28 =	simm.s32 @!p0 $0x7  }
0x23: {  	_ =	swait.ge @!p0 [sflag:s28], $0x80  }
0x24: {  	[sflag:s28] =	ssyncset.done @!p0 $0x0  }
0x25: {  	[sflag:s28] =	ssyncadd.s32 @!p0 $0xFFFFFF80  }
0x26: {  	[bflag:$0x0] =	sbarrier.arrive $0xFFFF  }
0x27: {  	[spmem:s3] =	stream.indirect.scatter.add.f32 [tilespmem:s11], [sflag:$0x1], $0x10, s4, s14, $0xb8;
	[tilespmem:$0x5690] =	vst v63  }
0x28: {  	_ = 	snop  }
0x29: {  	[spmem:s3] =	stream.indirect.scatter.add.f32 [tilespmem:s11], [sflag:$0x2], $0x10, s14, s14, $0xb8;
	[tilespmem:$0x5690] =	vst v63  }
0x2a: {  	_ = 	snop  }
0x2b: {  	[spmem:s3] =	stream.indirect.scatter.add.f32 [tilespmem:s11], [sflag:$0x3], $0x10, s15, s14, $0xb8;
	[tilespmem:$0x5690] =	vst v63  }
0x2c: {  	_ = 	snop  }
0x2d: {  	[spmem:s3] =	stream.indirect.scatter.add.f32 [tilespmem:s11], [sflag:$0x4], $0x10, s16, s14, $0xb8;
	[tilespmem:$0x5690] =	vst v63  }
0x2e: {  	_ = 	snop  }
0x2f: {  	[spmem:s3] =	stream.indirect.scatter.add.f32 [tilespmem:s11], [sflag:$0x5], $0x10, s17, s14, $0xb8;
	[tilespmem:$0x5690] =	vst v63  }
0x30: {  	_ = 	snop  }
0x31: {  	[spmem:s3] =	stream.indirect.scatter.add.f32 [tilespmem:s11], [sflag:$0x6], $0x10, s18, s14, $0xb8;
	[tilespmem:$0x5690] =	vst v63  }
0x32: {  	_ =	swait.ge [sflag:s19], $0x800  }
0x33: {  	[sflag:s19] =	ssyncset.done $0x0  }
0x34: {  	s28 =	simm.s32 $0x300;
	[sflag:s19] =	ssyncadd.s32 $0xFFFFF800  }
0x35: {  	[spmem:s3] =	stream.indirect.scatter.add.f32 [tilespmem:s11], [sflag:$0x1], $0x10, s28, s14, $0xb8;
	[tilespmem:$0x5690] =	vst v63  }
0x36: {  	_ =	swait.ge [sflag:s20], $0x800  }
0x37: {  	[sflag:s20] =	ssyncset.done $0x0  }
0x38: {  	s28 =	simm.s32 $0x380;
	[sflag:s20] =	ssyncadd.s32 $0xFFFFF800  }
0x39: {  	[spmem:s3] =	stream.indirect.scatter.add.f32 [tilespmem:s11], [sflag:$0x2], $0x10, s28, s14, $0xb8;
	[tilespmem:$0x5690] =	vst v63  }
0x3a: {  	_ =	swait.ge [sflag:s21], $0x800  }
0x3b: {  	[sflag:s21] =	ssyncset.done $0x0  }
0x3c: {  	s28 =	simm.s32 $0x400;
	[sflag:s21] =	ssyncadd.s32 $0xFFFFF800  }
0x3d: {  	[spmem:s3] =	stream.indirect.scatter.add.f32 [tilespmem:s11], [sflag:$0x3], $0x10, s28, s14, $0xb8;
	[tilespmem:$0x5690] =	vst v63  }
0x3e: {  	_ =	swait.ge [sflag:s22], $0x800  }
0x3f: {  	[sflag:s22] =	ssyncset.done $0x0  }
0x40: {  	s28 =	simm.s32 $0x480;
	[sflag:s22] =	ssyncadd.s32 $0xFFFFF800  }
0x41: {  	[spmem:s3] =	stream.indirect.scatter.add.f32 [tilespmem:s11], [sflag:$0x4], $0x10, s28, s14, $0xb8;
	[tilespmem:$0x5690] =	vst v63  }
0x42: {  	_ =	swait.ge [sflag:s23], $0x800  }
0x43: {  	[sflag:s23] =	ssyncset.done $0x0  }
0x44: {  	s28 =	simm.s32 $0x500;
	[sflag:s23] =	ssyncadd.s32 $0xFFFFF800  }
0x45: {  	[spmem:s3] =	stream.indirect.scatter.add.f32 [tilespmem:s11], [sflag:$0x5], $0x10, s28, s14, $0xb8;
	[tilespmem:$0x5690] =	vst v63  }
0x46: {  	_ =	swait.ge [sflag:s24], $0x800  }
0x47: {  	[sflag:s24] =	ssyncset.done $0x0  }
0x48: {  	s29 =	simm.s32 $0x580;
	s28 =	simm.s32 $0xC00;
	[sflag:s24] =	ssyncadd.s32 $0xFFFFF800  }
.LBB2_2:
0x49: {  	[spmem:s3] =	stream.indirect.scatter.add.f32 [tilespmem:s11], [sflag:$0x6], $0x10, s29, s14, $0xb8;
	[tilespmem:$0x5690] =	vst v63  }
0x4a: {  	s29 =	smov.u32 s28  }
0x4b: {  	p1 =	sne.s32 s28, $0x8400;
	s28 =	sadd.s32 $0xC00, s28;
	_ =	swait.ge [sflag:s19], $0x800  }
0x4c: {  	s29 =	sshra.s32 s29, $0x2;
	[sflag:s19] =	ssyncset.done $0x0  }
0x4d: {  	s30 =	sadd.s32 $0x300, s29;
	[sflag:s19] =	ssyncadd.s32 $0xFFFFF800  }
0x4e: {  	[spmem:s3] =	stream.indirect.scatter.add.f32 [tilespmem:s11], [sflag:$0x1], $0x10, s30, s14, $0xb8;
	[tilespmem:$0x5690] =	vst v63  }
0x4f: {  	_ =	swait.ge [sflag:s20], $0x800  }
0x50: {  	[sflag:s20] =	ssyncset.done $0x0  }
0x51: {  	s30 =	sadd.s32 $0x380, s29;
	[sflag:s20] =	ssyncadd.s32 $0xFFFFF800  }
0x52: {  	[spmem:s3] =	stream.indirect.scatter.add.f32 [tilespmem:s11], [sflag:$0x2], $0x10, s30, s14, $0xb8;
	[tilespmem:$0x5690] =	vst v63  }
0x53: {  	_ =	swait.ge [sflag:s21], $0x800  }
0x54: {  	[sflag:s21] =	ssyncset.done $0x0  }
0x55: {  	s30 =	sadd.s32 $0x400, s29;
	[sflag:s21] =	ssyncadd.s32 $0xFFFFF800  }
0x56: {  	[spmem:s3] =	stream.indirect.scatter.add.f32 [tilespmem:s11], [sflag:$0x3], $0x10, s30, s14, $0xb8;
	[tilespmem:$0x5690] =	vst v63  }
0x57: {  	_ =	swait.ge [sflag:s22], $0x800  }
0x58: {  	[sflag:s22] =	ssyncset.done $0x0  }
0x59: {  	s30 =	sadd.s32 $0x480, s29;
	[sflag:s22] =	ssyncadd.s32 $0xFFFFF800  }
0x5a: {  	[spmem:s3] =	stream.indirect.scatter.add.f32 [tilespmem:s11], [sflag:$0x4], $0x10, s30, s14, $0xb8;
	[tilespmem:$0x5690] =	vst v63  }
0x5b: {  	_ =	swait.ge [sflag:s23], $0x800  }
0x5c: {  	[sflag:s23] =	ssyncset.done $0x0  }
.Ltmp0:
0x5d: {  	s30 =	sadd.s32 $0x500, s29;
	[sflag:s23] =	ssyncadd.s32 $0xFFFFF800;
	(pc) =	sbr.rel @p1 .LBB2_2-.Ltmp0, $4  }
0x5e: {  	[spmem:s3] =	stream.indirect.scatter.add.f32 [tilespmem:s11], [sflag:$0x5], $0x10, s30, s14, $0xb8;
	[tilespmem:$0x5690] =	vst v63  }
0x5f: {  	_ =	swait.ge [sflag:s24], $0x800  }
0x60: {  	[sflag:s24] =	ssyncset.done $0x0  }
0x61: {  	s29 =	sadd.s32 $0x580, s29;
	[sflag:s24] =	ssyncadd.s32 $0xFFFFF800  }
0x62: {  	[spmem:s3] =	stream.indirect.scatter.add.f32 [tilespmem:s11], [sflag:$0x6], $0x10, s29, s14, $0xb8;
	[tilespmem:$0x5690] =	vst v63  }
0x63: {  	_ =	swait.ge [sflag:s19], $0x800  }
0x64: {  	[sflag:s19] =	ssyncset.done $0x0  }
0x65: {  	[sflag:s19] =	ssyncadd.s32 $0xFFFFF800  }
0x66: {  	_ =	swait.ge [sflag:s20], $0x800  }
0x67: {  	[sflag:s20] =	ssyncset.done $0x0  }
0x68: {  	[sflag:s20] =	ssyncadd.s32 $0xFFFFF800  }
0x69: {  	_ =	swait.ge [sflag:s21], $0x800  }
0x6a: {  	[sflag:s21] =	ssyncset.done $0x0  }
0x6b: {  	[sflag:s21] =	ssyncadd.s32 $0xFFFFF800  }
0x6c: {  	_ =	swait.ge [sflag:s22], $0x800  }
0x6d: {  	[sflag:s22] =	ssyncset.done $0x0  }
0x6e: {  	[sflag:s22] =	ssyncadd.s32 $0xFFFFF800  }
0x6f: {  	_ =	swait.ge [sflag:s23], $0x800  }
0x70: {  	[sflag:s23] =	ssyncset.done $0x0  }
0x71: {  	[sflag:s23] =	ssyncadd.s32 $0xFFFFF800  }
0x72: {  	_ =	swait.ge [sflag:s24], $0x800  }
0x73: {  	s28 =	simm.s32 @!p0 $0x80;
	[sflag:s24] =	ssyncset.done $0x0  }
0x74: {  	s29 =	simm.s32 @!p0 $0x2700;
	s30 =	simm.s32 @!p0 $0x2780;
	[sflag:s24] =	ssyncadd.s32 $0xFFFFF800  }
0x75: {  	[spmem:s3] =	stream.indirect.scatter.add.f32 @!p0 [tilespmem:s30], [sflag:$0x7], $0x10, s29, s28, $0xb8;
	[tilespmem:$0x5690] =	vst v63  }
0x76: {  	s28 =	simm.s32 @!p0 $0x7  }
0x77: {  	_ =	swait.ge @!p0 [sflag:s28], $0x800  }
0x78: {  	s26 =	sadd.s32 $0x1, s26;
	[sflag:s28] =	ssyncset.done @!p0 $0x0  }
0x79: {  	p1 =	sne.s32 s26, s9;
	[sflag:s28] =	ssyncadd.s32 @!p0 $0xFFFFF800  }
.Ltmp1:
0x7a: {  	[bflag:$0x0] =	sbarrier.arrive $0xFFFF;
	(pc) =	sbr.rel @p1 .LBB2_1-.Ltmp1, $4  }
0x7b: {  	[hbm:s8@s25], [sflag:s12] =	dma.strided [spmem:s13@s20], $0x4E2, s19, $0x2   }
0x7c: {  	_ =	swait.ge [sflag:s10], $0x4E2  }
0x7d: {  	[sflag:s10] =	ssyncset.done $0x0  }
0x7e: {  	[sflag:s10] =	ssyncadd.s32 $0xFFFFFB1E  }
0x7f: {  	_ =	sfence.sel $0x180000  }
0x80: {  	[bflag:$0x0] =	sbarrier.arrive $0xFFFF  }
0x81: {  	p0 =	sne.s32 s2, $0x0;
	_ =	strace $0x90000047  }
0x82: {  	s0 =	sadd.s32 @!p0 $0x100000, s0;
	[bflag:$0x2] =	sbarrier.arrive $0xFFFF  }
0x83: {  	[sflag:s0] =	ssyncadd.tile.s32 @!p0 $0x1;
	_ =	shalt  }
.Lfunc_end2:
_tile_overlayer_lowered:
.L_overlay_start_2:
0x84: {  	(tag) =	ssettag $0x2  }
0x85: {  	s0 =	rddreg [dreg:$0x0];
	s2 =	stileid.u32  }
0x86: {  	s1 =	rddreg [dreg:$0x1];
	p0 =	sne.s32 s2, $0x0  }
0x87: {  	s3 =	rddreg [dreg:$0x2];
	[bflag:$0x3] =	sbarrier.arrive $0xFFFF;
	s2 =	simm.s32 @!p0 $0x1C07  }
0x88: {  	[timem:s3], [sflag:s2] =	dma.local @!p0 [hbm:s0], s1  }
0x89: {  	s0 =	simm.s32 @!p0 $0x7  }
0x8a: {  	_ =	swait.ge @!p0 [sflag:s0], s1  }
0x8b: {  	s1 =	ssub.s32 @!p0 $0x0, s1;
	[sflag:s0] =	ssyncset.done @!p0 $0x0  }
0x8c: {  	[sflag:s0] =	ssyncadd.s32 @!p0 s1  }
0x8d: {  	[bflag:$0x3] =	sbarrier.arrive $0xFFFF  }
0x8e: {  	_ =	shalt  }

</sc_bundles>
